<compile_context>
chip_gen: v7x
topology: tpu7x:2x2x1
jax: 0.10.2.dev20260603
libtpu: 0.0.44.dev20260713+nightly
codegen_flags: <defaults>
</compile_context>

<pallas_src>
import functools

import jax
import jax.numpy as jnp
from jax import lax
from jax.experimental import pallas as pl
from jax.experimental.pallas import tpu as pltpu
from jax.experimental.pallas import tpu_sc as plsc

B = 16384
D = 64
V = 1000000
BLKV = 4096
NB4 = 61
NQ = BLKV * NB4
T64 = 4 * NQ
NTAIL = V - T64


def _words(x_ref):
    x = x_ref[...]
    hb = lax.bitcast_convert_type(x[:32, :].astype(jnp.bfloat16),
                                  jnp.uint16).astype(jnp.uint32)
    lb = lax.bitcast_convert_type(x[32:, :].astype(jnp.bfloat16),
                                  jnp.uint16).astype(jnp.uint32)
    return lax.bitcast_convert_type((hb << 16) | lb, jnp.float32)


def _detile_body(q0_ref, q1_ref, q2_ref, q3_ref, o_ref):
    w = jnp.concatenate([_words(q0_ref), _words(q1_ref),
                         _words(q2_ref), _words(q3_ref)], axis=0)
    o_ref[...] = w.T


def _detile(table_t):
    return pl.pallas_call(
        _detile_body,
        grid=(NB4,),
        in_specs=[
            pl.BlockSpec((D, BLKV), lambda i: (0, i)),
            pl.BlockSpec((D, BLKV), lambda i: (0, i + NB4)),
            pl.BlockSpec((D, BLKV), lambda i: (0, i + 2 * NB4)),
            pl.BlockSpec((D, BLKV), lambda i: (0, i + 3 * NB4)),
        ],
        out_specs=pl.BlockSpec((BLKV, 128), lambda i: (i, 0)),
        out_shape=jax.ShapeDtypeStruct((NQ, 128), jnp.float32),
        compiler_params=pltpu.CompilerParams(
            dimension_semantics=("arbitrary",)),
    )(table_t, table_t, table_t, table_t)


@functools.cache
def _make_sc_gather():
    info = plsc.get_sparse_core_info()
    NC, NS, L = info.num_cores, info.num_subcores, info.num_lanes
    NW = NC * NS
    bw = B // NW
    mesh = plsc.VectorSubcoreMesh(core_axis_name="c", subcore_axis_name="s")
    NCH = bw // 128

    @functools.partial(
        pl.kernel,
        mesh=mesh,
        out_type=jax.ShapeDtypeStruct((B, 128), jnp.float32),
        scratch_types=[
            pltpu.VMEM((bw,), jnp.int32),
            pltpu.VMEM((NCH, 128), jnp.int32),
            pltpu.VMEM((bw, 128), jnp.float32),
            pltpu.SemaphoreType.DMA,
        ],
        compiler_params=pltpu.CompilerParams(use_tc_tiling_on_sc=True),
    )
    def gather_kernel(packed, idx_hbm, out_hbm, idx_v, q_v, rows_v, sem):
        wid = lax.axis_index("s") * NC + lax.axis_index("c")
        base = wid * bw
        pltpu.sync_copy(idx_hbm.at[pl.ds(base, bw)], idx_v)

        def qh_body(c, _):
            ids = idx_v[pl.ds(c * L, L)]
            g1 = jnp.where(ids >= NQ, 1, 0).astype(jnp.int32)
            g2 = jnp.where(ids >= 2 * NQ, 1, 0).astype(jnp.int32)
            g3 = jnp.where(ids >= 3 * NQ, 1, 0).astype(jnp.int32)
            q = ids - (g1 + g2 + g3) * NQ
            q_v[c // 8, pl.ds((c % 8) * L, L)] = jnp.minimum(q, NQ - 1)
            return ()

        lax.fori_loop(0, bw // L, qh_body, (), unroll=True)
        copies = [
            pltpu.async_copy(packed.at[q_v.at[k]],
                             rows_v.at[pl.ds(k * 128, 128)], sem)
            for k in range(NCH)
        ]
        for cp in copies:
            cp.wait()
        pltpu.sync_copy(rows_v, out_hbm.at[pl.ds(base, bw)])

    return gather_kernel


def _mlp_body(wide_ref, code_ref, tail_ref, f_ref,
              W1_ref, b1_ref, W2_ref, b2_ref, W3a_ref, W3b_ref, b3_ref,
              g_ref, be_ref, W4_ref, b4_ref, o_ref):
    w = wide_ref[...]
    cu = code_ref[...]
    tm = cu >= 3.5
    c2 = cu - jnp.where(tm, 4.0, 0.0)
    pm = c2 >= 1.5
    c3 = c2 - jnp.where(pm, 2.0, 0.0)
    hm = c3 >= 0.5
    a64 = jnp.where(pm, w[:, 64:], w[:, :64])
    a32 = jnp.where(hm, a64[:, 32:], a64[:, :32])
    u = lax.bitcast_convert_type(a32, jnp.uint32)
    e_hi = lax.bitcast_convert_type(u & jnp.uint32(0xFFFF0000),
                                    jnp.float32)
    e_lo = lax.bitcast_convert_type(u << 16, jnp.float32)
    id_emb = jnp.concatenate([e_hi, e_lo], axis=1)
    id_emb = jnp.where(tm, tail_ref[...], id_emb)
    f = f_ref[...]
    h = jnp.maximum(
        jnp.dot(f, W1_ref[...], preferred_element_type=jnp.float32)
        + b1_ref[...], 0.0)
    fe = jnp.dot(h, W2_ref[...], preferred_element_type=jnp.float32) \
        + b2_ref[...]
    x = (jnp.dot(id_emb, W3a_ref[...], preferred_element_type=jnp.float32)
         + jnp.dot(fe, W3b_ref[...], preferred_element_type=jnp.float32)
         + b3_ref[...])
    mu = jnp.mean(x, axis=-1, keepdims=True)
    xc = x - mu
    var = jnp.mean(xc * xc, axis=-1, keepdims=True)
    x = g_ref[...] * xc * lax.rsqrt(var + 1e-5) + be_ref[...]
    x = jnp.maximum(x, 0.0)
    out = jnp.dot(x, W4_ref[...], preferred_element_type=jnp.float32) \
        + b4_ref[...]
    n2 = jnp.sum(out * out, axis=-1, keepdims=True)
    inv = 1.0 / jnp.maximum(jnp.sqrt(n2), 1e-12)
    o_ref[...] = out * inv


def _tc_mlp(wide, code, tail_emb, feats, W1, b1, W2, b2,
            W3a, W3b, b3, gamma, beta, W4, b4):
    BLK = 2048
    grid = (B // BLK,)
    F = feats.shape[1]

    row_spec = lambda w: pl.BlockSpec((BLK, w), lambda i: (i, 0))
    full = lambda a: pl.BlockSpec(a.shape, lambda i: (0,) * a.ndim)

    return pl.pallas_call(
        _mlp_body,
        grid=grid,
        in_specs=[
            row_spec(128), row_spec(1),
            row_spec(D), row_spec(F),
            full(W1), full(b1), full(W2), full(b2),
            full(W3a), full(W3b), full(b3),
            full(gamma), full(beta), full(W4), full(b4),
        ],
        out_specs=row_spec(D),
        out_shape=jax.ShapeDtypeStruct((B, D), jnp.float32),
        compiler_params=pltpu.CompilerParams(
            dimension_semantics=("arbitrary",)),
    )(wide, code, tail_emb, feats, W1, b1, W2, b2, W3a, W3b,
      b3, gamma, beta, W4, b4)


def kernel(user_ids, user_features, emb_table, W1, b1, W2, b2, W3, b3,
           gamma, beta, W4, b4):
    packed = _detile(emb_table.T)
    wide = _make_sc_gather()(packed, user_ids)
    g1 = (user_ids >= NQ).astype(jnp.int32)
    g2 = (user_ids >= 2 * NQ).astype(jnp.int32)
    g3 = (user_ids >= 3 * NQ).astype(jnp.int32)
    gt = (user_ids >= T64).astype(jnp.int32)
    hsel = g1 - g2 + g3
    code = (hsel + 2 * g2 + 4 * gt).astype(jnp.float32).reshape(B, 1)
    toff = user_ids - T64
    oh = (toff[:, None] == jnp.arange(NTAIL)[None, :]).astype(jnp.bfloat16)
    tail_emb = jnp.dot(oh, emb_table[T64:].astype(jnp.bfloat16),
                       preferred_element_type=jnp.float32)
    b1r = b1.reshape(1, -1)
    b2r = b2.reshape(1, -1)
    b3r = b3.reshape(1, -1)
    b4r = b4.reshape(1, -1)
    gr = gamma.reshape(1, -1)
    br = beta.reshape(1, -1)
    W3a = W3[:D]
    W3b = W3[D:]
    return _tc_mlp(wide, code, tail_emb, user_features, W1,
                   b1r, W2, b2r, W3a, W3b, b3r, gr, br, W4, b4r)

# --- scband reference (transcript-rebuilt; emitter-appended) ---
"""Pipeline reference for scband-user-encoder-89352499626049 (READ-ONLY COPY).

The authoritative reference and input builder live on the scoring server;
editing this copy changes nothing except your own understanding.
"""

import jax, jax.numpy as jnp
import numpy as np

B = 16384
V = 1000000
D = 64
F = 20

def setup_inputs(seed: int = 0) -> dict:
    key = jax.random.key(seed)
    ks = jax.random.split(key, 8)
    user_ids = jax.random.randint(ks[0], (B,), 0, V)
    user_features = jax.random.normal(ks[1], (B, F), dtype=jnp.float32)
    emb_table = jax.random.normal(ks[2], (V, D), dtype=jnp.float32) * 0.02
    W1 = jax.random.normal(ks[3], (F, 64), dtype=jnp.float32) * 0.1
    b1 = jnp.zeros((64,), dtype=jnp.float32)
    W2 = jax.random.normal(ks[4], (64, D), dtype=jnp.float32) * 0.1
    b2 = jnp.zeros((D,), dtype=jnp.float32)
    W3 = jax.random.normal(ks[5], (2 * D, D), dtype=jnp.float32) * 0.1
    b3 = jnp.zeros((D,), dtype=jnp.float32)
    gamma = jnp.ones((D,), dtype=jnp.float32)
    beta = jnp.zeros((D,), dtype=jnp.float32)
    W4 = jax.random.normal(ks[6], (D, D), dtype=jnp.float32) * 0.1
    b4 = jnp.zeros((D,), dtype=jnp.float32)
    return {"user_ids": user_ids, "user_features": user_features, "emb_table": emb_table,
            "W1": W1, "b1": b1, "W2": W2, "b2": b2, "W3": W3, "b3": b3,
            "gamma": gamma, "beta": beta, "W4": W4, "b4": b4}

def reference(user_ids, user_features, emb_table, W1, b1, W2, b2, W3, b3, gamma, beta, W4, b4):
    # id embedding lookup (SparseCore gather)
    id_emb = jnp.take(emb_table, user_ids, axis=0)
    # feature_net: Linear -> ReLU -> Linear
    h = jnp.maximum(user_features @ W1 + b1, 0.0)
    feat_emb = h @ W2 + b2
    # fuse
    fused = jnp.concatenate([id_emb, feat_emb], axis=1)
    # fc: Linear -> LayerNorm -> ReLU -> Dropout(eval=identity) -> Linear
    x = fused @ W3 + b3
    mu = jnp.mean(x, axis=-1, keepdims=True)
    var = jnp.mean((x - mu) ** 2, axis=-1, keepdims=True)
    x = gamma * (x - mu) / jnp.sqrt(var + 1e-5) + beta
    x = jnp.maximum(x, 0.0)
    out = x @ W4 + b4
    # F.normalize(p=2, dim=1)
    norm = jnp.maximum(jnp.linalg.norm(out, axis=1, keepdims=True), 1e-12)
    return out / norm

if __name__ == "__main__":
    import jax
    _d = setup_inputs()
    print(jax.jit(kernel)(*tuple(_d.values())))

</pallas_src>

<mosaic_0001>
#map = affine_map<(d0, d1) -> (0, 0)>
#map1 = affine_map<(d0, d1) -> (0)>
module attributes {stable_mosaic.version = 14 : i64} {
  func.func @gather_kernel(%arg0: i32, %arg1: i32, %arg2: memref<249856x128xf32, #tpu.memory_space<hbm>>, %arg3: memref<16384xi32, #tpu.memory_space<hbm>>, %arg4: memref<16384x128xf32, #tpu.memory_space<hbm>>, %arg5: memref<512xi32, #tpu.memory_space<vmem>>, %arg6: memref<4x128xi32, #tpu.memory_space<vmem>>, %arg7: memref<512x128xf32, #tpu.memory_space<vmem>>, %arg8: memref<!tpu.dma_semaphore, #tpu.memory_space<semaphore_mem>>) attributes {dimension_semantics = [#tpu.dimension_semantics<core_parallel>, #tpu.dimension_semantics<subcore_parallel>], iteration_bounds = array<i64: 2, 16>, scalar_prefetch = 0 : i64, scratch_operands = 4 : i64, tpu.core_type = #tpu.core_type<sc_vector_subcore>, window_params = [{transform_indices = #map}, {transform_indices = #map1}, {transform_indices = #map}]} {
    %mul3A = arith.constant 2 : i32
    %mul3A_0 = arith.muli %arg1, %mul3A : i32
    %add3A = arith.addi %mul3A_0, %arg0 : i32
    %mul3A_1 = arith.constant 512 : i32
    %mul3A_2 = arith.muli %add3A, %mul3A_1 : i32
    "tpu.region"() ({
      %run_scoped3A = tpu.sem_alloc : memref<!tpu.dma_semaphore, #tpu.memory_space<semaphore_mem>>
      %dma_start3A_2818 = tpu.memref_slice %arg3[%mul3A_2] : memref<16384xi32, #tpu.memory_space<hbm>> -> memref<512xi32, #tpu.memory_space<hbm>>
      %dma_start3A_2819 = tpu.memref_slice %arg3[%mul3A_2] : memref<16384xi32, #tpu.memory_space<hbm>> -> memref<512xi32, #tpu.memory_space<hbm>>
      tpu.enqueue_dma source(%dma_start3A_2819 : memref<512xi32, #tpu.memory_space<hbm>>) target(%arg5 : memref<512xi32, #tpu.memory_space<vmem>>) target_semaphore(%run_scoped3A : memref<!tpu.dma_semaphore, #tpu.memory_space<semaphore_mem>>)
      %dma_wait3A_2820 = tpu.memref_slice %arg3[%mul3A_2] : memref<16384xi32, #tpu.memory_space<hbm>> -> memref<512xi32, #tpu.memory_space<hbm>>
      %dma_wait3A_2821 = tpu.memref_slice %arg3[%mul3A_2] : memref<16384xi32, #tpu.memory_space<hbm>> -> memref<512xi32, #tpu.memory_space<hbm>>
      tpu.wait_dma2 semaphore(%run_scoped3A : memref<!tpu.dma_semaphore, #tpu.memory_space<semaphore_mem>>) src(%dma_wait3A_2821 : memref<512xi32, #tpu.memory_space<hbm>>) dst(%arg5 : memref<512xi32, #tpu.memory_space<vmem>>)
      tpu.yield
    }) : () -> ()
    %scan3A = arith.constant 0 : i32
    %mul3A_3 = arith.constant 16 : i32
    %mul3A_4 = arith.muli %scan3A, %mul3A_3 : i32
    %get3A = arith.index_cast %mul3A_4 : i32 to index
    %get3A_5 = tpu.vector_load %arg5[%get3A] {strides = array<i32>} : memref<512xi32, #tpu.memory_space<vmem>>, vector<16xi32>,
    %get3A_6 = vector.shape_cast %get3A_5 : vector<16xi32> to vector<16xi32>
    %ge3A = arith.constant 249856 : i32
    %ge3A_7 = vector.broadcast %ge3A : i32 to vector<16xi32>
    %ge3A_8 = arith.cmpi sge, %get3A_6, %ge3A_7 : vector<16xi32>
    %jit3A = arith.constant 1 : i32
    %jit3A_9 = arith.constant 0 : i32
    %broadcast_in_dim3A = vector.broadcast %jit3A : i32 to vector<16xi32>
    %broadcast_in_dim3A_10 = vector.broadcast %jit3A_9 : i32 to vector<16xi32>
    %select_n3A = arith.select %ge3A_8, %broadcast_in_dim3A, %broadcast_in_dim3A_10 : vector<16xi1>, vector<16xi32>
    %ge3A_11 = arith.constant 499712 : i32
    %ge3A_12 = vector.broadcast %ge3A_11 : i32 to vector<16xi32>
    %ge3A_13 = arith.cmpi sge, %get3A_6, %ge3A_12 : vector<16xi32>
    %jit3A_14 = arith.constant 1 : i32
    %jit3A_15 = arith.constant 0 : i32
    %broadcast_in_dim3A_16 = vector.broadcast %jit3A_14 : i32 to vector<16xi32>
    %broadcast_in_dim3A_17 = vector.broadcast %jit3A_15 : i32 to vector<16xi32>
    %select_n3A_18 = arith.select %ge3A_13, %broadcast_in_dim3A_16, %broadcast_in_dim3A_17 : vector<16xi1>, vector<16xi32>
    %ge3A_19 = arith.constant 749568 : i32
    %ge3A_20 = vector.broadcast %ge3A_19 : i32 to vector<16xi32>
    %ge3A_21 = arith.cmpi sge, %get3A_6, %ge3A_20 : vector<16xi32>
    %jit3A_22 = arith.constant 1 : i32
    %jit3A_23 = arith.constant 0 : i32
    %broadcast_in_dim3A_24 = vector.broadcast %jit3A_22 : i32 to vector<16xi32>
    %broadcast_in_dim3A_25 = vector.broadcast %jit3A_23 : i32 to vector<16xi32>
    %select_n3A_26 = arith.select %ge3A_21, %broadcast_in_dim3A_24, %broadcast_in_dim3A_25 : vector<16xi1>, vector<16xi32>
    %add3A_27 = arith.addi %select_n3A, %select_n3A_18 : vector<16xi32>
    %add3A_28 = arith.addi %add3A_27, %select_n3A_26 : vector<16xi32>
    %mul3A_29 = arith.constant 249856 : i32
    %mul3A_30 = vector.broadcast %mul3A_29 : i32 to vector<16xi32>
    %mul3A_31 = arith.muli %add3A_28, %mul3A_30 : vector<16xi32>
    %sub3A = arith.subi %get3A_6, %mul3A_31 : vector<16xi32>
    %min3A = arith.constant 249855 : i32
    %min3A_32 = vector.broadcast %min3A : i32 to vector<16xi32>
    %min3A_33 = arith.minsi %sub3A, %min3A_32 : vector<16xi32>
    %jit3A_34 = arith.constant 8 : i32
    %div3A = arith.divsi %scan3A, %jit3A_34 : i32
    %sign3A = arith.constant 0 : i32
    %sign3A_35 = arith.cmpi sgt, %scan3A, %sign3A : i32
    %sign3A_36 = arith.extui %sign3A_35 : i1 to i32
    %sign3A_37 = arith.constant 0 : i32
    %sign3A_38 = arith.cmpi slt, %scan3A, %sign3A_37 : i32
    %sign3A_39 = arith.extui %sign3A_38 : i1 to i32
    %sign3A_40 = arith.subi %sign3A_36, %sign3A_39 : i32
    %sign3A_41 = arith.constant 0 : i32
    %sign3A_42 = arith.cmpi sgt, %jit3A_34, %sign3A_41 : i32
    %sign3A_43 = arith.extui %sign3A_42 : i1 to i32
    %sign3A_44 = arith.constant 0 : i32
    %sign3A_45 = arith.cmpi slt, %jit3A_34, %sign3A_44 : i32
    %sign3A_46 = arith.extui %sign3A_45 : i1 to i32
    %sign3A_47 = arith.subi %sign3A_43, %sign3A_46 : i32
    %ne3A = arith.cmpi ne, %sign3A_40, %sign3A_47 : i32
    %rem3A = arith.remsi %scan3A, %jit3A_34 : i32
    %ne3A_48 = arith.constant 0 : i32
    %ne3A_49 = arith.cmpi ne, %rem3A, %ne3A_48 : i32
    %and3A = arith.andi %ne3A, %ne3A_49 : i1
    %sub3A_50 = arith.constant 1 : i32
    %sub3A_51 = arith.subi %div3A, %sub3A_50 : i32
    %select_n3A_52 = arith.select %and3A, %sub3A_51, %div3A : i32
    %jit3A_53 = arith.constant 8 : i32
    %eq3A = arith.constant 0 : i32
    %eq3A_54 = arith.cmpi eq, %jit3A_53, %eq3A : i32
    %jit3A_55 = arith.constant 1 : i32
    %select_n3A_56 = arith.select %eq3A_54, %jit3A_55, %jit3A_53 : i32
    %rem3A_57 = arith.remsi %scan3A, %select_n3A_56 : i32
    %ne3A_58 = arith.constant 0 : i32
    %ne3A_59 = arith.cmpi ne, %rem3A_57, %ne3A_58 : i32
    %lt3A = arith.constant 0 : i32
    %lt3A_60 = arith.cmpi slt, %rem3A_57, %lt3A : i32
    %lt3A_61 = arith.constant 0 : i32
    %lt3A_62 = arith.cmpi slt, %select_n3A_56, %lt3A_61 : i32
    %ne3A_63 = arith.xori %lt3A_60, %lt3A_62 : i1
    %and3A_64 = arith.andi %ne3A_63, %ne3A_59 : i1
    %add3A_65 = arith.addi %rem3A_57, %select_n3A_56 : i32
    %select_n3A_66 = arith.select %and3A_64, %add3A_65, %rem3A_57 : i32
    %mul3A_67 = arith.constant 16 : i32
    %mul3A_68 = arith.muli %select_n3A_66, %mul3A_67 : i32
    %swap3A = arith.index_cast %select_n3A_52 : i32 to index
    %swap3A_69 = arith.index_cast %mul3A_68 : i32 to index
    %swap3A_70 = tpu.vector_load %arg6[%swap3A, %swap3A_69] {strides = array<i32>} : memref<4x128xi32, #tpu.memory_space<vmem>>, vector<1x16xi32>,
    %swap3A_71 = vector.shape_cast %swap3A_70 : vector<1x16xi32> to vector<16xi32>
    %swap3A_72 = vector.shape_cast %min3A_33 : vector<16xi32> to vector<1x16xi32>
    tpu.vector_store %arg6[%swap3A, %swap3A_69], %swap3A_72 {strides = array<i32>} : memref<4x128xi32, #tpu.memory_space<vmem>>, vector<1x16xi32>,
    %scan3A_73 = arith.constant 1 : i32
    %mul3A_74 = arith.constant 16 : i32
    %mul3A_75 = arith.muli %scan3A_73, %mul3A_74 : i32
    %get3A_76 = arith.index_cast %mul3A_75 : i32 to index
    %get3A_77 = tpu.vector_load %arg5[%get3A_76] {strides = array<i32>} : memref<512xi32, #tpu.memory_space<vmem>>, vector<16xi32>,
    %get3A_78 = vector.shape_cast %get3A_77 : vector<16xi32> to vector<16xi32>
    %ge3A_79 = arith.constant 249856 : i32
    %ge3A_80 = vector.broadcast %ge3A_79 : i32 to vector<16xi32>
    %ge3A_81 = arith.cmpi sge, %get3A_78, %ge3A_80 : vector<16xi32>
    %jit3A_82 = arith.constant 1 : i32
    %jit3A_83 = arith.constant 0 : i32
    %broadcast_in_dim3A_84 = vector.broadcast %jit3A_82 : i32 to vector<16xi32>
    %broadcast_in_dim3A_85 = vector.broadcast %jit3A_83 : i32 to vector<16xi32>
    %select_n3A_86 = arith.select %ge3A_81, %broadcast_in_dim3A_84, %broadcast_in_dim3A_85 : vector<16xi1>, vector<16xi32>
    %ge3A_87 = arith.constant 499712 : i32
    %ge3A_88 = vector.broadcast %ge3A_87 : i32 to vector<16xi32>
    %ge3A_89 = arith.cmpi sge, %get3A_78, %ge3A_88 : vector<16xi32>
    %jit3A_90 = arith.constant 1 : i32
    %jit3A_91 = arith.constant 0 : i32
    %broadcast_in_dim3A_92 = vector.broadcast %jit3A_90 : i32 to vector<16xi32>
    %broadcast_in_dim3A_93 = vector.broadcast %jit3A_91 : i32 to vector<16xi32>
    %select_n3A_94 = arith.select %ge3A_89, %broadcast_in_dim3A_92, %broadcast_in_dim3A_93 : vector<16xi1>, vector<16xi32>
    %ge3A_95 = arith.constant 749568 : i32
    %ge3A_96 = vector.broadcast %ge3A_95 : i32 to vector<16xi32>
    %ge3A_97 = arith.cmpi sge, %get3A_78, %ge3A_96 : vector<16xi32>
    %jit3A_98 = arith.constant 1 : i32
    %jit3A_99 = arith.constant 0 : i32
    %broadcast_in_dim3A_100 = vector.broadcast %jit3A_98 : i32 to vector<16xi32>
    %broadcast_in_dim3A_101 = vector.broadcast %jit3A_99 : i32 to vector<16xi32>
    %select_n3A_102 = arith.select %ge3A_97, %broadcast_in_dim3A_100, %broadcast_in_dim3A_101 : vector<16xi1>, vector<16xi32>
    %add3A_103 = arith.addi %select_n3A_86, %select_n3A_94 : vector<16xi32>
    %add3A_104 = arith.addi %add3A_103, %select_n3A_102 : vector<16xi32>
    %mul3A_105 = arith.constant 249856 : i32
    %mul3A_106 = vector.broadcast %mul3A_105 : i32 to vector<16xi32>
    %mul3A_107 = arith.muli %add3A_104, %mul3A_106 : vector<16xi32>
    %sub3A_108 = arith.subi %get3A_78, %mul3A_107 : vector<16xi32>
    %min3A_109 = arith.constant 249855 : i32
    %min3A_110 = vector.broadcast %min3A_109 : i32 to vector<16xi32>
    %min3A_111 = arith.minsi %sub3A_108, %min3A_110 : vector<16xi32>
    %jit3A_112 = arith.constant 8 : i32
    %div3A_113 = arith.divsi %scan3A_73, %jit3A_112 : i32
    %sign3A_114 = arith.constant 0 : i32
    %sign3A_115 = arith.cmpi sgt, %scan3A_73, %sign3A_114 : i32
    %sign3A_116 = arith.extui %sign3A_115 : i1 to i32
    %sign3A_117 = arith.constant 0 : i32
    %sign3A_118 = arith.cmpi slt, %scan3A_73, %sign3A_117 : i32
    %sign3A_119 = arith.extui %sign3A_118 : i1 to i32
    %sign3A_120 = arith.subi %sign3A_116, %sign3A_119 : i32
    %sign3A_121 = arith.constant 0 : i32
    %sign3A_122 = arith.cmpi sgt, %jit3A_112, %sign3A_121 : i32
    %sign3A_123 = arith.extui %sign3A_122 : i1 to i32
    %sign3A_124 = arith.constant 0 : i32
    %sign3A_125 = arith.cmpi slt, %jit3A_112, %sign3A_124 : i32
    %sign3A_126 = arith.extui %sign3A_125 : i1 to i32
    %sign3A_127 = arith.subi %sign3A_123, %sign3A_126 : i32
    %ne3A_128 = arith.cmpi ne, %sign3A_120, %sign3A_127 : i32
    %rem3A_129 = arith.remsi %scan3A_73, %jit3A_112 : i32
    %ne3A_130 = arith.constant 0 : i32
    %ne3A_131 = arith.cmpi ne, %rem3A_129, %ne3A_130 : i32
    %and3A_132 = arith.andi %ne3A_128, %ne3A_131 : i1
    %sub3A_133 = arith.constant 1 : i32
    %sub3A_134 = arith.subi %div3A_113, %sub3A_133 : i32
    %select_n3A_135 = arith.select %and3A_132, %sub3A_134, %div3A_113 : i32
    %jit3A_136 = arith.constant 8 : i32
    %eq3A_137 = arith.constant 0 : i32
    %eq3A_138 = arith.cmpi eq, %jit3A_136, %eq3A_137 : i32
    %jit3A_139 = arith.constant 1 : i32
    %select_n3A_140 = arith.select %eq3A_138, %jit3A_139, %jit3A_136 : i32
    %rem3A_141 = arith.remsi %scan3A_73, %select_n3A_140 : i32
    %ne3A_142 = arith.constant 0 : i32
    %ne3A_143 = arith.cmpi ne, %rem3A_141, %ne3A_142 : i32
    %lt3A_144 = arith.constant 0 : i32
    %lt3A_145 = arith.cmpi slt, %rem3A_141, %lt3A_144 : i32
    %lt3A_146 = arith.constant 0 : i32
    %lt3A_147 = arith.cmpi slt, %select_n3A_140, %lt3A_146 : i32
    %ne3A_148 = arith.xori %lt3A_145, %lt3A_147 : i1
    %and3A_149 = arith.andi %ne3A_148, %ne3A_143 : i1
    %add3A_150 = arith.addi %rem3A_141, %select_n3A_140 : i32
    %select_n3A_151 = arith.select %and3A_149, %add3A_150, %rem3A_141 : i32
    %mul3A_152 = arith.constant 16 : i32
    %mul3A_153 = arith.muli %select_n3A_151, %mul3A_152 : i32
    %swap3A_154 = arith.index_cast %select_n3A_135 : i32 to index
    %swap3A_155 = arith.index_cast %mul3A_153 : i32 to index
    %swap3A_156 = tpu.vector_load %arg6[%swap3A_154, %swap3A_155] {strides = array<i32>} : memref<4x128xi32, #tpu.memory_space<vmem>>, vector<1x16xi32>,
    %swap3A_157 = vector.shape_cast %swap3A_156 : vector<1x16xi32> to vector<16xi32>
    %swap3A_158 = vector.shape_cast %min3A_111 : vector<16xi32> to vector<1x16xi32>
    tpu.vector_store %arg6[%swap3A_154, %swap3A_155], %swap3A_158 {strides = array<i32>} : memref<4x128xi32, #tpu.memory_space<vmem>>, vector<1x16xi32>,
    %scan3A_159 = arith.constant 2 : i32
    %mul3A_160 = arith.constant 16 : i32
    %mul3A_161 = arith.muli %scan3A_159, %mul3A_160 : i32
    %get3A_162 = arith.index_cast %mul3A_161 : i32 to index
    %get3A_163 = tpu.vector_load %arg5[%get3A_162] {strides = array<i32>} : memref<512xi32, #tpu.memory_space<vmem>>, vector<16xi32>,
    %get3A_164 = vector.shape_cast %get3A_163 : vector<16xi32> to vector<16xi32>
    %ge3A_165 = arith.constant 249856 : i32
    %ge3A_166 = vector.broadcast %ge3A_165 : i32 to vector<16xi32>
    %ge3A_167 = arith.cmpi sge, %get3A_164, %ge3A_166 : vector<16xi32>
    %jit3A_168 = arith.constant 1 : i32
    %jit3A_169 = arith.constant 0 : i32
    %broadcast_in_dim3A_170 = vector.broadcast %jit3A_168 : i32 to vector<16xi32>
    %broadcast_in_dim3A_171 = vector.broadcast %jit3A_169 : i32 to vector<16xi32>
    %select_n3A_172 = arith.select %ge3A_167, %broadcast_in_dim3A_170, %broadcast_in_dim3A_171 : vector<16xi1>, vector<16xi32>
    %ge3A_173 = arith.constant 499712 : i32
    %ge3A_174 = vector.broadcast %ge3A_173 : i32 to vector<16xi32>
    %ge3A_175 = arith.cmpi sge, %get3A_164, %ge3A_174 : vector<16xi32>
    %jit3A_176 = arith.constant 1 : i32
    %jit3A_177 = arith.constant 0 : i32
    %broadcast_in_dim3A_178 = vector.broadcast %jit3A_176 : i32 to vector<16xi32>
    %broadcast_in_dim3A_179 = vector.broadcast %jit3A_177 : i32 to vector<16xi32>
    %select_n3A_180 = arith.select %ge3A_175, %broadcast_in_dim3A_178, %broadcast_in_dim3A_179 : vector<16xi1>, vector<16xi32>
    %ge3A_181 = arith.constant 749568 : i32
    %ge3A_182 = vector.broadcast %ge3A_181 : i32 to vector<16xi32>
    %ge3A_183 = arith.cmpi sge, %get3A_164, %ge3A_182 : vector<16xi32>
    %jit3A_184 = arith.constant 1 : i32
    %jit3A_185 = arith.constant 0 : i32
    %broadcast_in_dim3A_186 = vector.broadcast %jit3A_184 : i32 to vector<16xi32>
    %broadcast_in_dim3A_187 = vector.broadcast %jit3A_185 : i32 to vector<16xi32>
    %select_n3A_188 = arith.select %ge3A_183, %broadcast_in_dim3A_186, %broadcast_in_dim3A_187 : vector<16xi1>, vector<16xi32>
    %add3A_189 = arith.addi %select_n3A_172, %select_n3A_180 : vector<16xi32>
    %add3A_190 = arith.addi %add3A_189, %select_n3A_188 : vector<16xi32>
    %mul3A_191 = arith.constant 249856 : i32
    %mul3A_192 = vector.broadcast %mul3A_191 : i32 to vector<16xi32>
    %mul3A_193 = arith.muli %add3A_190, %mul3A_192 : vector<16xi32>
    %sub3A_194 = arith.subi %get3A_164, %mul3A_193 : vector<16xi32>
    %min3A_195 = arith.constant 249855 : i32
    %min3A_196 = vector.broadcast %min3A_195 : i32 to vector<16xi32>
    %min3A_197 = arith.minsi %sub3A_194, %min3A_196 : vector<16xi32>
    %jit3A_198 = arith.constant 8 : i32
    %div3A_199 = arith.divsi %scan3A_159, %jit3A_198 : i32
    %sign3A_200 = arith.constant 0 : i32
    %sign3A_201 = arith.cmpi sgt, %scan3A_159, %sign3A_200 : i32
    %sign3A_202 = arith.extui %sign3A_201 : i1 to i32
    %sign3A_203 = arith.constant 0 : i32
    %sign3A_204 = arith.cmpi slt, %scan3A_159, %sign3A_203 : i32
    %sign3A_205 = arith.extui %sign3A_204 : i1 to i32
    %sign3A_206 = arith.subi %sign3A_202, %sign3A_205 : i32
    %sign3A_207 = arith.constant 0 : i32
    %sign3A_208 = arith.cmpi sgt, %jit3A_198, %sign3A_207 : i32
    %sign3A_209 = arith.extui %sign3A_208 : i1 to i32
    %sign3A_210 = arith.constant 0 : i32
    %sign3A_211 = arith.cmpi slt, %jit3A_198, %sign3A_210 : i32
    %sign3A_212 = arith.extui %sign3A_211 : i1 to i32
    %sign3A_213 = arith.subi %sign3A_209, %sign3A_212 : i32
    %ne3A_214 = arith.cmpi ne, %sign3A_206, %sign3A_213 : i32
    %rem3A_215 = arith.remsi %scan3A_159, %jit3A_198 : i32
    %ne3A_216 = arith.constant 0 : i32
    %ne3A_217 = arith.cmpi ne, %rem3A_215, %ne3A_216 : i32
    %and3A_218 = arith.andi %ne3A_214, %ne3A_217 : i1
    %sub3A_219 = arith.constant 1 : i32
    %sub3A_220 = arith.subi %div3A_199, %sub3A_219 : i32
    %select_n3A_221 = arith.select %and3A_218, %sub3A_220, %div3A_199 : i32
    %jit3A_222 = arith.constant 8 : i32
    %eq3A_223 = arith.constant 0 : i32
    %eq3A_224 = arith.cmpi eq, %jit3A_222, %eq3A_223 : i32
    %jit3A_225 = arith.constant 1 : i32
    %select_n3A_226 = arith.select %eq3A_224, %jit3A_225, %jit3A_222 : i32
    %rem3A_227 = arith.remsi %scan3A_159, %select_n3A_226 : i32
    %ne3A_228 = arith.constant 0 : i32
    %ne3A_229 = arith.cmpi ne, %rem3A_227, %ne3A_228 : i32
    %lt3A_230 = arith.constant 0 : i32
    %lt3A_231 = arith.cmpi slt, %rem3A_227, %lt3A_230 : i32
    %lt3A_232 = arith.constant 0 : i32
    %lt3A_233 = arith.cmpi slt, %select_n3A_226, %lt3A_232 : i32
    %ne3A_234 = arith.xori %lt3A_231, %lt3A_233 : i1
    %and3A_235 = arith.andi %ne3A_234, %ne3A_229 : i1
    %add3A_236 = arith.addi %rem3A_227, %select_n3A_226 : i32
    %select_n3A_237 = arith.select %and3A_235, %add3A_236, %rem3A_227 : i32
    %mul3A_238 = arith.constant 16 : i32
    %mul3A_239 = arith.muli %select_n3A_237, %mul3A_238 : i32
    %swap3A_240 = arith.index_cast %select_n3A_221 : i32 to index
    %swap3A_241 = arith.index_cast %mul3A_239 : i32 to index
    %swap3A_242 = tpu.vector_load %arg6[%swap3A_240, %swap3A_241] {strides = array<i32>} : memref<4x128xi32, #tpu.memory_space<vmem>>, vector<1x16xi32>,
    %swap3A_243 = vector.shape_cast %swap3A_242 : vector<1x16xi32> to vector<16xi32>
    %swap3A_244 = vector.shape_cast %min3A_197 : vector<16xi32> to vector<1x16xi32>
    tpu.vector_store %arg6[%swap3A_240, %swap3A_241], %swap3A_244 {strides = array<i32>} : memref<4x128xi32, #tpu.memory_space<vmem>>, vector<1x16xi32>,
    %scan3A_245 = arith.constant 3 : i32
    %mul3A_246 = arith.constant 16 : i32
    %mul3A_247 = arith.muli %scan3A_245, %mul3A_246 : i32
    %get3A_248 = arith.index_cast %mul3A_247 : i32 to index
    %get3A_249 = tpu.vector_load %arg5[%get3A_248] {strides = array<i32>} : memref<512xi32, #tpu.memory_space<vmem>>, vector<16xi32>,
    %get3A_250 = vector.shape_cast %get3A_249 : vector<16xi32> to vector<16xi32>
    %ge3A_251 = arith.constant 249856 : i32
    %ge3A_252 = vector.broadcast %ge3A_251 : i32 to vector<16xi32>
    %ge3A_253 = arith.cmpi sge, %get3A_250, %ge3A_252 : vector<16xi32>
    %jit3A_254 = arith.constant 1 : i32
    %jit3A_255 = arith.constant 0 : i32
    %broadcast_in_dim3A_256 = vector.broadcast %jit3A_254 : i32 to vector<16xi32>
    %broadcast_in_dim3A_257 = vector.broadcast %jit3A_255 : i32 to vector<16xi32>
    %select_n3A_258 = arith.select %ge3A_253, %broadcast_in_dim3A_256, %broadcast_in_dim3A_257 : vector<16xi1>, vector<16xi32>
    %ge3A_259 = arith.constant 499712 : i32
    %ge3A_260 = vector.broadcast %ge3A_259 : i32 to vector<16xi32>
    %ge3A_261 = arith.cmpi sge, %get3A_250, %ge3A_260 : vector<16xi32>
    %jit3A_262 = arith.constant 1 : i32
    %jit3A_263 = arith.constant 0 : i32
    %broadcast_in_dim3A_264 = vector.broadcast %jit3A_262 : i32 to vector<16xi32>
    %broadcast_in_dim3A_265 = vector.broadcast %jit3A_263 : i32 to vector<16xi32>
    %select_n3A_266 = arith.select %ge3A_261, %broadcast_in_dim3A_264, %broadcast_in_dim3A_265 : vector<16xi1>, vector<16xi32>
    %ge3A_267 = arith.constant 749568 : i32
    %ge3A_268 = vector.broadcast %ge3A_267 : i32 to vector<16xi32>
    %ge3A_269 = arith.cmpi sge, %get3A_250, %ge3A_268 : vector<16xi32>
    %jit3A_270 = arith.constant 1 : i32
    %jit3A_271 = arith.constant 0 : i32
    %broadcast_in_dim3A_272 = vector.broadcast %jit3A_270 : i32 to vector<16xi32>
    %broadcast_in_dim3A_273 = vector.broadcast %jit3A_271 : i32 to vector<16xi32>
    %select_n3A_274 = arith.select %ge3A_269, %broadcast_in_dim3A_272, %broadcast_in_dim3A_273 : vector<16xi1>, vector<16xi32>
    %add3A_275 = arith.addi %select_n3A_258, %select_n3A_266 : vector<16xi32>
    %add3A_276 = arith.addi %add3A_275, %select_n3A_274 : vector<16xi32>
    %mul3A_277 = arith.constant 249856 : i32
    %mul3A_278 = vector.broadcast %mul3A_277 : i32 to vector<16xi32>
    %mul3A_279 = arith.muli %add3A_276, %mul3A_278 : vector<16xi32>
    %sub3A_280 = arith.subi %get3A_250, %mul3A_279 : vector<16xi32>
    %min3A_281 = arith.constant 249855 : i32
    %min3A_282 = vector.broadcast %min3A_281 : i32 to vector<16xi32>
    %min3A_283 = arith.minsi %sub3A_280, %min3A_282 : vector<16xi32>
    %jit3A_284 = arith.constant 8 : i32
    %div3A_285 = arith.divsi %scan3A_245, %jit3A_284 : i32
    %sign3A_286 = arith.constant 0 : i32
    %sign3A_287 = arith.cmpi sgt, %scan3A_245, %sign3A_286 : i32
    %sign3A_288 = arith.extui %sign3A_287 : i1 to i32
    %sign3A_289 = arith.constant 0 : i32
    %sign3A_290 = arith.cmpi slt, %scan3A_245, %sign3A_289 : i32
    %sign3A_291 = arith.extui %sign3A_290 : i1 to i32
    %sign3A_292 = arith.subi %sign3A_288, %sign3A_291 : i32
    %sign3A_293 = arith.constant 0 : i32
    %sign3A_294 = arith.cmpi sgt, %jit3A_284, %sign3A_293 : i32
    %sign3A_295 = arith.extui %sign3A_294 : i1 to i32
    %sign3A_296 = arith.constant 0 : i32
    %sign3A_297 = arith.cmpi slt, %jit3A_284, %sign3A_296 : i32
    %sign3A_298 = arith.extui %sign3A_297 : i1 to i32
    %sign3A_299 = arith.subi %sign3A_295, %sign3A_298 : i32
    %ne3A_300 = arith.cmpi ne, %sign3A_292, %sign3A_299 : i32
    %rem3A_301 = arith.remsi %scan3A_245, %jit3A_284 : i32
    %ne3A_302 = arith.constant 0 : i32
    %ne3A_303 = arith.cmpi ne, %rem3A_301, %ne3A_302 : i32
    %and3A_304 = arith.andi %ne3A_300, %ne3A_303 : i1
    %sub3A_305 = arith.constant 1 : i32
    %sub3A_306 = arith.subi %div3A_285, %sub3A_305 : i32
    %select_n3A_307 = arith.select %and3A_304, %sub3A_306, %div3A_285 : i32
    %jit3A_308 = arith.constant 8 : i32
    %eq3A_309 = arith.constant 0 : i32
    %eq3A_310 = arith.cmpi eq, %jit3A_308, %eq3A_309 : i32
    %jit3A_311 = arith.constant 1 : i32
    %select_n3A_312 = arith.select %eq3A_310, %jit3A_311, %jit3A_308 : i32
    %rem3A_313 = arith.remsi %scan3A_245, %select_n3A_312 : i32
    %ne3A_314 = arith.constant 0 : i32
    %ne3A_315 = arith.cmpi ne, %rem3A_313, %ne3A_314 : i32
    %lt3A_316 = arith.constant 0 : i32
    %lt3A_317 = arith.cmpi slt, %rem3A_313, %lt3A_316 : i32
    %lt3A_318 = arith.constant 0 : i32
    %lt3A_319 = arith.cmpi slt, %select_n3A_312, %lt3A_318 : i32
    %ne3A_320 = arith.xori %lt3A_317, %lt3A_319 : i1
    %and3A_321 = arith.andi %ne3A_320, %ne3A_315 : i1
    %add3A_322 = arith.addi %rem3A_313, %select_n3A_312 : i32
    %select_n3A_323 = arith.select %and3A_321, %add3A_322, %rem3A_313 : i32
    %mul3A_324 = arith.constant 16 : i32
    %mul3A_325 = arith.muli %select_n3A_323, %mul3A_324 : i32
    %swap3A_326 = arith.index_cast %select_n3A_307 : i32 to index
    %swap3A_327 = arith.index_cast %mul3A_325 : i32 to index
    %swap3A_328 = tpu.vector_load %arg6[%swap3A_326, %swap3A_327] {strides = array<i32>} : memref<4x128xi32, #tpu.memory_space<vmem>>, vector<1x16xi32>,
    %swap3A_329 = vector.shape_cast %swap3A_328 : vector<1x16xi32> to vector<16xi32>
    %swap3A_330 = vector.shape_cast %min3A_283 : vector<16xi32> to vector<1x16xi32>
    tpu.vector_store %arg6[%swap3A_326, %swap3A_327], %swap3A_330 {strides = array<i32>} : memref<4x128xi32, #tpu.memory_space<vmem>>, vector<1x16xi32>,
    %scan3A_331 = arith.constant 4 : i32
    %mul3A_332 = arith.constant 16 : i32
    %mul3A_333 = arith.muli %scan3A_331, %mul3A_332 : i32
    %get3A_334 = arith.index_cast %mul3A_333 : i32 to index
    %get3A_335 = tpu.vector_load %arg5[%get3A_334] {strides = array<i32>} : memref<512xi32, #tpu.memory_space<vmem>>, vector<16xi32>,
    %get3A_336 = vector.shape_cast %get3A_335 : vector<16xi32> to vector<16xi32>
    %ge3A_337 = arith.constant 249856 : i32
    %ge3A_338 = vector.broadcast %ge3A_337 : i32 to vector<16xi32>
    %ge3A_339 = arith.cmpi sge, %get3A_336, %ge3A_338 : vector<16xi32>
    %jit3A_340 = arith.constant 1 : i32
    %jit3A_341 = arith.constant 0 : i32
    %broadcast_in_dim3A_342 = vector.broadcast %jit3A_340 : i32 to vector<16xi32>
    %broadcast_in_dim3A_343 = vector.broadcast %jit3A_341 : i32 to vector<16xi32>
    %select_n3A_344 = arith.select %ge3A_339, %broadcast_in_dim3A_342, %broadcast_in_dim3A_343 : vector<16xi1>, vector<16xi32>
    %ge3A_345 = arith.constant 499712 : i32
    %ge3A_346 = vector.broadcast %ge3A_345 : i32 to vector<16xi32>
    %ge3A_347 = arith.cmpi sge, %get3A_336, %ge3A_346 : vector<16xi32>
    %jit3A_348 = arith.constant 1 : i32
    %jit3A_349 = arith.constant 0 : i32
    %broadcast_in_dim3A_350 = vector.broadcast %jit3A_348 : i32 to vector<16xi32>
    %broadcast_in_dim3A_351 = vector.broadcast %jit3A_349 : i32 to vector<16xi32>
    %select_n3A_352 = arith.select %ge3A_347, %broadcast_in_dim3A_350, %broadcast_in_dim3A_351 : vector<16xi1>, vector<16xi32>
    %ge3A_353 = arith.constant 749568 : i32
    %ge3A_354 = vector.broadcast %ge3A_353 : i32 to vector<16xi32>
    %ge3A_355 = arith.cmpi sge, %get3A_336, %ge3A_354 : vector<16xi32>
    %jit3A_356 = arith.constant 1 : i32
    %jit3A_357 = arith.constant 0 : i32
    %broadcast_in_dim3A_358 = vector.broadcast %jit3A_356 : i32 to vector<16xi32>
    %broadcast_in_dim3A_359 = vector.broadcast %jit3A_357 : i32 to vector<16xi32>
    %select_n3A_360 = arith.select %ge3A_355, %broadcast_in_dim3A_358, %broadcast_in_dim3A_359 : vector<16xi1>, vector<16xi32>
    %add3A_361 = arith.addi %select_n3A_344, %select_n3A_352 : vector<16xi32>
    %add3A_362 = arith.addi %add3A_361, %select_n3A_360 : vector<16xi32>
    %mul3A_363 = arith.constant 249856 : i32
    %mul3A_364 = vector.broadcast %mul3A_363 : i32 to vector<16xi32>
    %mul3A_365 = arith.muli %add3A_362, %mul3A_364 : vector<16xi32>
    %sub3A_366 = arith.subi %get3A_336, %mul3A_365 : vector<16xi32>
    %min3A_367 = arith.constant 249855 : i32
    %min3A_368 = vector.broadcast %min3A_367 : i32 to vector<16xi32>
    %min3A_369 = arith.minsi %sub3A_366, %min3A_368 : vector<16xi32>
    %jit3A_370 = arith.constant 8 : i32
    %div3A_371 = arith.divsi %scan3A_331, %jit3A_370 : i32
    %sign3A_372 = arith.constant 0 : i32
    %sign3A_373 = arith.cmpi sgt, %scan3A_331, %sign3A_372 : i32
    %sign3A_374 = arith.extui %sign3A_373 : i1 to i32
    %sign3A_375 = arith.constant 0 : i32
    %sign3A_376 = arith.cmpi slt, %scan3A_331, %sign3A_375 : i32
    %sign3A_377 = arith.extui %sign3A_376 : i1 to i32
    %sign3A_378 = arith.subi %sign3A_374, %sign3A_377 : i32
    %sign3A_379 = arith.constant 0 : i32
    %sign3A_380 = arith.cmpi sgt, %jit3A_370, %sign3A_379 : i32
    %sign3A_381 = arith.extui %sign3A_380 : i1 to i32
    %sign3A_382 = arith.constant 0 : i32
    %sign3A_383 = arith.cmpi slt, %jit3A_370, %sign3A_382 : i32
    %sign3A_384 = arith.extui %sign3A_383 : i1 to i32
    %sign3A_385 = arith.subi %sign3A_381, %sign3A_384 : i32
    %ne3A_386 = arith.cmpi ne, %sign3A_378, %sign3A_385 : i32
    %rem3A_387 = arith.remsi %scan3A_331, %jit3A_370 : i32
    %ne3A_388 = arith.constant 0 : i32
    %ne3A_389 = arith.cmpi ne, %rem3A_387, %ne3A_388 : i32
    %and3A_390 = arith.andi %ne3A_386, %ne3A_389 : i1
    %sub3A_391 = arith.constant 1 : i32
    %sub3A_392 = arith.subi %div3A_371, %sub3A_391 : i32
    %select_n3A_393 = arith.select %and3A_390, %sub3A_392, %div3A_371 : i32
    %jit3A_394 = arith.constant 8 : i32
    %eq3A_395 = arith.constant 0 : i32
    %eq3A_396 = arith.cmpi eq, %jit3A_394, %eq3A_395 : i32
    %jit3A_397 = arith.constant 1 : i32
    %select_n3A_398 = arith.select %eq3A_396, %jit3A_397, %jit3A_394 : i32
    %rem3A_399 = arith.remsi %scan3A_331, %select_n3A_398 : i32
    %ne3A_400 = arith.constant 0 : i32
    %ne3A_401 = arith.cmpi ne, %rem3A_399, %ne3A_400 : i32
    %lt3A_402 = arith.constant 0 : i32
    %lt3A_403 = arith.cmpi slt, %rem3A_399, %lt3A_402 : i32
    %lt3A_404 = arith.constant 0 : i32
    %lt3A_405 = arith.cmpi slt, %select_n3A_398, %lt3A_404 : i32
    %ne3A_406 = arith.xori %lt3A_403, %lt3A_405 : i1
    %and3A_407 = arith.andi %ne3A_406, %ne3A_401 : i1
    %add3A_408 = arith.addi %rem3A_399, %select_n3A_398 : i32
    %select_n3A_409 = arith.select %and3A_407, %add3A_408, %rem3A_399 : i32
    %mul3A_410 = arith.constant 16 : i32
    %mul3A_411 = arith.muli %select_n3A_409, %mul3A_410 : i32
    %swap3A_412 = arith.index_cast %select_n3A_393 : i32 to index
    %swap3A_413 = arith.index_cast %mul3A_411 : i32 to index
    %swap3A_414 = tpu.vector_load %arg6[%swap3A_412, %swap3A_413] {strides = array<i32>} : memref<4x128xi32, #tpu.memory_space<vmem>>, vector<1x16xi32>,
    %swap3A_415 = vector.shape_cast %swap3A_414 : vector<1x16xi32> to vector<16xi32>
    %swap3A_416 = vector.shape_cast %min3A_369 : vector<16xi32> to vector<1x16xi32>
    tpu.vector_store %arg6[%swap3A_412, %swap3A_413], %swap3A_416 {strides = array<i32>} : memref<4x128xi32, #tpu.memory_space<vmem>>, vector<1x16xi32>,
    %scan3A_417 = arith.constant 5 : i32
    %mul3A_418 = arith.constant 16 : i32
    %mul3A_419 = arith.muli %scan3A_417, %mul3A_418 : i32
    %get3A_420 = arith.index_cast %mul3A_419 : i32 to index
    %get3A_421 = tpu.vector_load %arg5[%get3A_420] {strides = array<i32>} : memref<512xi32, #tpu.memory_space<vmem>>, vector<16xi32>,
    %get3A_422 = vector.shape_cast %get3A_421 : vector<16xi32> to vector<16xi32>
    %ge3A_423 = arith.constant 249856 : i32
    %ge3A_424 = vector.broadcast %ge3A_423 : i32 to vector<16xi32>
    %ge3A_425 = arith.cmpi sge, %get3A_422, %ge3A_424 : vector<16xi32>
    %jit3A_426 = arith.constant 1 : i32
    %jit3A_427 = arith.constant 0 : i32
    %broadcast_in_dim3A_428 = vector.broadcast %jit3A_426 : i32 to vector<16xi32>
    %broadcast_in_dim3A_429 = vector.broadcast %jit3A_427 : i32 to vector<16xi32>
    %select_n3A_430 = arith.select %ge3A_425, %broadcast_in_dim3A_428, %broadcast_in_dim3A_429 : vector<16xi1>, vector<16xi32>
    %ge3A_431 = arith.constant 499712 : i32
    %ge3A_432 = vector.broadcast %ge3A_431 : i32 to vector<16xi32>
    %ge3A_433 = arith.cmpi sge, %get3A_422, %ge3A_432 : vector<16xi32>
    %jit3A_434 = arith.constant 1 : i32
    %jit3A_435 = arith.constant 0 : i32
    %broadcast_in_dim3A_436 = vector.broadcast %jit3A_434 : i32 to vector<16xi32>
    %broadcast_in_dim3A_437 = vector.broadcast %jit3A_435 : i32 to vector<16xi32>
    %select_n3A_438 = arith.select %ge3A_433, %broadcast_in_dim3A_436, %broadcast_in_dim3A_437 : vector<16xi1>, vector<16xi32>
    %ge3A_439 = arith.constant 749568 : i32
    %ge3A_440 = vector.broadcast %ge3A_439 : i32 to vector<16xi32>
    %ge3A_441 = arith.cmpi sge, %get3A_422, %ge3A_440 : vector<16xi32>
    %jit3A_442 = arith.constant 1 : i32
    %jit3A_443 = arith.constant 0 : i32
    %broadcast_in_dim3A_444 = vector.broadcast %jit3A_442 : i32 to vector<16xi32>
    %broadcast_in_dim3A_445 = vector.broadcast %jit3A_443 : i32 to vector<16xi32>
    %select_n3A_446 = arith.select %ge3A_441, %broadcast_in_dim3A_444, %broadcast_in_dim3A_445 : vector<16xi1>, vector<16xi32>
    %add3A_447 = arith.addi %select_n3A_430, %select_n3A_438 : vector<16xi32>
    %add3A_448 = arith.addi %add3A_447, %select_n3A_446 : vector<16xi32>
    %mul3A_449 = arith.constant 249856 : i32
    %mul3A_450 = vector.broadcast %mul3A_449 : i32 to vector<16xi32>
    %mul3A_451 = arith.muli %add3A_448, %mul3A_450 : vector<16xi32>
    %sub3A_452 = arith.subi %get3A_422, %mul3A_451 : vector<16xi32>
    %min3A_453 = arith.constant 249855 : i32
    %min3A_454 = vector.broadcast %min3A_453 : i32 to vector<16xi32>
    %min3A_455 = arith.minsi %sub3A_452, %min3A_454 : vector<16xi32>
    %jit3A_456 = arith.constant 8 : i32
    %div3A_457 = arith.divsi %scan3A_417, %jit3A_456 : i32
    %sign3A_458 = arith.constant 0 : i32
    %sign3A_459 = arith.cmpi sgt, %scan3A_417, %sign3A_458 : i32
    %sign3A_460 = arith.extui %sign3A_459 : i1 to i32
    %sign3A_461 = arith.constant 0 : i32
    %sign3A_462 = arith.cmpi slt, %scan3A_417, %sign3A_461 : i32
    %sign3A_463 = arith.extui %sign3A_462 : i1 to i32
    %sign3A_464 = arith.subi %sign3A_460, %sign3A_463 : i32
    %sign3A_465 = arith.constant 0 : i32
    %sign3A_466 = arith.cmpi sgt, %jit3A_456, %sign3A_465 : i32
    %sign3A_467 = arith.extui %sign3A_466 : i1 to i32
    %sign3A_468 = arith.constant 0 : i32
    %sign3A_469 = arith.cmpi slt, %jit3A_456, %sign3A_468 : i32
    %sign3A_470 = arith.extui %sign3A_469 : i1 to i32
    %sign3A_471 = arith.subi %sign3A_467, %sign3A_470 : i32
    %ne3A_472 = arith.cmpi ne, %sign3A_464, %sign3A_471 : i32
    %rem3A_473 = arith.remsi %scan3A_417, %jit3A_456 : i32
    %ne3A_474 = arith.constant 0 : i32
    %ne3A_475 = arith.cmpi ne, %rem3A_473, %ne3A_474 : i32
    %and3A_476 = arith.andi %ne3A_472, %ne3A_475 : i1
    %sub3A_477 = arith.constant 1 : i32
    %sub3A_478 = arith.subi %div3A_457, %sub3A_477 : i32
    %select_n3A_479 = arith.select %and3A_476, %sub3A_478, %div3A_457 : i32
    %jit3A_480 = arith.constant 8 : i32
    %eq3A_481 = arith.constant 0 : i32
    %eq3A_482 = arith.cmpi eq, %jit3A_480, %eq3A_481 : i32
    %jit3A_483 = arith.constant 1 : i32
    %select_n3A_484 = arith.select %eq3A_482, %jit3A_483, %jit3A_480 : i32
    %rem3A_485 = arith.remsi %scan3A_417, %select_n3A_484 : i32
    %ne3A_486 = arith.constant 0 : i32
    %ne3A_487 = arith.cmpi ne, %rem3A_485, %ne3A_486 : i32
    %lt3A_488 = arith.constant 0 : i32
    %lt3A_489 = arith.cmpi slt, %rem3A_485, %lt3A_488 : i32
    %lt3A_490 = arith.constant 0 : i32
    %lt3A_491 = arith.cmpi slt, %select_n3A_484, %lt3A_490 : i32
    %ne3A_492 = arith.xori %lt3A_489, %lt3A_491 : i1
    %and3A_493 = arith.andi %ne3A_492, %ne3A_487 : i1
    %add3A_494 = arith.addi %rem3A_485, %select_n3A_484 : i32
    %select_n3A_495 = arith.select %and3A_493, %add3A_494, %rem3A_485 : i32
    %mul3A_496 = arith.constant 16 : i32
    %mul3A_497 = arith.muli %select_n3A_495, %mul3A_496 : i32
    %swap3A_498 = arith.index_cast %select_n3A_479 : i32 to index
    %swap3A_499 = arith.index_cast %mul3A_497 : i32 to index
    %swap3A_500 = tpu.vector_load %arg6[%swap3A_498, %swap3A_499] {strides = array<i32>} : memref<4x128xi32, #tpu.memory_space<vmem>>, vector<1x16xi32>,
    %swap3A_501 = vector.shape_cast %swap3A_500 : vector<1x16xi32> to vector<16xi32>
    %swap3A_502 = vector.shape_cast %min3A_455 : vector<16xi32> to vector<1x16xi32>
    tpu.vector_store %arg6[%swap3A_498, %swap3A_499], %swap3A_502 {strides = array<i32>} : memref<4x128xi32, #tpu.memory_space<vmem>>, vector<1x16xi32>,
    %scan3A_503 = arith.constant 6 : i32
    %mul3A_504 = arith.constant 16 : i32
    %mul3A_505 = arith.muli %scan3A_503, %mul3A_504 : i32
    %get3A_506 = arith.index_cast %mul3A_505 : i32 to index
    %get3A_507 = tpu.vector_load %arg5[%get3A_506] {strides = array<i32>} : memref<512xi32, #tpu.memory_space<vmem>>, vector<16xi32>,
    %get3A_508 = vector.shape_cast %get3A_507 : vector<16xi32> to vector<16xi32>
    %ge3A_509 = arith.constant 249856 : i32
    %ge3A_510 = vector.broadcast %ge3A_509 : i32 to vector<16xi32>
    %ge3A_511 = arith.cmpi sge, %get3A_508, %ge3A_510 : vector<16xi32>
    %jit3A_512 = arith.constant 1 : i32
    %jit3A_513 = arith.constant 0 : i32
    %broadcast_in_dim3A_514 = vector.broadcast %jit3A_512 : i32 to vector<16xi32>
    %broadcast_in_dim3A_515 = vector.broadcast %jit3A_513 : i32 to vector<16xi32>
    %select_n3A_516 = arith.select %ge3A_511, %broadcast_in_dim3A_514, %broadcast_in_dim3A_515 : vector<16xi1>, vector<16xi32>
    %ge3A_517 = arith.constant 499712 : i32
    %ge3A_518 = vector.broadcast %ge3A_517 : i32 to vector<16xi32>
    %ge3A_519 = arith.cmpi sge, %get3A_508, %ge3A_518 : vector<16xi32>
    %jit3A_520 = arith.constant 1 : i32
    %jit3A_521 = arith.constant 0 : i32
    %broadcast_in_dim3A_522 = vector.broadcast %jit3A_520 : i32 to vector<16xi32>
    %broadcast_in_dim3A_523 = vector.broadcast %jit3A_521 : i32 to vector<16xi32>
    %select_n3A_524 = arith.select %ge3A_519, %broadcast_in_dim3A_522, %broadcast_in_dim3A_523 : vector<16xi1>, vector<16xi32>
    %ge3A_525 = arith.constant 749568 : i32
    %ge3A_526 = vector.broadcast %ge3A_525 : i32 to vector<16xi32>
    %ge3A_527 = arith.cmpi sge, %get3A_508, %ge3A_526 : vector<16xi32>
    %jit3A_528 = arith.constant 1 : i32
    %jit3A_529 = arith.constant 0 : i32
    %broadcast_in_dim3A_530 = vector.broadcast %jit3A_528 : i32 to vector<16xi32>
    %broadcast_in_dim3A_531 = vector.broadcast %jit3A_529 : i32 to vector<16xi32>
    %select_n3A_532 = arith.select %ge3A_527, %broadcast_in_dim3A_530, %broadcast_in_dim3A_531 : vector<16xi1>, vector<16xi32>
    %add3A_533 = arith.addi %select_n3A_516, %select_n3A_524 : vector<16xi32>
    %add3A_534 = arith.addi %add3A_533, %select_n3A_532 : vector<16xi32>
    %mul3A_535 = arith.constant 249856 : i32
    %mul3A_536 = vector.broadcast %mul3A_535 : i32 to vector<16xi32>
    %mul3A_537 = arith.muli %add3A_534, %mul3A_536 : vector<16xi32>
    %sub3A_538 = arith.subi %get3A_508, %mul3A_537 : vector<16xi32>
    %min3A_539 = arith.constant 249855 : i32
    %min3A_540 = vector.broadcast %min3A_539 : i32 to vector<16xi32>
    %min3A_541 = arith.minsi %sub3A_538, %min3A_540 : vector<16xi32>
    %jit3A_542 = arith.constant 8 : i32
    %div3A_543 = arith.divsi %scan3A_503, %jit3A_542 : i32
    %sign3A_544 = arith.constant 0 : i32
    %sign3A_545 = arith.cmpi sgt, %scan3A_503, %sign3A_544 : i32
    %sign3A_546 = arith.extui %sign3A_545 : i1 to i32
    %sign3A_547 = arith.constant 0 : i32
    %sign3A_548 = arith.cmpi slt, %scan3A_503, %sign3A_547 : i32
    %sign3A_549 = arith.extui %sign3A_548 : i1 to i32
    %sign3A_550 = arith.subi %sign3A_546, %sign3A_549 : i32
    %sign3A_551 = arith.constant 0 : i32
    %sign3A_552 = arith.cmpi sgt, %jit3A_542, %sign3A_551 : i32
    %sign3A_553 = arith.extui %sign3A_552 : i1 to i32
    %sign3A_554 = arith.constant 0 : i32
    %sign3A_555 = arith.cmpi slt, %jit3A_542, %sign3A_554 : i32
    %sign3A_556 = arith.extui %sign3A_555 : i1 to i32
    %sign3A_557 = arith.subi %sign3A_553, %sign3A_556 : i32
    %ne3A_558 = arith.cmpi ne, %sign3A_550, %sign3A_557 : i32
    %rem3A_559 = arith.remsi %scan3A_503, %jit3A_542 : i32
    %ne3A_560 = arith.constant 0 : i32
    %ne3A_561 = arith.cmpi ne, %rem3A_559, %ne3A_560 : i32
    %and3A_562 = arith.andi %ne3A_558, %ne3A_561 : i1
    %sub3A_563 = arith.constant 1 : i32
    %sub3A_564 = arith.subi %div3A_543, %sub3A_563 : i32
    %select_n3A_565 = arith.select %and3A_562, %sub3A_564, %div3A_543 : i32
    %jit3A_566 = arith.constant 8 : i32
    %eq3A_567 = arith.constant 0 : i32
    %eq3A_568 = arith.cmpi eq, %jit3A_566, %eq3A_567 : i32
    %jit3A_569 = arith.constant 1 : i32
    %select_n3A_570 = arith.select %eq3A_568, %jit3A_569, %jit3A_566 : i32
    %rem3A_571 = arith.remsi %scan3A_503, %select_n3A_570 : i32
    %ne3A_572 = arith.constant 0 : i32
    %ne3A_573 = arith.cmpi ne, %rem3A_571, %ne3A_572 : i32
    %lt3A_574 = arith.constant 0 : i32
    %lt3A_575 = arith.cmpi slt, %rem3A_571, %lt3A_574 : i32
    %lt3A_576 = arith.constant 0 : i32
    %lt3A_577 = arith.cmpi slt, %select_n3A_570, %lt3A_576 : i32
    %ne3A_578 = arith.xori %lt3A_575, %lt3A_577 : i1
    %and3A_579 = arith.andi %ne3A_578, %ne3A_573 : i1
    %add3A_580 = arith.addi %rem3A_571, %select_n3A_570 : i32
    %select_n3A_581 = arith.select %and3A_579, %add3A_580, %rem3A_571 : i32
    %mul3A_582 = arith.constant 16 : i32
    %mul3A_583 = arith.muli %select_n3A_581, %mul3A_582 : i32
    %swap3A_584 = arith.index_cast %select_n3A_565 : i32 to index
    %swap3A_585 = arith.index_cast %mul3A_583 : i32 to index
    %swap3A_586 = tpu.vector_load %arg6[%swap3A_584, %swap3A_585] {strides = array<i32>} : memref<4x128xi32, #tpu.memory_space<vmem>>, vector<1x16xi32>,
    %swap3A_587 = vector.shape_cast %swap3A_586 : vector<1x16xi32> to vector<16xi32>
    %swap3A_588 = vector.shape_cast %min3A_541 : vector<16xi32> to vector<1x16xi32>
    tpu.vector_store %arg6[%swap3A_584, %swap3A_585], %swap3A_588 {strides = array<i32>} : memref<4x128xi32, #tpu.memory_space<vmem>>, vector<1x16xi32>,
    %scan3A_589 = arith.constant 7 : i32
    %mul3A_590 = arith.constant 16 : i32
    %mul3A_591 = arith.muli %scan3A_589, %mul3A_590 : i32
    %get3A_592 = arith.index_cast %mul3A_591 : i32 to index
    %get3A_593 = tpu.vector_load %arg5[%get3A_592] {strides = array<i32>} : memref<512xi32, #tpu.memory_space<vmem>>, vector<16xi32>,
    %get3A_594 = vector.shape_cast %get3A_593 : vector<16xi32> to vector<16xi32>
    %ge3A_595 = arith.constant 249856 : i32
    %ge3A_596 = vector.broadcast %ge3A_595 : i32 to vector<16xi32>
    %ge3A_597 = arith.cmpi sge, %get3A_594, %ge3A_596 : vector<16xi32>
    %jit3A_598 = arith.constant 1 : i32
    %jit3A_599 = arith.constant 0 : i32
    %broadcast_in_dim3A_600 = vector.broadcast %jit3A_598 : i32 to vector<16xi32>
    %broadcast_in_dim3A_601 = vector.broadcast %jit3A_599 : i32 to vector<16xi32>
    %select_n3A_602 = arith.select %ge3A_597, %broadcast_in_dim3A_600, %broadcast_in_dim3A_601 : vector<16xi1>, vector<16xi32>
    %ge3A_603 = arith.constant 499712 : i32
    %ge3A_604 = vector.broadcast %ge3A_603 : i32 to vector<16xi32>
    %ge3A_605 = arith.cmpi sge, %get3A_594, %ge3A_604 : vector<16xi32>
    %jit3A_606 = arith.constant 1 : i32
    %jit3A_607 = arith.constant 0 : i32
    %broadcast_in_dim3A_608 = vector.broadcast %jit3A_606 : i32 to vector<16xi32>
    %broadcast_in_dim3A_609 = vector.broadcast %jit3A_607 : i32 to vector<16xi32>
    %select_n3A_610 = arith.select %ge3A_605, %broadcast_in_dim3A_608, %broadcast_in_dim3A_609 : vector<16xi1>, vector<16xi32>
    %ge3A_611 = arith.constant 749568 : i32
    %ge3A_612 = vector.broadcast %ge3A_611 : i32 to vector<16xi32>
    %ge3A_613 = arith.cmpi sge, %get3A_594, %ge3A_612 : vector<16xi32>
    %jit3A_614 = arith.constant 1 : i32
    %jit3A_615 = arith.constant 0 : i32
    %broadcast_in_dim3A_616 = vector.broadcast %jit3A_614 : i32 to vector<16xi32>
    %broadcast_in_dim3A_617 = vector.broadcast %jit3A_615 : i32 to vector<16xi32>
    %select_n3A_618 = arith.select %ge3A_613, %broadcast_in_dim3A_616, %broadcast_in_dim3A_617 : vector<16xi1>, vector<16xi32>
    %add3A_619 = arith.addi %select_n3A_602, %select_n3A_610 : vector<16xi32>
    %add3A_620 = arith.addi %add3A_619, %select_n3A_618 : vector<16xi32>
    %mul3A_621 = arith.constant 249856 : i32
    %mul3A_622 = vector.broadcast %mul3A_621 : i32 to vector<16xi32>
    %mul3A_623 = arith.muli %add3A_620, %mul3A_622 : vector<16xi32>
    %sub3A_624 = arith.subi %get3A_594, %mul3A_623 : vector<16xi32>
    %min3A_625 = arith.constant 249855 : i32
    %min3A_626 = vector.broadcast %min3A_625 : i32 to vector<16xi32>
    %min3A_627 = arith.minsi %sub3A_624, %min3A_626 : vector<16xi32>
    %jit3A_628 = arith.constant 8 : i32
    %div3A_629 = arith.divsi %scan3A_589, %jit3A_628 : i32
    %sign3A_630 = arith.constant 0 : i32
    %sign3A_631 = arith.cmpi sgt, %scan3A_589, %sign3A_630 : i32
    %sign3A_632 = arith.extui %sign3A_631 : i1 to i32
    %sign3A_633 = arith.constant 0 : i32
    %sign3A_634 = arith.cmpi slt, %scan3A_589, %sign3A_633 : i32
    %sign3A_635 = arith.extui %sign3A_634 : i1 to i32
    %sign3A_636 = arith.subi %sign3A_632, %sign3A_635 : i32
    %sign3A_637 = arith.constant 0 : i32
    %sign3A_638 = arith.cmpi sgt, %jit3A_628, %sign3A_637 : i32
    %sign3A_639 = arith.extui %sign3A_638 : i1 to i32
    %sign3A_640 = arith.constant 0 : i32
    %sign3A_641 = arith.cmpi slt, %jit3A_628, %sign3A_640 : i32
    %sign3A_642 = arith.extui %sign3A_641 : i1 to i32
    %sign3A_643 = arith.subi %sign3A_639, %sign3A_642 : i32
    %ne3A_644 = arith.cmpi ne, %sign3A_636, %sign3A_643 : i32
    %rem3A_645 = arith.remsi %scan3A_589, %jit3A_628 : i32
    %ne3A_646 = arith.constant 0 : i32
    %ne3A_647 = arith.cmpi ne, %rem3A_645, %ne3A_646 : i32
    %and3A_648 = arith.andi %ne3A_644, %ne3A_647 : i1
    %sub3A_649 = arith.constant 1 : i32
    %sub3A_650 = arith.subi %div3A_629, %sub3A_649 : i32
    %select_n3A_651 = arith.select %and3A_648, %sub3A_650, %div3A_629 : i32
    %jit3A_652 = arith.constant 8 : i32
    %eq3A_653 = arith.constant 0 : i32
    %eq3A_654 = arith.cmpi eq, %jit3A_652, %eq3A_653 : i32
    %jit3A_655 = arith.constant 1 : i32
    %select_n3A_656 = arith.select %eq3A_654, %jit3A_655, %jit3A_652 : i32
    %rem3A_657 = arith.remsi %scan3A_589, %select_n3A_656 : i32
    %ne3A_658 = arith.constant 0 : i32
    %ne3A_659 = arith.cmpi ne, %rem3A_657, %ne3A_658 : i32
    %lt3A_660 = arith.constant 0 : i32
    %lt3A_661 = arith.cmpi slt, %rem3A_657, %lt3A_660 : i32
    %lt3A_662 = arith.constant 0 : i32
    %lt3A_663 = arith.cmpi slt, %select_n3A_656, %lt3A_662 : i32
    %ne3A_664 = arith.xori %lt3A_661, %lt3A_663 : i1
    %and3A_665 = arith.andi %ne3A_664, %ne3A_659 : i1
    %add3A_666 = arith.addi %rem3A_657, %select_n3A_656 : i32
    %select_n3A_667 = arith.select %and3A_665, %add3A_666, %rem3A_657 : i32
    %mul3A_668 = arith.constant 16 : i32
    %mul3A_669 = arith.muli %select_n3A_667, %mul3A_668 : i32
    %swap3A_670 = arith.index_cast %select_n3A_651 : i32 to index
    %swap3A_671 = arith.index_cast %mul3A_669 : i32 to index
    %swap3A_672 = tpu.vector_load %arg6[%swap3A_670, %swap3A_671] {strides = array<i32>} : memref<4x128xi32, #tpu.memory_space<vmem>>, vector<1x16xi32>,
    %swap3A_673 = vector.shape_cast %swap3A_672 : vector<1x16xi32> to vector<16xi32>
    %swap3A_674 = vector.shape_cast %min3A_627 : vector<16xi32> to vector<1x16xi32>
    tpu.vector_store %arg6[%swap3A_670, %swap3A_671], %swap3A_674 {strides = array<i32>} : memref<4x128xi32, #tpu.memory_space<vmem>>, vector<1x16xi32>,
    %scan3A_675 = arith.constant 8 : i32
    %mul3A_676 = arith.constant 16 : i32
    %mul3A_677 = arith.muli %scan3A_675, %mul3A_676 : i32
    %get3A_678 = arith.index_cast %mul3A_677 : i32 to index
    %get3A_679 = tpu.vector_load %arg5[%get3A_678] {strides = array<i32>} : memref<512xi32, #tpu.memory_space<vmem>>, vector<16xi32>,
    %get3A_680 = vector.shape_cast %get3A_679 : vector<16xi32> to vector<16xi32>
    %ge3A_681 = arith.constant 249856 : i32
    %ge3A_682 = vector.broadcast %ge3A_681 : i32 to vector<16xi32>
    %ge3A_683 = arith.cmpi sge, %get3A_680, %ge3A_682 : vector<16xi32>
    %jit3A_684 = arith.constant 1 : i32
    %jit3A_685 = arith.constant 0 : i32
    %broadcast_in_dim3A_686 = vector.broadcast %jit3A_684 : i32 to vector<16xi32>
    %broadcast_in_dim3A_687 = vector.broadcast %jit3A_685 : i32 to vector<16xi32>
    %select_n3A_688 = arith.select %ge3A_683, %broadcast_in_dim3A_686, %broadcast_in_dim3A_687 : vector<16xi1>, vector<16xi32>
    %ge3A_689 = arith.constant 499712 : i32
    %ge3A_690 = vector.broadcast %ge3A_689 : i32 to vector<16xi32>
    %ge3A_691 = arith.cmpi sge, %get3A_680, %ge3A_690 : vector<16xi32>
    %jit3A_692 = arith.constant 1 : i32
    %jit3A_693 = arith.constant 0 : i32
    %broadcast_in_dim3A_694 = vector.broadcast %jit3A_692 : i32 to vector<16xi32>
    %broadcast_in_dim3A_695 = vector.broadcast %jit3A_693 : i32 to vector<16xi32>
    %select_n3A_696 = arith.select %ge3A_691, %broadcast_in_dim3A_694, %broadcast_in_dim3A_695 : vector<16xi1>, vector<16xi32>
    %ge3A_697 = arith.constant 749568 : i32
    %ge3A_698 = vector.broadcast %ge3A_697 : i32 to vector<16xi32>
    %ge3A_699 = arith.cmpi sge, %get3A_680, %ge3A_698 : vector<16xi32>
    %jit3A_700 = arith.constant 1 : i32
    %jit3A_701 = arith.constant 0 : i32
    %broadcast_in_dim3A_702 = vector.broadcast %jit3A_700 : i32 to vector<16xi32>
    %broadcast_in_dim3A_703 = vector.broadcast %jit3A_701 : i32 to vector<16xi32>
    %select_n3A_704 = arith.select %ge3A_699, %broadcast_in_dim3A_702, %broadcast_in_dim3A_703 : vector<16xi1>, vector<16xi32>
    %add3A_705 = arith.addi %select_n3A_688, %select_n3A_696 : vector<16xi32>
    %add3A_706 = arith.addi %add3A_705, %select_n3A_704 : vector<16xi32>
    %mul3A_707 = arith.constant 249856 : i32
    %mul3A_708 = vector.broadcast %mul3A_707 : i32 to vector<16xi32>
    %mul3A_709 = arith.muli %add3A_706, %mul3A_708 : vector<16xi32>
    %sub3A_710 = arith.subi %get3A_680, %mul3A_709 : vector<16xi32>
    %min3A_711 = arith.constant 249855 : i32
    %min3A_712 = vector.broadcast %min3A_711 : i32 to vector<16xi32>
    %min3A_713 = arith.minsi %sub3A_710, %min3A_712 : vector<16xi32>
    %jit3A_714 = arith.constant 8 : i32
    %div3A_715 = arith.divsi %scan3A_675, %jit3A_714 : i32
    %sign3A_716 = arith.constant 0 : i32
    %sign3A_717 = arith.cmpi sgt, %scan3A_675, %sign3A_716 : i32
    %sign3A_718 = arith.extui %sign3A_717 : i1 to i32
    %sign3A_719 = arith.constant 0 : i32
    %sign3A_720 = arith.cmpi slt, %scan3A_675, %sign3A_719 : i32
    %sign3A_721 = arith.extui %sign3A_720 : i1 to i32
    %sign3A_722 = arith.subi %sign3A_718, %sign3A_721 : i32
    %sign3A_723 = arith.constant 0 : i32
    %sign3A_724 = arith.cmpi sgt, %jit3A_714, %sign3A_723 : i32
    %sign3A_725 = arith.extui %sign3A_724 : i1 to i32
    %sign3A_726 = arith.constant 0 : i32
    %sign3A_727 = arith.cmpi slt, %jit3A_714, %sign3A_726 : i32
    %sign3A_728 = arith.extui %sign3A_727 : i1 to i32
    %sign3A_729 = arith.subi %sign3A_725, %sign3A_728 : i32
    %ne3A_730 = arith.cmpi ne, %sign3A_722, %sign3A_729 : i32
    %rem3A_731 = arith.remsi %scan3A_675, %jit3A_714 : i32
    %ne3A_732 = arith.constant 0 : i32
    %ne3A_733 = arith.cmpi ne, %rem3A_731, %ne3A_732 : i32
    %and3A_734 = arith.andi %ne3A_730, %ne3A_733 : i1
    %sub3A_735 = arith.constant 1 : i32
    %sub3A_736 = arith.subi %div3A_715, %sub3A_735 : i32
    %select_n3A_737 = arith.select %and3A_734, %sub3A_736, %div3A_715 : i32
    %jit3A_738 = arith.constant 8 : i32
    %eq3A_739 = arith.constant 0 : i32
    %eq3A_740 = arith.cmpi eq, %jit3A_738, %eq3A_739 : i32
    %jit3A_741 = arith.constant 1 : i32
    %select_n3A_742 = arith.select %eq3A_740, %jit3A_741, %jit3A_738 : i32
    %rem3A_743 = arith.remsi %scan3A_675, %select_n3A_742 : i32
    %ne3A_744 = arith.constant 0 : i32
    %ne3A_745 = arith.cmpi ne, %rem3A_743, %ne3A_744 : i32
    %lt3A_746 = arith.constant 0 : i32
    %lt3A_747 = arith.cmpi slt, %rem3A_743, %lt3A_746 : i32
    %lt3A_748 = arith.constant 0 : i32
    %lt3A_749 = arith.cmpi slt, %select_n3A_742, %lt3A_748 : i32
    %ne3A_750 = arith.xori %lt3A_747, %lt3A_749 : i1
    %and3A_751 = arith.andi %ne3A_750, %ne3A_745 : i1
    %add3A_752 = arith.addi %rem3A_743, %select_n3A_742 : i32
    %select_n3A_753 = arith.select %and3A_751, %add3A_752, %rem3A_743 : i32
    %mul3A_754 = arith.constant 16 : i32
    %mul3A_755 = arith.muli %select_n3A_753, %mul3A_754 : i32
    %swap3A_756 = arith.index_cast %select_n3A_737 : i32 to index
    %swap3A_757 = arith.index_cast %mul3A_755 : i32 to index
    %swap3A_758 = tpu.vector_load %arg6[%swap3A_756, %swap3A_757] {strides = array<i32>} : memref<4x128xi32, #tpu.memory_space<vmem>>, vector<1x16xi32>,
    %swap3A_759 = vector.shape_cast %swap3A_758 : vector<1x16xi32> to vector<16xi32>
    %swap3A_760 = vector.shape_cast %min3A_713 : vector<16xi32> to vector<1x16xi32>
    tpu.vector_store %arg6[%swap3A_756, %swap3A_757], %swap3A_760 {strides = array<i32>} : memref<4x128xi32, #tpu.memory_space<vmem>>, vector<1x16xi32>,
    %scan3A_761 = arith.constant 9 : i32
    %mul3A_762 = arith.constant 16 : i32
    %mul3A_763 = arith.muli %scan3A_761, %mul3A_762 : i32
    %get3A_764 = arith.index_cast %mul3A_763 : i32 to index
    %get3A_765 = tpu.vector_load %arg5[%get3A_764] {strides = array<i32>} : memref<512xi32, #tpu.memory_space<vmem>>, vector<16xi32>,
    %get3A_766 = vector.shape_cast %get3A_765 : vector<16xi32> to vector<16xi32>
    %ge3A_767 = arith.constant 249856 : i32
    %ge3A_768 = vector.broadcast %ge3A_767 : i32 to vector<16xi32>
    %ge3A_769 = arith.cmpi sge, %get3A_766, %ge3A_768 : vector<16xi32>
    %jit3A_770 = arith.constant 1 : i32
    %jit3A_771 = arith.constant 0 : i32
    %broadcast_in_dim3A_772 = vector.broadcast %jit3A_770 : i32 to vector<16xi32>
    %broadcast_in_dim3A_773 = vector.broadcast %jit3A_771 : i32 to vector<16xi32>
    %select_n3A_774 = arith.select %ge3A_769, %broadcast_in_dim3A_772, %broadcast_in_dim3A_773 : vector<16xi1>, vector<16xi32>
    %ge3A_775 = arith.constant 499712 : i32
    %ge3A_776 = vector.broadcast %ge3A_775 : i32 to vector<16xi32>
    %ge3A_777 = arith.cmpi sge, %get3A_766, %ge3A_776 : vector<16xi32>
    %jit3A_778 = arith.constant 1 : i32
    %jit3A_779 = arith.constant 0 : i32
    %broadcast_in_dim3A_780 = vector.broadcast %jit3A_778 : i32 to vector<16xi32>
    %broadcast_in_dim3A_781 = vector.broadcast %jit3A_779 : i32 to vector<16xi32>
    %select_n3A_782 = arith.select %ge3A_777, %broadcast_in_dim3A_780, %broadcast_in_dim3A_781 : vector<16xi1>, vector<16xi32>
    %ge3A_783 = arith.constant 749568 : i32
    %ge3A_784 = vector.broadcast %ge3A_783 : i32 to vector<16xi32>
    %ge3A_785 = arith.cmpi sge, %get3A_766, %ge3A_784 : vector<16xi32>
    %jit3A_786 = arith.constant 1 : i32
    %jit3A_787 = arith.constant 0 : i32
    %broadcast_in_dim3A_788 = vector.broadcast %jit3A_786 : i32 to vector<16xi32>
    %broadcast_in_dim3A_789 = vector.broadcast %jit3A_787 : i32 to vector<16xi32>
    %select_n3A_790 = arith.select %ge3A_785, %broadcast_in_dim3A_788, %broadcast_in_dim3A_789 : vector<16xi1>, vector<16xi32>
    %add3A_791 = arith.addi %select_n3A_774, %select_n3A_782 : vector<16xi32>
    %add3A_792 = arith.addi %add3A_791, %select_n3A_790 : vector<16xi32>
    %mul3A_793 = arith.constant 249856 : i32
    %mul3A_794 = vector.broadcast %mul3A_793 : i32 to vector<16xi32>
    %mul3A_795 = arith.muli %add3A_792, %mul3A_794 : vector<16xi32>
    %sub3A_796 = arith.subi %get3A_766, %mul3A_795 : vector<16xi32>
    %min3A_797 = arith.constant 249855 : i32
    %min3A_798 = vector.broadcast %min3A_797 : i32 to vector<16xi32>
    %min3A_799 = arith.minsi %sub3A_796, %min3A_798 : vector<16xi32>
    %jit3A_800 = arith.constant 8 : i32
    %div3A_801 = arith.divsi %scan3A_761, %jit3A_800 : i32
    %sign3A_802 = arith.constant 0 : i32
    %sign3A_803 = arith.cmpi sgt, %scan3A_761, %sign3A_802 : i32
    %sign3A_804 = arith.extui %sign3A_803 : i1 to i32
    %sign3A_805 = arith.constant 0 : i32
    %sign3A_806 = arith.cmpi slt, %scan3A_761, %sign3A_805 : i32
    %sign3A_807 = arith.extui %sign3A_806 : i1 to i32
    %sign3A_808 = arith.subi %sign3A_804, %sign3A_807 : i32
    %sign3A_809 = arith.constant 0 : i32
    %sign3A_810 = arith.cmpi sgt, %jit3A_800, %sign3A_809 : i32
    %sign3A_811 = arith.extui %sign3A_810 : i1 to i32
    %sign3A_812 = arith.constant 0 : i32
    %sign3A_813 = arith.cmpi slt, %jit3A_800, %sign3A_812 : i32
    %sign3A_814 = arith.extui %sign3A_813 : i1 to i32
    %sign3A_815 = arith.subi %sign3A_811, %sign3A_814 : i32
    %ne3A_816 = arith.cmpi ne, %sign3A_808, %sign3A_815 : i32
    %rem3A_817 = arith.remsi %scan3A_761, %jit3A_800 : i32
    %ne3A_818 = arith.constant 0 : i32
    %ne3A_819 = arith.cmpi ne, %rem3A_817, %ne3A_818 : i32
    %and3A_820 = arith.andi %ne3A_816, %ne3A_819 : i1
    %sub3A_821 = arith.constant 1 : i32
    %sub3A_822 = arith.subi %div3A_801, %sub3A_821 : i32
    %select_n3A_823 = arith.select %and3A_820, %sub3A_822, %div3A_801 : i32
    %jit3A_824 = arith.constant 8 : i32
    %eq3A_825 = arith.constant 0 : i32
    %eq3A_826 = arith.cmpi eq, %jit3A_824, %eq3A_825 : i32
    %jit3A_827 = arith.constant 1 : i32
    %select_n3A_828 = arith.select %eq3A_826, %jit3A_827, %jit3A_824 : i32
    %rem3A_829 = arith.remsi %scan3A_761, %select_n3A_828 : i32
    %ne3A_830 = arith.constant 0 : i32
    %ne3A_831 = arith.cmpi ne, %rem3A_829, %ne3A_830 : i32
    %lt3A_832 = arith.constant 0 : i32
    %lt3A_833 = arith.cmpi slt, %rem3A_829, %lt3A_832 : i32
    %lt3A_834 = arith.constant 0 : i32
    %lt3A_835 = arith.cmpi slt, %select_n3A_828, %lt3A_834 : i32
    %ne3A_836 = arith.xori %lt3A_833, %lt3A_835 : i1
    %and3A_837 = arith.andi %ne3A_836, %ne3A_831 : i1
    %add3A_838 = arith.addi %rem3A_829, %select_n3A_828 : i32
    %select_n3A_839 = arith.select %and3A_837, %add3A_838, %rem3A_829 : i32
    %mul3A_840 = arith.constant 16 : i32
    %mul3A_841 = arith.muli %select_n3A_839, %mul3A_840 : i32
    %swap3A_842 = arith.index_cast %select_n3A_823 : i32 to index
    %swap3A_843 = arith.index_cast %mul3A_841 : i32 to index
    %swap3A_844 = tpu.vector_load %arg6[%swap3A_842, %swap3A_843] {strides = array<i32>} : memref<4x128xi32, #tpu.memory_space<vmem>>, vector<1x16xi32>,
    %swap3A_845 = vector.shape_cast %swap3A_844 : vector<1x16xi32> to vector<16xi32>
    %swap3A_846 = vector.shape_cast %min3A_799 : vector<16xi32> to vector<1x16xi32>
    tpu.vector_store %arg6[%swap3A_842, %swap3A_843], %swap3A_846 {strides = array<i32>} : memref<4x128xi32, #tpu.memory_space<vmem>>, vector<1x16xi32>,
    %scan3A_847 = arith.constant 10 : i32
    %mul3A_848 = arith.constant 16 : i32
    %mul3A_849 = arith.muli %scan3A_847, %mul3A_848 : i32
    %get3A_850 = arith.index_cast %mul3A_849 : i32 to index
    %get3A_851 = tpu.vector_load %arg5[%get3A_850] {strides = array<i32>} : memref<512xi32, #tpu.memory_space<vmem>>, vector<16xi32>,
    %get3A_852 = vector.shape_cast %get3A_851 : vector<16xi32> to vector<16xi32>
    %ge3A_853 = arith.constant 249856 : i32
    %ge3A_854 = vector.broadcast %ge3A_853 : i32 to vector<16xi32>
    %ge3A_855 = arith.cmpi sge, %get3A_852, %ge3A_854 : vector<16xi32>
    %jit3A_856 = arith.constant 1 : i32
    %jit3A_857 = arith.constant 0 : i32
    %broadcast_in_dim3A_858 = vector.broadcast %jit3A_856 : i32 to vector<16xi32>
    %broadcast_in_dim3A_859 = vector.broadcast %jit3A_857 : i32 to vector<16xi32>
    %select_n3A_860 = arith.select %ge3A_855, %broadcast_in_dim3A_858, %broadcast_in_dim3A_859 : vector<16xi1>, vector<16xi32>
    %ge3A_861 = arith.constant 499712 : i32
    %ge3A_862 = vector.broadcast %ge3A_861 : i32 to vector<16xi32>
    %ge3A_863 = arith.cmpi sge, %get3A_852, %ge3A_862 : vector<16xi32>
    %jit3A_864 = arith.constant 1 : i32
    %jit3A_865 = arith.constant 0 : i32
    %broadcast_in_dim3A_866 = vector.broadcast %jit3A_864 : i32 to vector<16xi32>
    %broadcast_in_dim3A_867 = vector.broadcast %jit3A_865 : i32 to vector<16xi32>
    %select_n3A_868 = arith.select %ge3A_863, %broadcast_in_dim3A_866, %broadcast_in_dim3A_867 : vector<16xi1>, vector<16xi32>
    %ge3A_869 = arith.constant 749568 : i32
    %ge3A_870 = vector.broadcast %ge3A_869 : i32 to vector<16xi32>
    %ge3A_871 = arith.cmpi sge, %get3A_852, %ge3A_870 : vector<16xi32>
    %jit3A_872 = arith.constant 1 : i32
    %jit3A_873 = arith.constant 0 : i32
    %broadcast_in_dim3A_874 = vector.broadcast %jit3A_872 : i32 to vector<16xi32>
    %broadcast_in_dim3A_875 = vector.broadcast %jit3A_873 : i32 to vector<16xi32>
    %select_n3A_876 = arith.select %ge3A_871, %broadcast_in_dim3A_874, %broadcast_in_dim3A_875 : vector<16xi1>, vector<16xi32>
    %add3A_877 = arith.addi %select_n3A_860, %select_n3A_868 : vector<16xi32>
    %add3A_878 = arith.addi %add3A_877, %select_n3A_876 : vector<16xi32>
    %mul3A_879 = arith.constant 249856 : i32
    %mul3A_880 = vector.broadcast %mul3A_879 : i32 to vector<16xi32>
    %mul3A_881 = arith.muli %add3A_878, %mul3A_880 : vector<16xi32>
    %sub3A_882 = arith.subi %get3A_852, %mul3A_881 : vector<16xi32>
    %min3A_883 = arith.constant 249855 : i32
    %min3A_884 = vector.broadcast %min3A_883 : i32 to vector<16xi32>
    %min3A_885 = arith.minsi %sub3A_882, %min3A_884 : vector<16xi32>
    %jit3A_886 = arith.constant 8 : i32
    %div3A_887 = arith.divsi %scan3A_847, %jit3A_886 : i32
    %sign3A_888 = arith.constant 0 : i32
    %sign3A_889 = arith.cmpi sgt, %scan3A_847, %sign3A_888 : i32
    %sign3A_890 = arith.extui %sign3A_889 : i1 to i32
    %sign3A_891 = arith.constant 0 : i32
    %sign3A_892 = arith.cmpi slt, %scan3A_847, %sign3A_891 : i32
    %sign3A_893 = arith.extui %sign3A_892 : i1 to i32
    %sign3A_894 = arith.subi %sign3A_890, %sign3A_893 : i32
    %sign3A_895 = arith.constant 0 : i32
    %sign3A_896 = arith.cmpi sgt, %jit3A_886, %sign3A_895 : i32
    %sign3A_897 = arith.extui %sign3A_896 : i1 to i32
    %sign3A_898 = arith.constant 0 : i32
    %sign3A_899 = arith.cmpi slt, %jit3A_886, %sign3A_898 : i32
    %sign3A_900 = arith.extui %sign3A_899 : i1 to i32
    %sign3A_901 = arith.subi %sign3A_897, %sign3A_900 : i32
    %ne3A_902 = arith.cmpi ne, %sign3A_894, %sign3A_901 : i32
    %rem3A_903 = arith.remsi %scan3A_847, %jit3A_886 : i32
    %ne3A_904 = arith.constant 0 : i32
    %ne3A_905 = arith.cmpi ne, %rem3A_903, %ne3A_904 : i32
    %and3A_906 = arith.andi %ne3A_902, %ne3A_905 : i1
    %sub3A_907 = arith.constant 1 : i32
    %sub3A_908 = arith.subi %div3A_887, %sub3A_907 : i32
    %select_n3A_909 = arith.select %and3A_906, %sub3A_908, %div3A_887 : i32
    %jit3A_910 = arith.constant 8 : i32
    %eq3A_911 = arith.constant 0 : i32
    %eq3A_912 = arith.cmpi eq, %jit3A_910, %eq3A_911 : i32
    %jit3A_913 = arith.constant 1 : i32
    %select_n3A_914 = arith.select %eq3A_912, %jit3A_913, %jit3A_910 : i32
    %rem3A_915 = arith.remsi %scan3A_847, %select_n3A_914 : i32
    %ne3A_916 = arith.constant 0 : i32
    %ne3A_917 = arith.cmpi ne, %rem3A_915, %ne3A_916 : i32
    %lt3A_918 = arith.constant 0 : i32
    %lt3A_919 = arith.cmpi slt, %rem3A_915, %lt3A_918 : i32
    %lt3A_920 = arith.constant 0 : i32
    %lt3A_921 = arith.cmpi slt, %select_n3A_914, %lt3A_920 : i32
    %ne3A_922 = arith.xori %lt3A_919, %lt3A_921 : i1
    %and3A_923 = arith.andi %ne3A_922, %ne3A_917 : i1
    %add3A_924 = arith.addi %rem3A_915, %select_n3A_914 : i32
    %select_n3A_925 = arith.select %and3A_923, %add3A_924, %rem3A_915 : i32
    %mul3A_926 = arith.constant 16 : i32
    %mul3A_927 = arith.muli %select_n3A_925, %mul3A_926 : i32
    %swap3A_928 = arith.index_cast %select_n3A_909 : i32 to index
    %swap3A_929 = arith.index_cast %mul3A_927 : i32 to index
    %swap3A_930 = tpu.vector_load %arg6[%swap3A_928, %swap3A_929] {strides = array<i32>} : memref<4x128xi32, #tpu.memory_space<vmem>>, vector<1x16xi32>,
    %swap3A_931 = vector.shape_cast %swap3A_930 : vector<1x16xi32> to vector<16xi32>
    %swap3A_932 = vector.shape_cast %min3A_885 : vector<16xi32> to vector<1x16xi32>
    tpu.vector_store %arg6[%swap3A_928, %swap3A_929], %swap3A_932 {strides = array<i32>} : memref<4x128xi32, #tpu.memory_space<vmem>>, vector<1x16xi32>,
    %scan3A_933 = arith.constant 11 : i32
    %mul3A_934 = arith.constant 16 : i32
    %mul3A_935 = arith.muli %scan3A_933, %mul3A_934 : i32
    %get3A_936 = arith.index_cast %mul3A_935 : i32 to index
    %get3A_937 = tpu.vector_load %arg5[%get3A_936] {strides = array<i32>} : memref<512xi32, #tpu.memory_space<vmem>>, vector<16xi32>,
    %get3A_938 = vector.shape_cast %get3A_937 : vector<16xi32> to vector<16xi32>
    %ge3A_939 = arith.constant 249856 : i32
    %ge3A_940 = vector.broadcast %ge3A_939 : i32 to vector<16xi32>
    %ge3A_941 = arith.cmpi sge, %get3A_938, %ge3A_940 : vector<16xi32>
    %jit3A_942 = arith.constant 1 : i32
    %jit3A_943 = arith.constant 0 : i32
    %broadcast_in_dim3A_944 = vector.broadcast %jit3A_942 : i32 to vector<16xi32>
    %broadcast_in_dim3A_945 = vector.broadcast %jit3A_943 : i32 to vector<16xi32>
    %select_n3A_946 = arith.select %ge3A_941, %broadcast_in_dim3A_944, %broadcast_in_dim3A_945 : vector<16xi1>, vector<16xi32>
    %ge3A_947 = arith.constant 499712 : i32
    %ge3A_948 = vector.broadcast %ge3A_947 : i32 to vector<16xi32>
    %ge3A_949 = arith.cmpi sge, %get3A_938, %ge3A_948 : vector<16xi32>
    %jit3A_950 = arith.constant 1 : i32
    %jit3A_951 = arith.constant 0 : i32
    %broadcast_in_dim3A_952 = vector.broadcast %jit3A_950 : i32 to vector<16xi32>
    %broadcast_in_dim3A_953 = vector.broadcast %jit3A_951 : i32 to vector<16xi32>
    %select_n3A_954 = arith.select %ge3A_949, %broadcast_in_dim3A_952, %broadcast_in_dim3A_953 : vector<16xi1>, vector<16xi32>
    %ge3A_955 = arith.constant 749568 : i32
    %ge3A_956 = vector.broadcast %ge3A_955 : i32 to vector<16xi32>
    %ge3A_957 = arith.cmpi sge, %get3A_938, %ge3A_956 : vector<16xi32>
    %jit3A_958 = arith.constant 1 : i32
    %jit3A_959 = arith.constant 0 : i32
    %broadcast_in_dim3A_960 = vector.broadcast %jit3A_958 : i32 to vector<16xi32>
    %broadcast_in_dim3A_961 = vector.broadcast %jit3A_959 : i32 to vector<16xi32>
    %select_n3A_962 = arith.select %ge3A_957, %broadcast_in_dim3A_960, %broadcast_in_dim3A_961 : vector<16xi1>, vector<16xi32>
    %add3A_963 = arith.addi %select_n3A_946, %select_n3A_954 : vector<16xi32>
    %add3A_964 = arith.addi %add3A_963, %select_n3A_962 : vector<16xi32>
    %mul3A_965 = arith.constant 249856 : i32
    %mul3A_966 = vector.broadcast %mul3A_965 : i32 to vector<16xi32>
    %mul3A_967 = arith.muli %add3A_964, %mul3A_966 : vector<16xi32>
    %sub3A_968 = arith.subi %get3A_938, %mul3A_967 : vector<16xi32>
    %min3A_969 = arith.constant 249855 : i32
    %min3A_970 = vector.broadcast %min3A_969 : i32 to vector<16xi32>
    %min3A_971 = arith.minsi %sub3A_968, %min3A_970 : vector<16xi32>
    %jit3A_972 = arith.constant 8 : i32
    %div3A_973 = arith.divsi %scan3A_933, %jit3A_972 : i32
    %sign3A_974 = arith.constant 0 : i32
    %sign3A_975 = arith.cmpi sgt, %scan3A_933, %sign3A_974 : i32
    %sign3A_976 = arith.extui %sign3A_975 : i1 to i32
    %sign3A_977 = arith.constant 0 : i32
    %sign3A_978 = arith.cmpi slt, %scan3A_933, %sign3A_977 : i32
    %sign3A_979 = arith.extui %sign3A_978 : i1 to i32
    %sign3A_980 = arith.subi %sign3A_976, %sign3A_979 : i32
    %sign3A_981 = arith.constant 0 : i32
    %sign3A_982 = arith.cmpi sgt, %jit3A_972, %sign3A_981 : i32
    %sign3A_983 = arith.extui %sign3A_982 : i1 to i32
    %sign3A_984 = arith.constant 0 : i32
    %sign3A_985 = arith.cmpi slt, %jit3A_972, %sign3A_984 : i32
    %sign3A_986 = arith.extui %sign3A_985 : i1 to i32
    %sign3A_987 = arith.subi %sign3A_983, %sign3A_986 : i32
    %ne3A_988 = arith.cmpi ne, %sign3A_980, %sign3A_987 : i32
    %rem3A_989 = arith.remsi %scan3A_933, %jit3A_972 : i32
    %ne3A_990 = arith.constant 0 : i32
    %ne3A_991 = arith.cmpi ne, %rem3A_989, %ne3A_990 : i32
    %and3A_992 = arith.andi %ne3A_988, %ne3A_991 : i1
    %sub3A_993 = arith.constant 1 : i32
    %sub3A_994 = arith.subi %div3A_973, %sub3A_993 : i32
    %select_n3A_995 = arith.select %and3A_992, %sub3A_994, %div3A_973 : i32
    %jit3A_996 = arith.constant 8 : i32
    %eq3A_997 = arith.constant 0 : i32
    %eq3A_998 = arith.cmpi eq, %jit3A_996, %eq3A_997 : i32
    %jit3A_999 = arith.constant 1 : i32
    %select_n3A_1000 = arith.select %eq3A_998, %jit3A_999, %jit3A_996 : i32
    %rem3A_1001 = arith.remsi %scan3A_933, %select_n3A_1000 : i32
    %ne3A_1002 = arith.constant 0 : i32
    %ne3A_1003 = arith.cmpi ne, %rem3A_1001, %ne3A_1002 : i32
    %lt3A_1004 = arith.constant 0 : i32
    %lt3A_1005 = arith.cmpi slt, %rem3A_1001, %lt3A_1004 : i32
    %lt3A_1006 = arith.constant 0 : i32
    %lt3A_1007 = arith.cmpi slt, %select_n3A_1000, %lt3A_1006 : i32
    %ne3A_1008 = arith.xori %lt3A_1005, %lt3A_1007 : i1
    %and3A_1009 = arith.andi %ne3A_1008, %ne3A_1003 : i1
    %add3A_1010 = arith.addi %rem3A_1001, %select_n3A_1000 : i32
    %select_n3A_1011 = arith.select %and3A_1009, %add3A_1010, %rem3A_1001 : i32
    %mul3A_1012 = arith.constant 16 : i32
    %mul3A_1013 = arith.muli %select_n3A_1011, %mul3A_1012 : i32
    %swap3A_1014 = arith.index_cast %select_n3A_995 : i32 to index
    %swap3A_1015 = arith.index_cast %mul3A_1013 : i32 to index
    %swap3A_1016 = tpu.vector_load %arg6[%swap3A_1014, %swap3A_1015] {strides = array<i32>} : memref<4x128xi32, #tpu.memory_space<vmem>>, vector<1x16xi32>,
    %swap3A_1017 = vector.shape_cast %swap3A_1016 : vector<1x16xi32> to vector<16xi32>
    %swap3A_1018 = vector.shape_cast %min3A_971 : vector<16xi32> to vector<1x16xi32>
    tpu.vector_store %arg6[%swap3A_1014, %swap3A_1015], %swap3A_1018 {strides = array<i32>} : memref<4x128xi32, #tpu.memory_space<vmem>>, vector<1x16xi32>,
    %scan3A_1019 = arith.constant 12 : i32
    %mul3A_1020 = arith.constant 16 : i32
    %mul3A_1021 = arith.muli %scan3A_1019, %mul3A_1020 : i32
    %get3A_1022 = arith.index_cast %mul3A_1021 : i32 to index
    %get3A_1023 = tpu.vector_load %arg5[%get3A_1022] {strides = array<i32>} : memref<512xi32, #tpu.memory_space<vmem>>, vector<16xi32>,
    %get3A_1024 = vector.shape_cast %get3A_1023 : vector<16xi32> to vector<16xi32>
    %ge3A_1025 = arith.constant 249856 : i32
    %ge3A_1026 = vector.broadcast %ge3A_1025 : i32 to vector<16xi32>
    %ge3A_1027 = arith.cmpi sge, %get3A_1024, %ge3A_1026 : vector<16xi32>
    %jit3A_1028 = arith.constant 1 : i32
    %jit3A_1029 = arith.constant 0 : i32
    %broadcast_in_dim3A_1030 = vector.broadcast %jit3A_1028 : i32 to vector<16xi32>
    %broadcast_in_dim3A_1031 = vector.broadcast %jit3A_1029 : i32 to vector<16xi32>
    %select_n3A_1032 = arith.select %ge3A_1027, %broadcast_in_dim3A_1030, %broadcast_in_dim3A_1031 : vector<16xi1>, vector<16xi32>
    %ge3A_1033 = arith.constant 499712 : i32
    %ge3A_1034 = vector.broadcast %ge3A_1033 : i32 to vector<16xi32>
    %ge3A_1035 = arith.cmpi sge, %get3A_1024, %ge3A_1034 : vector<16xi32>
    %jit3A_1036 = arith.constant 1 : i32
    %jit3A_1037 = arith.constant 0 : i32
    %broadcast_in_dim3A_1038 = vector.broadcast %jit3A_1036 : i32 to vector<16xi32>
    %broadcast_in_dim3A_1039 = vector.broadcast %jit3A_1037 : i32 to vector<16xi32>
    %select_n3A_1040 = arith.select %ge3A_1035, %broadcast_in_dim3A_1038, %broadcast_in_dim3A_1039 : vector<16xi1>, vector<16xi32>
    %ge3A_1041 = arith.constant 749568 : i32
    %ge3A_1042 = vector.broadcast %ge3A_1041 : i32 to vector<16xi32>
    %ge3A_1043 = arith.cmpi sge, %get3A_1024, %ge3A_1042 : vector<16xi32>
    %jit3A_1044 = arith.constant 1 : i32
    %jit3A_1045 = arith.constant 0 : i32
    %broadcast_in_dim3A_1046 = vector.broadcast %jit3A_1044 : i32 to vector<16xi32>
    %broadcast_in_dim3A_1047 = vector.broadcast %jit3A_1045 : i32 to vector<16xi32>
    %select_n3A_1048 = arith.select %ge3A_1043, %broadcast_in_dim3A_1046, %broadcast_in_dim3A_1047 : vector<16xi1>, vector<16xi32>
    %add3A_1049 = arith.addi %select_n3A_1032, %select_n3A_1040 : vector<16xi32>
    %add3A_1050 = arith.addi %add3A_1049, %select_n3A_1048 : vector<16xi32>
    %mul3A_1051 = arith.constant 249856 : i32
    %mul3A_1052 = vector.broadcast %mul3A_1051 : i32 to vector<16xi32>
    %mul3A_1053 = arith.muli %add3A_1050, %mul3A_1052 : vector<16xi32>
    %sub3A_1054 = arith.subi %get3A_1024, %mul3A_1053 : vector<16xi32>
    %min3A_1055 = arith.constant 249855 : i32
    %min3A_1056 = vector.broadcast %min3A_1055 : i32 to vector<16xi32>
    %min3A_1057 = arith.minsi %sub3A_1054, %min3A_1056 : vector<16xi32>
    %jit3A_1058 = arith.constant 8 : i32
    %div3A_1059 = arith.divsi %scan3A_1019, %jit3A_1058 : i32
    %sign3A_1060 = arith.constant 0 : i32
    %sign3A_1061 = arith.cmpi sgt, %scan3A_1019, %sign3A_1060 : i32
    %sign3A_1062 = arith.extui %sign3A_1061 : i1 to i32
    %sign3A_1063 = arith.constant 0 : i32
    %sign3A_1064 = arith.cmpi slt, %scan3A_1019, %sign3A_1063 : i32
    %sign3A_1065 = arith.extui %sign3A_1064 : i1 to i32
    %sign3A_1066 = arith.subi %sign3A_1062, %sign3A_1065 : i32
    %sign3A_1067 = arith.constant 0 : i32
    %sign3A_1068 = arith.cmpi sgt, %jit3A_1058, %sign3A_1067 : i32
    %sign3A_1069 = arith.extui %sign3A_1068 : i1 to i32
    %sign3A_1070 = arith.constant 0 : i32
    %sign3A_1071 = arith.cmpi slt, %jit3A_1058, %sign3A_1070 : i32
    %sign3A_1072 = arith.extui %sign3A_1071 : i1 to i32
    %sign3A_1073 = arith.subi %sign3A_1069, %sign3A_1072 : i32
    %ne3A_1074 = arith.cmpi ne, %sign3A_1066, %sign3A_1073 : i32
    %rem3A_1075 = arith.remsi %scan3A_1019, %jit3A_1058 : i32
    %ne3A_1076 = arith.constant 0 : i32
    %ne3A_1077 = arith.cmpi ne, %rem3A_1075, %ne3A_1076 : i32
    %and3A_1078 = arith.andi %ne3A_1074, %ne3A_1077 : i1
    %sub3A_1079 = arith.constant 1 : i32
    %sub3A_1080 = arith.subi %div3A_1059, %sub3A_1079 : i32
    %select_n3A_1081 = arith.select %and3A_1078, %sub3A_1080, %div3A_1059 : i32
    %jit3A_1082 = arith.constant 8 : i32
    %eq3A_1083 = arith.constant 0 : i32
    %eq3A_1084 = arith.cmpi eq, %jit3A_1082, %eq3A_1083 : i32
    %jit3A_1085 = arith.constant 1 : i32
    %select_n3A_1086 = arith.select %eq3A_1084, %jit3A_1085, %jit3A_1082 : i32
    %rem3A_1087 = arith.remsi %scan3A_1019, %select_n3A_1086 : i32
    %ne3A_1088 = arith.constant 0 : i32
    %ne3A_1089 = arith.cmpi ne, %rem3A_1087, %ne3A_1088 : i32
    %lt3A_1090 = arith.constant 0 : i32
    %lt3A_1091 = arith.cmpi slt, %rem3A_1087, %lt3A_1090 : i32
    %lt3A_1092 = arith.constant 0 : i32
    %lt3A_1093 = arith.cmpi slt, %select_n3A_1086, %lt3A_1092 : i32
    %ne3A_1094 = arith.xori %lt3A_1091, %lt3A_1093 : i1
    %and3A_1095 = arith.andi %ne3A_1094, %ne3A_1089 : i1
    %add3A_1096 = arith.addi %rem3A_1087, %select_n3A_1086 : i32
    %select_n3A_1097 = arith.select %and3A_1095, %add3A_1096, %rem3A_1087 : i32
    %mul3A_1098 = arith.constant 16 : i32
    %mul3A_1099 = arith.muli %select_n3A_1097, %mul3A_1098 : i32
    %swap3A_1100 = arith.index_cast %select_n3A_1081 : i32 to index
    %swap3A_1101 = arith.index_cast %mul3A_1099 : i32 to index
    %swap3A_1102 = tpu.vector_load %arg6[%swap3A_1100, %swap3A_1101] {strides = array<i32>} : memref<4x128xi32, #tpu.memory_space<vmem>>, vector<1x16xi32>,
    %swap3A_1103 = vector.shape_cast %swap3A_1102 : vector<1x16xi32> to vector<16xi32>
    %swap3A_1104 = vector.shape_cast %min3A_1057 : vector<16xi32> to vector<1x16xi32>
    tpu.vector_store %arg6[%swap3A_1100, %swap3A_1101], %swap3A_1104 {strides = array<i32>} : memref<4x128xi32, #tpu.memory_space<vmem>>, vector<1x16xi32>,
    %scan3A_1105 = arith.constant 13 : i32
    %mul3A_1106 = arith.constant 16 : i32
    %mul3A_1107 = arith.muli %scan3A_1105, %mul3A_1106 : i32
    %get3A_1108 = arith.index_cast %mul3A_1107 : i32 to index
    %get3A_1109 = tpu.vector_load %arg5[%get3A_1108] {strides = array<i32>} : memref<512xi32, #tpu.memory_space<vmem>>, vector<16xi32>,
    %get3A_1110 = vector.shape_cast %get3A_1109 : vector<16xi32> to vector<16xi32>
    %ge3A_1111 = arith.constant 249856 : i32
    %ge3A_1112 = vector.broadcast %ge3A_1111 : i32 to vector<16xi32>
    %ge3A_1113 = arith.cmpi sge, %get3A_1110, %ge3A_1112 : vector<16xi32>
    %jit3A_1114 = arith.constant 1 : i32
    %jit3A_1115 = arith.constant 0 : i32
    %broadcast_in_dim3A_1116 = vector.broadcast %jit3A_1114 : i32 to vector<16xi32>
    %broadcast_in_dim3A_1117 = vector.broadcast %jit3A_1115 : i32 to vector<16xi32>
    %select_n3A_1118 = arith.select %ge3A_1113, %broadcast_in_dim3A_1116, %broadcast_in_dim3A_1117 : vector<16xi1>, vector<16xi32>
    %ge3A_1119 = arith.constant 499712 : i32
    %ge3A_1120 = vector.broadcast %ge3A_1119 : i32 to vector<16xi32>
    %ge3A_1121 = arith.cmpi sge, %get3A_1110, %ge3A_1120 : vector<16xi32>
    %jit3A_1122 = arith.constant 1 : i32
    %jit3A_1123 = arith.constant 0 : i32
    %broadcast_in_dim3A_1124 = vector.broadcast %jit3A_1122 : i32 to vector<16xi32>
    %broadcast_in_dim3A_1125 = vector.broadcast %jit3A_1123 : i32 to vector<16xi32>
    %select_n3A_1126 = arith.select %ge3A_1121, %broadcast_in_dim3A_1124, %broadcast_in_dim3A_1125 : vector<16xi1>, vector<16xi32>
    %ge3A_1127 = arith.constant 749568 : i32
    %ge3A_1128 = vector.broadcast %ge3A_1127 : i32 to vector<16xi32>
    %ge3A_1129 = arith.cmpi sge, %get3A_1110, %ge3A_1128 : vector<16xi32>
    %jit3A_1130 = arith.constant 1 : i32
    %jit3A_1131 = arith.constant 0 : i32
    %broadcast_in_dim3A_1132 = vector.broadcast %jit3A_1130 : i32 to vector<16xi32>
    %broadcast_in_dim3A_1133 = vector.broadcast %jit3A_1131 : i32 to vector<16xi32>
    %select_n3A_1134 = arith.select %ge3A_1129, %broadcast_in_dim3A_1132, %broadcast_in_dim3A_1133 : vector<16xi1>, vector<16xi32>
    %add3A_1135 = arith.addi %select_n3A_1118, %select_n3A_1126 : vector<16xi32>
    %add3A_1136 = arith.addi %add3A_1135, %select_n3A_1134 : vector<16xi32>
    %mul3A_1137 = arith.constant 249856 : i32
    %mul3A_1138 = vector.broadcast %mul3A_1137 : i32 to vector<16xi32>
    %mul3A_1139 = arith.muli %add3A_1136, %mul3A_1138 : vector<16xi32>
    %sub3A_1140 = arith.subi %get3A_1110, %mul3A_1139 : vector<16xi32>
    %min3A_1141 = arith.constant 249855 : i32
    %min3A_1142 = vector.broadcast %min3A_1141 : i32 to vector<16xi32>
    %min3A_1143 = arith.minsi %sub3A_1140, %min3A_1142 : vector<16xi32>
    %jit3A_1144 = arith.constant 8 : i32
    %div3A_1145 = arith.divsi %scan3A_1105, %jit3A_1144 : i32
    %sign3A_1146 = arith.constant 0 : i32
    %sign3A_1147 = arith.cmpi sgt, %scan3A_1105, %sign3A_1146 : i32
    %sign3A_1148 = arith.extui %sign3A_1147 : i1 to i32
    %sign3A_1149 = arith.constant 0 : i32
    %sign3A_1150 = arith.cmpi slt, %scan3A_1105, %sign3A_1149 : i32
    %sign3A_1151 = arith.extui %sign3A_1150 : i1 to i32
    %sign3A_1152 = arith.subi %sign3A_1148, %sign3A_1151 : i32
    %sign3A_1153 = arith.constant 0 : i32
    %sign3A_1154 = arith.cmpi sgt, %jit3A_1144, %sign3A_1153 : i32
    %sign3A_1155 = arith.extui %sign3A_1154 : i1 to i32
    %sign3A_1156 = arith.constant 0 : i32
    %sign3A_1157 = arith.cmpi slt, %jit3A_1144, %sign3A_1156 : i32
    %sign3A_1158 = arith.extui %sign3A_1157 : i1 to i32
    %sign3A_1159 = arith.subi %sign3A_1155, %sign3A_1158 : i32
    %ne3A_1160 = arith.cmpi ne, %sign3A_1152, %sign3A_1159 : i32
    %rem3A_1161 = arith.remsi %scan3A_1105, %jit3A_1144 : i32
    %ne3A_1162 = arith.constant 0 : i32
    %ne3A_1163 = arith.cmpi ne, %rem3A_1161, %ne3A_1162 : i32
    %and3A_1164 = arith.andi %ne3A_1160, %ne3A_1163 : i1
    %sub3A_1165 = arith.constant 1 : i32
    %sub3A_1166 = arith.subi %div3A_1145, %sub3A_1165 : i32
    %select_n3A_1167 = arith.select %and3A_1164, %sub3A_1166, %div3A_1145 : i32
    %jit3A_1168 = arith.constant 8 : i32
    %eq3A_1169 = arith.constant 0 : i32
    %eq3A_1170 = arith.cmpi eq, %jit3A_1168, %eq3A_1169 : i32
    %jit3A_1171 = arith.constant 1 : i32
    %select_n3A_1172 = arith.select %eq3A_1170, %jit3A_1171, %jit3A_1168 : i32
    %rem3A_1173 = arith.remsi %scan3A_1105, %select_n3A_1172 : i32
    %ne3A_1174 = arith.constant 0 : i32
    %ne3A_1175 = arith.cmpi ne, %rem3A_1173, %ne3A_1174 : i32
    %lt3A_1176 = arith.constant 0 : i32
    %lt3A_1177 = arith.cmpi slt, %rem3A_1173, %lt3A_1176 : i32
    %lt3A_1178 = arith.constant 0 : i32
    %lt3A_1179 = arith.cmpi slt, %select_n3A_1172, %lt3A_1178 : i32
    %ne3A_1180 = arith.xori %lt3A_1177, %lt3A_1179 : i1
    %and3A_1181 = arith.andi %ne3A_1180, %ne3A_1175 : i1
    %add3A_1182 = arith.addi %rem3A_1173, %select_n3A_1172 : i32
    %select_n3A_1183 = arith.select %and3A_1181, %add3A_1182, %rem3A_1173 : i32
    %mul3A_1184 = arith.constant 16 : i32
    %mul3A_1185 = arith.muli %select_n3A_1183, %mul3A_1184 : i32
    %swap3A_1186 = arith.index_cast %select_n3A_1167 : i32 to index
    %swap3A_1187 = arith.index_cast %mul3A_1185 : i32 to index
    %swap3A_1188 = tpu.vector_load %arg6[%swap3A_1186, %swap3A_1187] {strides = array<i32>} : memref<4x128xi32, #tpu.memory_space<vmem>>, vector<1x16xi32>,
    %swap3A_1189 = vector.shape_cast %swap3A_1188 : vector<1x16xi32> to vector<16xi32>
    %swap3A_1190 = vector.shape_cast %min3A_1143 : vector<16xi32> to vector<1x16xi32>
    tpu.vector_store %arg6[%swap3A_1186, %swap3A_1187], %swap3A_1190 {strides = array<i32>} : memref<4x128xi32, #tpu.memory_space<vmem>>, vector<1x16xi32>,
    %scan3A_1191 = arith.constant 14 : i32
    %mul3A_1192 = arith.constant 16 : i32
    %mul3A_1193 = arith.muli %scan3A_1191, %mul3A_1192 : i32
    %get3A_1194 = arith.index_cast %mul3A_1193 : i32 to index
    %get3A_1195 = tpu.vector_load %arg5[%get3A_1194] {strides = array<i32>} : memref<512xi32, #tpu.memory_space<vmem>>, vector<16xi32>,
    %get3A_1196 = vector.shape_cast %get3A_1195 : vector<16xi32> to vector<16xi32>
    %ge3A_1197 = arith.constant 249856 : i32
    %ge3A_1198 = vector.broadcast %ge3A_1197 : i32 to vector<16xi32>
    %ge3A_1199 = arith.cmpi sge, %get3A_1196, %ge3A_1198 : vector<16xi32>
    %jit3A_1200 = arith.constant 1 : i32
    %jit3A_1201 = arith.constant 0 : i32
    %broadcast_in_dim3A_1202 = vector.broadcast %jit3A_1200 : i32 to vector<16xi32>
    %broadcast_in_dim3A_1203 = vector.broadcast %jit3A_1201 : i32 to vector<16xi32>
    %select_n3A_1204 = arith.select %ge3A_1199, %broadcast_in_dim3A_1202, %broadcast_in_dim3A_1203 : vector<16xi1>, vector<16xi32>
    %ge3A_1205 = arith.constant 499712 : i32
    %ge3A_1206 = vector.broadcast %ge3A_1205 : i32 to vector<16xi32>
    %ge3A_1207 = arith.cmpi sge, %get3A_1196, %ge3A_1206 : vector<16xi32>
    %jit3A_1208 = arith.constant 1 : i32
    %jit3A_1209 = arith.constant 0 : i32
    %broadcast_in_dim3A_1210 = vector.broadcast %jit3A_1208 : i32 to vector<16xi32>
    %broadcast_in_dim3A_1211 = vector.broadcast %jit3A_1209 : i32 to vector<16xi32>
    %select_n3A_1212 = arith.select %ge3A_1207, %broadcast_in_dim3A_1210, %broadcast_in_dim3A_1211 : vector<16xi1>, vector<16xi32>
    %ge3A_1213 = arith.constant 749568 : i32
    %ge3A_1214 = vector.broadcast %ge3A_1213 : i32 to vector<16xi32>
    %ge3A_1215 = arith.cmpi sge, %get3A_1196, %ge3A_1214 : vector<16xi32>
    %jit3A_1216 = arith.constant 1 : i32
    %jit3A_1217 = arith.constant 0 : i32
    %broadcast_in_dim3A_1218 = vector.broadcast %jit3A_1216 : i32 to vector<16xi32>
    %broadcast_in_dim3A_1219 = vector.broadcast %jit3A_1217 : i32 to vector<16xi32>
    %select_n3A_1220 = arith.select %ge3A_1215, %broadcast_in_dim3A_1218, %broadcast_in_dim3A_1219 : vector<16xi1>, vector<16xi32>
    %add3A_1221 = arith.addi %select_n3A_1204, %select_n3A_1212 : vector<16xi32>
    %add3A_1222 = arith.addi %add3A_1221, %select_n3A_1220 : vector<16xi32>
    %mul3A_1223 = arith.constant 249856 : i32
    %mul3A_1224 = vector.broadcast %mul3A_1223 : i32 to vector<16xi32>
    %mul3A_1225 = arith.muli %add3A_1222, %mul3A_1224 : vector<16xi32>
    %sub3A_1226 = arith.subi %get3A_1196, %mul3A_1225 : vector<16xi32>
    %min3A_1227 = arith.constant 249855 : i32
    %min3A_1228 = vector.broadcast %min3A_1227 : i32 to vector<16xi32>
    %min3A_1229 = arith.minsi %sub3A_1226, %min3A_1228 : vector<16xi32>
    %jit3A_1230 = arith.constant 8 : i32
    %div3A_1231 = arith.divsi %scan3A_1191, %jit3A_1230 : i32
    %sign3A_1232 = arith.constant 0 : i32
    %sign3A_1233 = arith.cmpi sgt, %scan3A_1191, %sign3A_1232 : i32
    %sign3A_1234 = arith.extui %sign3A_1233 : i1 to i32
    %sign3A_1235 = arith.constant 0 : i32
    %sign3A_1236 = arith.cmpi slt, %scan3A_1191, %sign3A_1235 : i32
    %sign3A_1237 = arith.extui %sign3A_1236 : i1 to i32
    %sign3A_1238 = arith.subi %sign3A_1234, %sign3A_1237 : i32
    %sign3A_1239 = arith.constant 0 : i32
    %sign3A_1240 = arith.cmpi sgt, %jit3A_1230, %sign3A_1239 : i32
    %sign3A_1241 = arith.extui %sign3A_1240 : i1 to i32
    %sign3A_1242 = arith.constant 0 : i32
    %sign3A_1243 = arith.cmpi slt, %jit3A_1230, %sign3A_1242 : i32
    %sign3A_1244 = arith.extui %sign3A_1243 : i1 to i32
    %sign3A_1245 = arith.subi %sign3A_1241, %sign3A_1244 : i32
    %ne3A_1246 = arith.cmpi ne, %sign3A_1238, %sign3A_1245 : i32
    %rem3A_1247 = arith.remsi %scan3A_1191, %jit3A_1230 : i32
    %ne3A_1248 = arith.constant 0 : i32
    %ne3A_1249 = arith.cmpi ne, %rem3A_1247, %ne3A_1248 : i32
    %and3A_1250 = arith.andi %ne3A_1246, %ne3A_1249 : i1
    %sub3A_1251 = arith.constant 1 : i32
    %sub3A_1252 = arith.subi %div3A_1231, %sub3A_1251 : i32
    %select_n3A_1253 = arith.select %and3A_1250, %sub3A_1252, %div3A_1231 : i32
    %jit3A_1254 = arith.constant 8 : i32
    %eq3A_1255 = arith.constant 0 : i32
    %eq3A_1256 = arith.cmpi eq, %jit3A_1254, %eq3A_1255 : i32
    %jit3A_1257 = arith.constant 1 : i32
    %select_n3A_1258 = arith.select %eq3A_1256, %jit3A_1257, %jit3A_1254 : i32
    %rem3A_1259 = arith.remsi %scan3A_1191, %select_n3A_1258 : i32
    %ne3A_1260 = arith.constant 0 : i32
    %ne3A_1261 = arith.cmpi ne, %rem3A_1259, %ne3A_1260 : i32
    %lt3A_1262 = arith.constant 0 : i32
    %lt3A_1263 = arith.cmpi slt, %rem3A_1259, %lt3A_1262 : i32
    %lt3A_1264 = arith.constant 0 : i32
    %lt3A_1265 = arith.cmpi slt, %select_n3A_1258, %lt3A_1264 : i32
    %ne3A_1266 = arith.xori %lt3A_1263, %lt3A_1265 : i1
    %and3A_1267 = arith.andi %ne3A_1266, %ne3A_1261 : i1
    %add3A_1268 = arith.addi %rem3A_1259, %select_n3A_1258 : i32
    %select_n3A_1269 = arith.select %and3A_1267, %add3A_1268, %rem3A_1259 : i32
    %mul3A_1270 = arith.constant 16 : i32
    %mul3A_1271 = arith.muli %select_n3A_1269, %mul3A_1270 : i32
    %swap3A_1272 = arith.index_cast %select_n3A_1253 : i32 to index
    %swap3A_1273 = arith.index_cast %mul3A_1271 : i32 to index
    %swap3A_1274 = tpu.vector_load %arg6[%swap3A_1272, %swap3A_1273] {strides = array<i32>} : memref<4x128xi32, #tpu.memory_space<vmem>>, vector<1x16xi32>,
    %swap3A_1275 = vector.shape_cast %swap3A_1274 : vector<1x16xi32> to vector<16xi32>
    %swap3A_1276 = vector.shape_cast %min3A_1229 : vector<16xi32> to vector<1x16xi32>
    tpu.vector_store %arg6[%swap3A_1272, %swap3A_1273], %swap3A_1276 {strides = array<i32>} : memref<4x128xi32, #tpu.memory_space<vmem>>, vector<1x16xi32>,
    %scan3A_1277 = arith.constant 15 : i32
    %mul3A_1278 = arith.constant 16 : i32
    %mul3A_1279 = arith.muli %scan3A_1277, %mul3A_1278 : i32
    %get3A_1280 = arith.index_cast %mul3A_1279 : i32 to index
    %get3A_1281 = tpu.vector_load %arg5[%get3A_1280] {strides = array<i32>} : memref<512xi32, #tpu.memory_space<vmem>>, vector<16xi32>,
    %get3A_1282 = vector.shape_cast %get3A_1281 : vector<16xi32> to vector<16xi32>
    %ge3A_1283 = arith.constant 249856 : i32
    %ge3A_1284 = vector.broadcast %ge3A_1283 : i32 to vector<16xi32>
    %ge3A_1285 = arith.cmpi sge, %get3A_1282, %ge3A_1284 : vector<16xi32>
    %jit3A_1286 = arith.constant 1 : i32
    %jit3A_1287 = arith.constant 0 : i32
    %broadcast_in_dim3A_1288 = vector.broadcast %jit3A_1286 : i32 to vector<16xi32>
    %broadcast_in_dim3A_1289 = vector.broadcast %jit3A_1287 : i32 to vector<16xi32>
    %select_n3A_1290 = arith.select %ge3A_1285, %broadcast_in_dim3A_1288, %broadcast_in_dim3A_1289 : vector<16xi1>, vector<16xi32>
    %ge3A_1291 = arith.constant 499712 : i32
    %ge3A_1292 = vector.broadcast %ge3A_1291 : i32 to vector<16xi32>
    %ge3A_1293 = arith.cmpi sge, %get3A_1282, %ge3A_1292 : vector<16xi32>
    %jit3A_1294 = arith.constant 1 : i32
    %jit3A_1295 = arith.constant 0 : i32
    %broadcast_in_dim3A_1296 = vector.broadcast %jit3A_1294 : i32 to vector<16xi32>
    %broadcast_in_dim3A_1297 = vector.broadcast %jit3A_1295 : i32 to vector<16xi32>
    %select_n3A_1298 = arith.select %ge3A_1293, %broadcast_in_dim3A_1296, %broadcast_in_dim3A_1297 : vector<16xi1>, vector<16xi32>
    %ge3A_1299 = arith.constant 749568 : i32
    %ge3A_1300 = vector.broadcast %ge3A_1299 : i32 to vector<16xi32>
    %ge3A_1301 = arith.cmpi sge, %get3A_1282, %ge3A_1300 : vector<16xi32>
    %jit3A_1302 = arith.constant 1 : i32
    %jit3A_1303 = arith.constant 0 : i32
    %broadcast_in_dim3A_1304 = vector.broadcast %jit3A_1302 : i32 to vector<16xi32>
    %broadcast_in_dim3A_1305 = vector.broadcast %jit3A_1303 : i32 to vector<16xi32>
    %select_n3A_1306 = arith.select %ge3A_1301, %broadcast_in_dim3A_1304, %broadcast_in_dim3A_1305 : vector<16xi1>, vector<16xi32>
    %add3A_1307 = arith.addi %select_n3A_1290, %select_n3A_1298 : vector<16xi32>
    %add3A_1308 = arith.addi %add3A_1307, %select_n3A_1306 : vector<16xi32>
    %mul3A_1309 = arith.constant 249856 : i32
    %mul3A_1310 = vector.broadcast %mul3A_1309 : i32 to vector<16xi32>
    %mul3A_1311 = arith.muli %add3A_1308, %mul3A_1310 : vector<16xi32>
    %sub3A_1312 = arith.subi %get3A_1282, %mul3A_1311 : vector<16xi32>
    %min3A_1313 = arith.constant 249855 : i32
    %min3A_1314 = vector.broadcast %min3A_1313 : i32 to vector<16xi32>
    %min3A_1315 = arith.minsi %sub3A_1312, %min3A_1314 : vector<16xi32>
    %jit3A_1316 = arith.constant 8 : i32
    %div3A_1317 = arith.divsi %scan3A_1277, %jit3A_1316 : i32
    %sign3A_1318 = arith.constant 0 : i32
    %sign3A_1319 = arith.cmpi sgt, %scan3A_1277, %sign3A_1318 : i32
    %sign3A_1320 = arith.extui %sign3A_1319 : i1 to i32
    %sign3A_1321 = arith.constant 0 : i32
    %sign3A_1322 = arith.cmpi slt, %scan3A_1277, %sign3A_1321 : i32
    %sign3A_1323 = arith.extui %sign3A_1322 : i1 to i32
    %sign3A_1324 = arith.subi %sign3A_1320, %sign3A_1323 : i32
    %sign3A_1325 = arith.constant 0 : i32
    %sign3A_1326 = arith.cmpi sgt, %jit3A_1316, %sign3A_1325 : i32
    %sign3A_1327 = arith.extui %sign3A_1326 : i1 to i32
    %sign3A_1328 = arith.constant 0 : i32
    %sign3A_1329 = arith.cmpi slt, %jit3A_1316, %sign3A_1328 : i32
    %sign3A_1330 = arith.extui %sign3A_1329 : i1 to i32
    %sign3A_1331 = arith.subi %sign3A_1327, %sign3A_1330 : i32
    %ne3A_1332 = arith.cmpi ne, %sign3A_1324, %sign3A_1331 : i32
    %rem3A_1333 = arith.remsi %scan3A_1277, %jit3A_1316 : i32
    %ne3A_1334 = arith.constant 0 : i32
    %ne3A_1335 = arith.cmpi ne, %rem3A_1333, %ne3A_1334 : i32
    %and3A_1336 = arith.andi %ne3A_1332, %ne3A_1335 : i1
    %sub3A_1337 = arith.constant 1 : i32
    %sub3A_1338 = arith.subi %div3A_1317, %sub3A_1337 : i32
    %select_n3A_1339 = arith.select %and3A_1336, %sub3A_1338, %div3A_1317 : i32
    %jit3A_1340 = arith.constant 8 : i32
    %eq3A_1341 = arith.constant 0 : i32
    %eq3A_1342 = arith.cmpi eq, %jit3A_1340, %eq3A_1341 : i32
    %jit3A_1343 = arith.constant 1 : i32
    %select_n3A_1344 = arith.select %eq3A_1342, %jit3A_1343, %jit3A_1340 : i32
    %rem3A_1345 = arith.remsi %scan3A_1277, %select_n3A_1344 : i32
    %ne3A_1346 = arith.constant 0 : i32
    %ne3A_1347 = arith.cmpi ne, %rem3A_1345, %ne3A_1346 : i32
    %lt3A_1348 = arith.constant 0 : i32
    %lt3A_1349 = arith.cmpi slt, %rem3A_1345, %lt3A_1348 : i32
    %lt3A_1350 = arith.constant 0 : i32
    %lt3A_1351 = arith.cmpi slt, %select_n3A_1344, %lt3A_1350 : i32
    %ne3A_1352 = arith.xori %lt3A_1349, %lt3A_1351 : i1
    %and3A_1353 = arith.andi %ne3A_1352, %ne3A_1347 : i1
    %add3A_1354 = arith.addi %rem3A_1345, %select_n3A_1344 : i32
    %select_n3A_1355 = arith.select %and3A_1353, %add3A_1354, %rem3A_1345 : i32
    %mul3A_1356 = arith.constant 16 : i32
    %mul3A_1357 = arith.muli %select_n3A_1355, %mul3A_1356 : i32
    %swap3A_1358 = arith.index_cast %select_n3A_1339 : i32 to index
    %swap3A_1359 = arith.index_cast %mul3A_1357 : i32 to index
    %swap3A_1360 = tpu.vector_load %arg6[%swap3A_1358, %swap3A_1359] {strides = array<i32>} : memref<4x128xi32, #tpu.memory_space<vmem>>, vector<1x16xi32>,
    %swap3A_1361 = vector.shape_cast %swap3A_1360 : vector<1x16xi32> to vector<16xi32>
    %swap3A_1362 = vector.shape_cast %min3A_1315 : vector<16xi32> to vector<1x16xi32>
    tpu.vector_store %arg6[%swap3A_1358, %swap3A_1359], %swap3A_1362 {strides = array<i32>} : memref<4x128xi32, #tpu.memory_space<vmem>>, vector<1x16xi32>,
    %scan3A_1363 = arith.constant 16 : i32
    %mul3A_1364 = arith.constant 16 : i32
    %mul3A_1365 = arith.muli %scan3A_1363, %mul3A_1364 : i32
    %get3A_1366 = arith.index_cast %mul3A_1365 : i32 to index
    %get3A_1367 = tpu.vector_load %arg5[%get3A_1366] {strides = array<i32>} : memref<512xi32, #tpu.memory_space<vmem>>, vector<16xi32>,
    %get3A_1368 = vector.shape_cast %get3A_1367 : vector<16xi32> to vector<16xi32>
    %ge3A_1369 = arith.constant 249856 : i32
    %ge3A_1370 = vector.broadcast %ge3A_1369 : i32 to vector<16xi32>
    %ge3A_1371 = arith.cmpi sge, %get3A_1368, %ge3A_1370 : vector<16xi32>
    %jit3A_1372 = arith.constant 1 : i32
    %jit3A_1373 = arith.constant 0 : i32
    %broadcast_in_dim3A_1374 = vector.broadcast %jit3A_1372 : i32 to vector<16xi32>
    %broadcast_in_dim3A_1375 = vector.broadcast %jit3A_1373 : i32 to vector<16xi32>
    %select_n3A_1376 = arith.select %ge3A_1371, %broadcast_in_dim3A_1374, %broadcast_in_dim3A_1375 : vector<16xi1>, vector<16xi32>
    %ge3A_1377 = arith.constant 499712 : i32
    %ge3A_1378 = vector.broadcast %ge3A_1377 : i32 to vector<16xi32>
    %ge3A_1379 = arith.cmpi sge, %get3A_1368, %ge3A_1378 : vector<16xi32>
    %jit3A_1380 = arith.constant 1 : i32
    %jit3A_1381 = arith.constant 0 : i32
    %broadcast_in_dim3A_1382 = vector.broadcast %jit3A_1380 : i32 to vector<16xi32>
    %broadcast_in_dim3A_1383 = vector.broadcast %jit3A_1381 : i32 to vector<16xi32>
    %select_n3A_1384 = arith.select %ge3A_1379, %broadcast_in_dim3A_1382, %broadcast_in_dim3A_1383 : vector<16xi1>, vector<16xi32>
    %ge3A_1385 = arith.constant 749568 : i32
    %ge3A_1386 = vector.broadcast %ge3A_1385 : i32 to vector<16xi32>
    %ge3A_1387 = arith.cmpi sge, %get3A_1368, %ge3A_1386 : vector<16xi32>
    %jit3A_1388 = arith.constant 1 : i32
    %jit3A_1389 = arith.constant 0 : i32
    %broadcast_in_dim3A_1390 = vector.broadcast %jit3A_1388 : i32 to vector<16xi32>
    %broadcast_in_dim3A_1391 = vector.broadcast %jit3A_1389 : i32 to vector<16xi32>
    %select_n3A_1392 = arith.select %ge3A_1387, %broadcast_in_dim3A_1390, %broadcast_in_dim3A_1391 : vector<16xi1>, vector<16xi32>
    %add3A_1393 = arith.addi %select_n3A_1376, %select_n3A_1384 : vector<16xi32>
    %add3A_1394 = arith.addi %add3A_1393, %select_n3A_1392 : vector<16xi32>
    %mul3A_1395 = arith.constant 249856 : i32
    %mul3A_1396 = vector.broadcast %mul3A_1395 : i32 to vector<16xi32>
    %mul3A_1397 = arith.muli %add3A_1394, %mul3A_1396 : vector<16xi32>
    %sub3A_1398 = arith.subi %get3A_1368, %mul3A_1397 : vector<16xi32>
    %min3A_1399 = arith.constant 249855 : i32
    %min3A_1400 = vector.broadcast %min3A_1399 : i32 to vector<16xi32>
    %min3A_1401 = arith.minsi %sub3A_1398, %min3A_1400 : vector<16xi32>
    %jit3A_1402 = arith.constant 8 : i32
    %div3A_1403 = arith.divsi %scan3A_1363, %jit3A_1402 : i32
    %sign3A_1404 = arith.constant 0 : i32
    %sign3A_1405 = arith.cmpi sgt, %scan3A_1363, %sign3A_1404 : i32
    %sign3A_1406 = arith.extui %sign3A_1405 : i1 to i32
    %sign3A_1407 = arith.constant 0 : i32
    %sign3A_1408 = arith.cmpi slt, %scan3A_1363, %sign3A_1407 : i32
    %sign3A_1409 = arith.extui %sign3A_1408 : i1 to i32
    %sign3A_1410 = arith.subi %sign3A_1406, %sign3A_1409 : i32
    %sign3A_1411 = arith.constant 0 : i32
    %sign3A_1412 = arith.cmpi sgt, %jit3A_1402, %sign3A_1411 : i32
    %sign3A_1413 = arith.extui %sign3A_1412 : i1 to i32
    %sign3A_1414 = arith.constant 0 : i32
    %sign3A_1415 = arith.cmpi slt, %jit3A_1402, %sign3A_1414 : i32
    %sign3A_1416 = arith.extui %sign3A_1415 : i1 to i32
    %sign3A_1417 = arith.subi %sign3A_1413, %sign3A_1416 : i32
    %ne3A_1418 = arith.cmpi ne, %sign3A_1410, %sign3A_1417 : i32
    %rem3A_1419 = arith.remsi %scan3A_1363, %jit3A_1402 : i32
    %ne3A_1420 = arith.constant 0 : i32
    %ne3A_1421 = arith.cmpi ne, %rem3A_1419, %ne3A_1420 : i32
    %and3A_1422 = arith.andi %ne3A_1418, %ne3A_1421 : i1
    %sub3A_1423 = arith.constant 1 : i32
    %sub3A_1424 = arith.subi %div3A_1403, %sub3A_1423 : i32
    %select_n3A_1425 = arith.select %and3A_1422, %sub3A_1424, %div3A_1403 : i32
    %jit3A_1426 = arith.constant 8 : i32
    %eq3A_1427 = arith.constant 0 : i32
    %eq3A_1428 = arith.cmpi eq, %jit3A_1426, %eq3A_1427 : i32
    %jit3A_1429 = arith.constant 1 : i32
    %select_n3A_1430 = arith.select %eq3A_1428, %jit3A_1429, %jit3A_1426 : i32
    %rem3A_1431 = arith.remsi %scan3A_1363, %select_n3A_1430 : i32
    %ne3A_1432 = arith.constant 0 : i32
    %ne3A_1433 = arith.cmpi ne, %rem3A_1431, %ne3A_1432 : i32
    %lt3A_1434 = arith.constant 0 : i32
    %lt3A_1435 = arith.cmpi slt, %rem3A_1431, %lt3A_1434 : i32
    %lt3A_1436 = arith.constant 0 : i32
    %lt3A_1437 = arith.cmpi slt, %select_n3A_1430, %lt3A_1436 : i32
    %ne3A_1438 = arith.xori %lt3A_1435, %lt3A_1437 : i1
    %and3A_1439 = arith.andi %ne3A_1438, %ne3A_1433 : i1
    %add3A_1440 = arith.addi %rem3A_1431, %select_n3A_1430 : i32
    %select_n3A_1441 = arith.select %and3A_1439, %add3A_1440, %rem3A_1431 : i32
    %mul3A_1442 = arith.constant 16 : i32
    %mul3A_1443 = arith.muli %select_n3A_1441, %mul3A_1442 : i32
    %swap3A_1444 = arith.index_cast %select_n3A_1425 : i32 to index
    %swap3A_1445 = arith.index_cast %mul3A_1443 : i32 to index
    %swap3A_1446 = tpu.vector_load %arg6[%swap3A_1444, %swap3A_1445] {strides = array<i32>} : memref<4x128xi32, #tpu.memory_space<vmem>>, vector<1x16xi32>,
    %swap3A_1447 = vector.shape_cast %swap3A_1446 : vector<1x16xi32> to vector<16xi32>
    %swap3A_1448 = vector.shape_cast %min3A_1401 : vector<16xi32> to vector<1x16xi32>
    tpu.vector_store %arg6[%swap3A_1444, %swap3A_1445], %swap3A_1448 {strides = array<i32>} : memref<4x128xi32, #tpu.memory_space<vmem>>, vector<1x16xi32>,
    %scan3A_1449 = arith.constant 17 : i32
    %mul3A_1450 = arith.constant 16 : i32
    %mul3A_1451 = arith.muli %scan3A_1449, %mul3A_1450 : i32
    %get3A_1452 = arith.index_cast %mul3A_1451 : i32 to index
    %get3A_1453 = tpu.vector_load %arg5[%get3A_1452] {strides = array<i32>} : memref<512xi32, #tpu.memory_space<vmem>>, vector<16xi32>,
    %get3A_1454 = vector.shape_cast %get3A_1453 : vector<16xi32> to vector<16xi32>
    %ge3A_1455 = arith.constant 249856 : i32
    %ge3A_1456 = vector.broadcast %ge3A_1455 : i32 to vector<16xi32>
    %ge3A_1457 = arith.cmpi sge, %get3A_1454, %ge3A_1456 : vector<16xi32>
    %jit3A_1458 = arith.constant 1 : i32
    %jit3A_1459 = arith.constant 0 : i32
    %broadcast_in_dim3A_1460 = vector.broadcast %jit3A_1458 : i32 to vector<16xi32>
    %broadcast_in_dim3A_1461 = vector.broadcast %jit3A_1459 : i32 to vector<16xi32>
    %select_n3A_1462 = arith.select %ge3A_1457, %broadcast_in_dim3A_1460, %broadcast_in_dim3A_1461 : vector<16xi1>, vector<16xi32>
    %ge3A_1463 = arith.constant 499712 : i32
    %ge3A_1464 = vector.broadcast %ge3A_1463 : i32 to vector<16xi32>
    %ge3A_1465 = arith.cmpi sge, %get3A_1454, %ge3A_1464 : vector<16xi32>
    %jit3A_1466 = arith.constant 1 : i32
    %jit3A_1467 = arith.constant 0 : i32
    %broadcast_in_dim3A_1468 = vector.broadcast %jit3A_1466 : i32 to vector<16xi32>
    %broadcast_in_dim3A_1469 = vector.broadcast %jit3A_1467 : i32 to vector<16xi32>
    %select_n3A_1470 = arith.select %ge3A_1465, %broadcast_in_dim3A_1468, %broadcast_in_dim3A_1469 : vector<16xi1>, vector<16xi32>
    %ge3A_1471 = arith.constant 749568 : i32
    %ge3A_1472 = vector.broadcast %ge3A_1471 : i32 to vector<16xi32>
    %ge3A_1473 = arith.cmpi sge, %get3A_1454, %ge3A_1472 : vector<16xi32>
    %jit3A_1474 = arith.constant 1 : i32
    %jit3A_1475 = arith.constant 0 : i32
    %broadcast_in_dim3A_1476 = vector.broadcast %jit3A_1474 : i32 to vector<16xi32>
    %broadcast_in_dim3A_1477 = vector.broadcast %jit3A_1475 : i32 to vector<16xi32>
    %select_n3A_1478 = arith.select %ge3A_1473, %broadcast_in_dim3A_1476, %broadcast_in_dim3A_1477 : vector<16xi1>, vector<16xi32>
    %add3A_1479 = arith.addi %select_n3A_1462, %select_n3A_1470 : vector<16xi32>
    %add3A_1480 = arith.addi %add3A_1479, %select_n3A_1478 : vector<16xi32>
    %mul3A_1481 = arith.constant 249856 : i32
    %mul3A_1482 = vector.broadcast %mul3A_1481 : i32 to vector<16xi32>
    %mul3A_1483 = arith.muli %add3A_1480, %mul3A_1482 : vector<16xi32>
    %sub3A_1484 = arith.subi %get3A_1454, %mul3A_1483 : vector<16xi32>
    %min3A_1485 = arith.constant 249855 : i32
    %min3A_1486 = vector.broadcast %min3A_1485 : i32 to vector<16xi32>
    %min3A_1487 = arith.minsi %sub3A_1484, %min3A_1486 : vector<16xi32>
    %jit3A_1488 = arith.constant 8 : i32
    %div3A_1489 = arith.divsi %scan3A_1449, %jit3A_1488 : i32
    %sign3A_1490 = arith.constant 0 : i32
    %sign3A_1491 = arith.cmpi sgt, %scan3A_1449, %sign3A_1490 : i32
    %sign3A_1492 = arith.extui %sign3A_1491 : i1 to i32
    %sign3A_1493 = arith.constant 0 : i32
    %sign3A_1494 = arith.cmpi slt, %scan3A_1449, %sign3A_1493 : i32
    %sign3A_1495 = arith.extui %sign3A_1494 : i1 to i32
    %sign3A_1496 = arith.subi %sign3A_1492, %sign3A_1495 : i32
    %sign3A_1497 = arith.constant 0 : i32
    %sign3A_1498 = arith.cmpi sgt, %jit3A_1488, %sign3A_1497 : i32
    %sign3A_1499 = arith.extui %sign3A_1498 : i1 to i32
    %sign3A_1500 = arith.constant 0 : i32
    %sign3A_1501 = arith.cmpi slt, %jit3A_1488, %sign3A_1500 : i32
    %sign3A_1502 = arith.extui %sign3A_1501 : i1 to i32
    %sign3A_1503 = arith.subi %sign3A_1499, %sign3A_1502 : i32
    %ne3A_1504 = arith.cmpi ne, %sign3A_1496, %sign3A_1503 : i32
    %rem3A_1505 = arith.remsi %scan3A_1449, %jit3A_1488 : i32
    %ne3A_1506 = arith.constant 0 : i32
    %ne3A_1507 = arith.cmpi ne, %rem3A_1505, %ne3A_1506 : i32
    %and3A_1508 = arith.andi %ne3A_1504, %ne3A_1507 : i1
    %sub3A_1509 = arith.constant 1 : i32
    %sub3A_1510 = arith.subi %div3A_1489, %sub3A_1509 : i32
    %select_n3A_1511 = arith.select %and3A_1508, %sub3A_1510, %div3A_1489 : i32
    %jit3A_1512 = arith.constant 8 : i32
    %eq3A_1513 = arith.constant 0 : i32
    %eq3A_1514 = arith.cmpi eq, %jit3A_1512, %eq3A_1513 : i32
    %jit3A_1515 = arith.constant 1 : i32
    %select_n3A_1516 = arith.select %eq3A_1514, %jit3A_1515, %jit3A_1512 : i32
    %rem3A_1517 = arith.remsi %scan3A_1449, %select_n3A_1516 : i32
    %ne3A_1518 = arith.constant 0 : i32
    %ne3A_1519 = arith.cmpi ne, %rem3A_1517, %ne3A_1518 : i32
    %lt3A_1520 = arith.constant 0 : i32
    %lt3A_1521 = arith.cmpi slt, %rem3A_1517, %lt3A_1520 : i32
    %lt3A_1522 = arith.constant 0 : i32
    %lt3A_1523 = arith.cmpi slt, %select_n3A_1516, %lt3A_1522 : i32
    %ne3A_1524 = arith.xori %lt3A_1521, %lt3A_1523 : i1
    %and3A_1525 = arith.andi %ne3A_1524, %ne3A_1519 : i1
    %add3A_1526 = arith.addi %rem3A_1517, %select_n3A_1516 : i32
    %select_n3A_1527 = arith.select %and3A_1525, %add3A_1526, %rem3A_1517 : i32
    %mul3A_1528 = arith.constant 16 : i32
    %mul3A_1529 = arith.muli %select_n3A_1527, %mul3A_1528 : i32
    %swap3A_1530 = arith.index_cast %select_n3A_1511 : i32 to index
    %swap3A_1531 = arith.index_cast %mul3A_1529 : i32 to index
    %swap3A_1532 = tpu.vector_load %arg6[%swap3A_1530, %swap3A_1531] {strides = array<i32>} : memref<4x128xi32, #tpu.memory_space<vmem>>, vector<1x16xi32>,
    %swap3A_1533 = vector.shape_cast %swap3A_1532 : vector<1x16xi32> to vector<16xi32>
    %swap3A_1534 = vector.shape_cast %min3A_1487 : vector<16xi32> to vector<1x16xi32>
    tpu.vector_store %arg6[%swap3A_1530, %swap3A_1531], %swap3A_1534 {strides = array<i32>} : memref<4x128xi32, #tpu.memory_space<vmem>>, vector<1x16xi32>,
    %scan3A_1535 = arith.constant 18 : i32
    %mul3A_1536 = arith.constant 16 : i32
    %mul3A_1537 = arith.muli %scan3A_1535, %mul3A_1536 : i32
    %get3A_1538 = arith.index_cast %mul3A_1537 : i32 to index
    %get3A_1539 = tpu.vector_load %arg5[%get3A_1538] {strides = array<i32>} : memref<512xi32, #tpu.memory_space<vmem>>, vector<16xi32>,
    %get3A_1540 = vector.shape_cast %get3A_1539 : vector<16xi32> to vector<16xi32>
    %ge3A_1541 = arith.constant 249856 : i32
    %ge3A_1542 = vector.broadcast %ge3A_1541 : i32 to vector<16xi32>
    %ge3A_1543 = arith.cmpi sge, %get3A_1540, %ge3A_1542 : vector<16xi32>
    %jit3A_1544 = arith.constant 1 : i32
    %jit3A_1545 = arith.constant 0 : i32
    %broadcast_in_dim3A_1546 = vector.broadcast %jit3A_1544 : i32 to vector<16xi32>
    %broadcast_in_dim3A_1547 = vector.broadcast %jit3A_1545 : i32 to vector<16xi32>
    %select_n3A_1548 = arith.select %ge3A_1543, %broadcast_in_dim3A_1546, %broadcast_in_dim3A_1547 : vector<16xi1>, vector<16xi32>
    %ge3A_1549 = arith.constant 499712 : i32
    %ge3A_1550 = vector.broadcast %ge3A_1549 : i32 to vector<16xi32>
    %ge3A_1551 = arith.cmpi sge, %get3A_1540, %ge3A_1550 : vector<16xi32>
    %jit3A_1552 = arith.constant 1 : i32
    %jit3A_1553 = arith.constant 0 : i32
    %broadcast_in_dim3A_1554 = vector.broadcast %jit3A_1552 : i32 to vector<16xi32>
    %broadcast_in_dim3A_1555 = vector.broadcast %jit3A_1553 : i32 to vector<16xi32>
    %select_n3A_1556 = arith.select %ge3A_1551, %broadcast_in_dim3A_1554, %broadcast_in_dim3A_1555 : vector<16xi1>, vector<16xi32>
    %ge3A_1557 = arith.constant 749568 : i32
    %ge3A_1558 = vector.broadcast %ge3A_1557 : i32 to vector<16xi32>
    %ge3A_1559 = arith.cmpi sge, %get3A_1540, %ge3A_1558 : vector<16xi32>
    %jit3A_1560 = arith.constant 1 : i32
    %jit3A_1561 = arith.constant 0 : i32
    %broadcast_in_dim3A_1562 = vector.broadcast %jit3A_1560 : i32 to vector<16xi32>
    %broadcast_in_dim3A_1563 = vector.broadcast %jit3A_1561 : i32 to vector<16xi32>
    %select_n3A_1564 = arith.select %ge3A_1559, %broadcast_in_dim3A_1562, %broadcast_in_dim3A_1563 : vector<16xi1>, vector<16xi32>
    %add3A_1565 = arith.addi %select_n3A_1548, %select_n3A_1556 : vector<16xi32>
    %add3A_1566 = arith.addi %add3A_1565, %select_n3A_1564 : vector<16xi32>
    %mul3A_1567 = arith.constant 249856 : i32
    %mul3A_1568 = vector.broadcast %mul3A_1567 : i32 to vector<16xi32>
    %mul3A_1569 = arith.muli %add3A_1566, %mul3A_1568 : vector<16xi32>
    %sub3A_1570 = arith.subi %get3A_1540, %mul3A_1569 : vector<16xi32>
    %min3A_1571 = arith.constant 249855 : i32
    %min3A_1572 = vector.broadcast %min3A_1571 : i32 to vector<16xi32>
    %min3A_1573 = arith.minsi %sub3A_1570, %min3A_1572 : vector<16xi32>
    %jit3A_1574 = arith.constant 8 : i32
    %div3A_1575 = arith.divsi %scan3A_1535, %jit3A_1574 : i32
    %sign3A_1576 = arith.constant 0 : i32
    %sign3A_1577 = arith.cmpi sgt, %scan3A_1535, %sign3A_1576 : i32
    %sign3A_1578 = arith.extui %sign3A_1577 : i1 to i32
    %sign3A_1579 = arith.constant 0 : i32
    %sign3A_1580 = arith.cmpi slt, %scan3A_1535, %sign3A_1579 : i32
    %sign3A_1581 = arith.extui %sign3A_1580 : i1 to i32
    %sign3A_1582 = arith.subi %sign3A_1578, %sign3A_1581 : i32
    %sign3A_1583 = arith.constant 0 : i32
    %sign3A_1584 = arith.cmpi sgt, %jit3A_1574, %sign3A_1583 : i32
    %sign3A_1585 = arith.extui %sign3A_1584 : i1 to i32
    %sign3A_1586 = arith.constant 0 : i32
    %sign3A_1587 = arith.cmpi slt, %jit3A_1574, %sign3A_1586 : i32
    %sign3A_1588 = arith.extui %sign3A_1587 : i1 to i32
    %sign3A_1589 = arith.subi %sign3A_1585, %sign3A_1588 : i32
    %ne3A_1590 = arith.cmpi ne, %sign3A_1582, %sign3A_1589 : i32
    %rem3A_1591 = arith.remsi %scan3A_1535, %jit3A_1574 : i32
    %ne3A_1592 = arith.constant 0 : i32
    %ne3A_1593 = arith.cmpi ne, %rem3A_1591, %ne3A_1592 : i32
    %and3A_1594 = arith.andi %ne3A_1590, %ne3A_1593 : i1
    %sub3A_1595 = arith.constant 1 : i32
    %sub3A_1596 = arith.subi %div3A_1575, %sub3A_1595 : i32
    %select_n3A_1597 = arith.select %and3A_1594, %sub3A_1596, %div3A_1575 : i32
    %jit3A_1598 = arith.constant 8 : i32
    %eq3A_1599 = arith.constant 0 : i32
    %eq3A_1600 = arith.cmpi eq, %jit3A_1598, %eq3A_1599 : i32
    %jit3A_1601 = arith.constant 1 : i32
    %select_n3A_1602 = arith.select %eq3A_1600, %jit3A_1601, %jit3A_1598 : i32
    %rem3A_1603 = arith.remsi %scan3A_1535, %select_n3A_1602 : i32
    %ne3A_1604 = arith.constant 0 : i32
    %ne3A_1605 = arith.cmpi ne, %rem3A_1603, %ne3A_1604 : i32
    %lt3A_1606 = arith.constant 0 : i32
    %lt3A_1607 = arith.cmpi slt, %rem3A_1603, %lt3A_1606 : i32
    %lt3A_1608 = arith.constant 0 : i32
    %lt3A_1609 = arith.cmpi slt, %select_n3A_1602, %lt3A_1608 : i32
    %ne3A_1610 = arith.xori %lt3A_1607, %lt3A_1609 : i1
    %and3A_1611 = arith.andi %ne3A_1610, %ne3A_1605 : i1
    %add3A_1612 = arith.addi %rem3A_1603, %select_n3A_1602 : i32
    %select_n3A_1613 = arith.select %and3A_1611, %add3A_1612, %rem3A_1603 : i32
    %mul3A_1614 = arith.constant 16 : i32
    %mul3A_1615 = arith.muli %select_n3A_1613, %mul3A_1614 : i32
    %swap3A_1616 = arith.index_cast %select_n3A_1597 : i32 to index
    %swap3A_1617 = arith.index_cast %mul3A_1615 : i32 to index
    %swap3A_1618 = tpu.vector_load %arg6[%swap3A_1616, %swap3A_1617] {strides = array<i32>} : memref<4x128xi32, #tpu.memory_space<vmem>>, vector<1x16xi32>,
    %swap3A_1619 = vector.shape_cast %swap3A_1618 : vector<1x16xi32> to vector<16xi32>
    %swap3A_1620 = vector.shape_cast %min3A_1573 : vector<16xi32> to vector<1x16xi32>
    tpu.vector_store %arg6[%swap3A_1616, %swap3A_1617], %swap3A_1620 {strides = array<i32>} : memref<4x128xi32, #tpu.memory_space<vmem>>, vector<1x16xi32>,
    %scan3A_1621 = arith.constant 19 : i32
    %mul3A_1622 = arith.constant 16 : i32
    %mul3A_1623 = arith.muli %scan3A_1621, %mul3A_1622 : i32
    %get3A_1624 = arith.index_cast %mul3A_1623 : i32 to index
    %get3A_1625 = tpu.vector_load %arg5[%get3A_1624] {strides = array<i32>} : memref<512xi32, #tpu.memory_space<vmem>>, vector<16xi32>,
    %get3A_1626 = vector.shape_cast %get3A_1625 : vector<16xi32> to vector<16xi32>
    %ge3A_1627 = arith.constant 249856 : i32
    %ge3A_1628 = vector.broadcast %ge3A_1627 : i32 to vector<16xi32>
    %ge3A_1629 = arith.cmpi sge, %get3A_1626, %ge3A_1628 : vector<16xi32>
    %jit3A_1630 = arith.constant 1 : i32
    %jit3A_1631 = arith.constant 0 : i32
    %broadcast_in_dim3A_1632 = vector.broadcast %jit3A_1630 : i32 to vector<16xi32>
    %broadcast_in_dim3A_1633 = vector.broadcast %jit3A_1631 : i32 to vector<16xi32>
    %select_n3A_1634 = arith.select %ge3A_1629, %broadcast_in_dim3A_1632, %broadcast_in_dim3A_1633 : vector<16xi1>, vector<16xi32>
    %ge3A_1635 = arith.constant 499712 : i32
    %ge3A_1636 = vector.broadcast %ge3A_1635 : i32 to vector<16xi32>
    %ge3A_1637 = arith.cmpi sge, %get3A_1626, %ge3A_1636 : vector<16xi32>
    %jit3A_1638 = arith.constant 1 : i32
    %jit3A_1639 = arith.constant 0 : i32
    %broadcast_in_dim3A_1640 = vector.broadcast %jit3A_1638 : i32 to vector<16xi32>
    %broadcast_in_dim3A_1641 = vector.broadcast %jit3A_1639 : i32 to vector<16xi32>
    %select_n3A_1642 = arith.select %ge3A_1637, %broadcast_in_dim3A_1640, %broadcast_in_dim3A_1641 : vector<16xi1>, vector<16xi32>
    %ge3A_1643 = arith.constant 749568 : i32
    %ge3A_1644 = vector.broadcast %ge3A_1643 : i32 to vector<16xi32>
    %ge3A_1645 = arith.cmpi sge, %get3A_1626, %ge3A_1644 : vector<16xi32>
    %jit3A_1646 = arith.constant 1 : i32
    %jit3A_1647 = arith.constant 0 : i32
    %broadcast_in_dim3A_1648 = vector.broadcast %jit3A_1646 : i32 to vector<16xi32>
    %broadcast_in_dim3A_1649 = vector.broadcast %jit3A_1647 : i32 to vector<16xi32>
    %select_n3A_1650 = arith.select %ge3A_1645, %broadcast_in_dim3A_1648, %broadcast_in_dim3A_1649 : vector<16xi1>, vector<16xi32>
    %add3A_1651 = arith.addi %select_n3A_1634, %select_n3A_1642 : vector<16xi32>
    %add3A_1652 = arith.addi %add3A_1651, %select_n3A_1650 : vector<16xi32>
    %mul3A_1653 = arith.constant 249856 : i32
    %mul3A_1654 = vector.broadcast %mul3A_1653 : i32 to vector<16xi32>
    %mul3A_1655 = arith.muli %add3A_1652, %mul3A_1654 : vector<16xi32>
    %sub3A_1656 = arith.subi %get3A_1626, %mul3A_1655 : vector<16xi32>
    %min3A_1657 = arith.constant 249855 : i32
    %min3A_1658 = vector.broadcast %min3A_1657 : i32 to vector<16xi32>
    %min3A_1659 = arith.minsi %sub3A_1656, %min3A_1658 : vector<16xi32>
    %jit3A_1660 = arith.constant 8 : i32
    %div3A_1661 = arith.divsi %scan3A_1621, %jit3A_1660 : i32
    %sign3A_1662 = arith.constant 0 : i32
    %sign3A_1663 = arith.cmpi sgt, %scan3A_1621, %sign3A_1662 : i32
    %sign3A_1664 = arith.extui %sign3A_1663 : i1 to i32
    %sign3A_1665 = arith.constant 0 : i32
    %sign3A_1666 = arith.cmpi slt, %scan3A_1621, %sign3A_1665 : i32
    %sign3A_1667 = arith.extui %sign3A_1666 : i1 to i32
    %sign3A_1668 = arith.subi %sign3A_1664, %sign3A_1667 : i32
    %sign3A_1669 = arith.constant 0 : i32
    %sign3A_1670 = arith.cmpi sgt, %jit3A_1660, %sign3A_1669 : i32
    %sign3A_1671 = arith.extui %sign3A_1670 : i1 to i32
    %sign3A_1672 = arith.constant 0 : i32
    %sign3A_1673 = arith.cmpi slt, %jit3A_1660, %sign3A_1672 : i32
    %sign3A_1674 = arith.extui %sign3A_1673 : i1 to i32
    %sign3A_1675 = arith.subi %sign3A_1671, %sign3A_1674 : i32
    %ne3A_1676 = arith.cmpi ne, %sign3A_1668, %sign3A_1675 : i32
    %rem3A_1677 = arith.remsi %scan3A_1621, %jit3A_1660 : i32
    %ne3A_1678 = arith.constant 0 : i32
    %ne3A_1679 = arith.cmpi ne, %rem3A_1677, %ne3A_1678 : i32
    %and3A_1680 = arith.andi %ne3A_1676, %ne3A_1679 : i1
    %sub3A_1681 = arith.constant 1 : i32
    %sub3A_1682 = arith.subi %div3A_1661, %sub3A_1681 : i32
    %select_n3A_1683 = arith.select %and3A_1680, %sub3A_1682, %div3A_1661 : i32
    %jit3A_1684 = arith.constant 8 : i32
    %eq3A_1685 = arith.constant 0 : i32
    %eq3A_1686 = arith.cmpi eq, %jit3A_1684, %eq3A_1685 : i32
    %jit3A_1687 = arith.constant 1 : i32
    %select_n3A_1688 = arith.select %eq3A_1686, %jit3A_1687, %jit3A_1684 : i32
    %rem3A_1689 = arith.remsi %scan3A_1621, %select_n3A_1688 : i32
    %ne3A_1690 = arith.constant 0 : i32
    %ne3A_1691 = arith.cmpi ne, %rem3A_1689, %ne3A_1690 : i32
    %lt3A_1692 = arith.constant 0 : i32
    %lt3A_1693 = arith.cmpi slt, %rem3A_1689, %lt3A_1692 : i32
    %lt3A_1694 = arith.constant 0 : i32
    %lt3A_1695 = arith.cmpi slt, %select_n3A_1688, %lt3A_1694 : i32
    %ne3A_1696 = arith.xori %lt3A_1693, %lt3A_1695 : i1
    %and3A_1697 = arith.andi %ne3A_1696, %ne3A_1691 : i1
    %add3A_1698 = arith.addi %rem3A_1689, %select_n3A_1688 : i32
    %select_n3A_1699 = arith.select %and3A_1697, %add3A_1698, %rem3A_1689 : i32
    %mul3A_1700 = arith.constant 16 : i32
    %mul3A_1701 = arith.muli %select_n3A_1699, %mul3A_1700 : i32
    %swap3A_1702 = arith.index_cast %select_n3A_1683 : i32 to index
    %swap3A_1703 = arith.index_cast %mul3A_1701 : i32 to index
    %swap3A_1704 = tpu.vector_load %arg6[%swap3A_1702, %swap3A_1703] {strides = array<i32>} : memref<4x128xi32, #tpu.memory_space<vmem>>, vector<1x16xi32>,
    %swap3A_1705 = vector.shape_cast %swap3A_1704 : vector<1x16xi32> to vector<16xi32>
    %swap3A_1706 = vector.shape_cast %min3A_1659 : vector<16xi32> to vector<1x16xi32>
    tpu.vector_store %arg6[%swap3A_1702, %swap3A_1703], %swap3A_1706 {strides = array<i32>} : memref<4x128xi32, #tpu.memory_space<vmem>>, vector<1x16xi32>,
    %scan3A_1707 = arith.constant 20 : i32
    %mul3A_1708 = arith.constant 16 : i32
    %mul3A_1709 = arith.muli %scan3A_1707, %mul3A_1708 : i32
    %get3A_1710 = arith.index_cast %mul3A_1709 : i32 to index
    %get3A_1711 = tpu.vector_load %arg5[%get3A_1710] {strides = array<i32>} : memref<512xi32, #tpu.memory_space<vmem>>, vector<16xi32>,
    %get3A_1712 = vector.shape_cast %get3A_1711 : vector<16xi32> to vector<16xi32>
    %ge3A_1713 = arith.constant 249856 : i32
    %ge3A_1714 = vector.broadcast %ge3A_1713 : i32 to vector<16xi32>
    %ge3A_1715 = arith.cmpi sge, %get3A_1712, %ge3A_1714 : vector<16xi32>
    %jit3A_1716 = arith.constant 1 : i32
    %jit3A_1717 = arith.constant 0 : i32
    %broadcast_in_dim3A_1718 = vector.broadcast %jit3A_1716 : i32 to vector<16xi32>
    %broadcast_in_dim3A_1719 = vector.broadcast %jit3A_1717 : i32 to vector<16xi32>
    %select_n3A_1720 = arith.select %ge3A_1715, %broadcast_in_dim3A_1718, %broadcast_in_dim3A_1719 : vector<16xi1>, vector<16xi32>
    %ge3A_1721 = arith.constant 499712 : i32
    %ge3A_1722 = vector.broadcast %ge3A_1721 : i32 to vector<16xi32>
    %ge3A_1723 = arith.cmpi sge, %get3A_1712, %ge3A_1722 : vector<16xi32>
    %jit3A_1724 = arith.constant 1 : i32
    %jit3A_1725 = arith.constant 0 : i32
    %broadcast_in_dim3A_1726 = vector.broadcast %jit3A_1724 : i32 to vector<16xi32>
    %broadcast_in_dim3A_1727 = vector.broadcast %jit3A_1725 : i32 to vector<16xi32>
    %select_n3A_1728 = arith.select %ge3A_1723, %broadcast_in_dim3A_1726, %broadcast_in_dim3A_1727 : vector<16xi1>, vector<16xi32>
    %ge3A_1729 = arith.constant 749568 : i32
    %ge3A_1730 = vector.broadcast %ge3A_1729 : i32 to vector<16xi32>
    %ge3A_1731 = arith.cmpi sge, %get3A_1712, %ge3A_1730 : vector<16xi32>
    %jit3A_1732 = arith.constant 1 : i32
    %jit3A_1733 = arith.constant 0 : i32
    %broadcast_in_dim3A_1734 = vector.broadcast %jit3A_1732 : i32 to vector<16xi32>
    %broadcast_in_dim3A_1735 = vector.broadcast %jit3A_1733 : i32 to vector<16xi32>
    %select_n3A_1736 = arith.select %ge3A_1731, %broadcast_in_dim3A_1734, %broadcast_in_dim3A_1735 : vector<16xi1>, vector<16xi32>
    %add3A_1737 = arith.addi %select_n3A_1720, %select_n3A_1728 : vector<16xi32>
    %add3A_1738 = arith.addi %add3A_1737, %select_n3A_1736 : vector<16xi32>
    %mul3A_1739 = arith.constant 249856 : i32
    %mul3A_1740 = vector.broadcast %mul3A_1739 : i32 to vector<16xi32>
    %mul3A_1741 = arith.muli %add3A_1738, %mul3A_1740 : vector<16xi32>
    %sub3A_1742 = arith.subi %get3A_1712, %mul3A_1741 : vector<16xi32>
    %min3A_1743 = arith.constant 249855 : i32
    %min3A_1744 = vector.broadcast %min3A_1743 : i32 to vector<16xi32>
    %min3A_1745 = arith.minsi %sub3A_1742, %min3A_1744 : vector<16xi32>
    %jit3A_1746 = arith.constant 8 : i32
    %div3A_1747 = arith.divsi %scan3A_1707, %jit3A_1746 : i32
    %sign3A_1748 = arith.constant 0 : i32
    %sign3A_1749 = arith.cmpi sgt, %scan3A_1707, %sign3A_1748 : i32
    %sign3A_1750 = arith.extui %sign3A_1749 : i1 to i32
    %sign3A_1751 = arith.constant 0 : i32
    %sign3A_1752 = arith.cmpi slt, %scan3A_1707, %sign3A_1751 : i32
    %sign3A_1753 = arith.extui %sign3A_1752 : i1 to i32
    %sign3A_1754 = arith.subi %sign3A_1750, %sign3A_1753 : i32
    %sign3A_1755 = arith.constant 0 : i32
    %sign3A_1756 = arith.cmpi sgt, %jit3A_1746, %sign3A_1755 : i32
    %sign3A_1757 = arith.extui %sign3A_1756 : i1 to i32
    %sign3A_1758 = arith.constant 0 : i32
    %sign3A_1759 = arith.cmpi slt, %jit3A_1746, %sign3A_1758 : i32
    %sign3A_1760 = arith.extui %sign3A_1759 : i1 to i32
    %sign3A_1761 = arith.subi %sign3A_1757, %sign3A_1760 : i32
    %ne3A_1762 = arith.cmpi ne, %sign3A_1754, %sign3A_1761 : i32
    %rem3A_1763 = arith.remsi %scan3A_1707, %jit3A_1746 : i32
    %ne3A_1764 = arith.constant 0 : i32
    %ne3A_1765 = arith.cmpi ne, %rem3A_1763, %ne3A_1764 : i32
    %and3A_1766 = arith.andi %ne3A_1762, %ne3A_1765 : i1
    %sub3A_1767 = arith.constant 1 : i32
    %sub3A_1768 = arith.subi %div3A_1747, %sub3A_1767 : i32
    %select_n3A_1769 = arith.select %and3A_1766, %sub3A_1768, %div3A_1747 : i32
    %jit3A_1770 = arith.constant 8 : i32
    %eq3A_1771 = arith.constant 0 : i32
    %eq3A_1772 = arith.cmpi eq, %jit3A_1770, %eq3A_1771 : i32
    %jit3A_1773 = arith.constant 1 : i32
    %select_n3A_1774 = arith.select %eq3A_1772, %jit3A_1773, %jit3A_1770 : i32
    %rem3A_1775 = arith.remsi %scan3A_1707, %select_n3A_1774 : i32
    %ne3A_1776 = arith.constant 0 : i32
    %ne3A_1777 = arith.cmpi ne, %rem3A_1775, %ne3A_1776 : i32
    %lt3A_1778 = arith.constant 0 : i32
    %lt3A_1779 = arith.cmpi slt, %rem3A_1775, %lt3A_1778 : i32
    %lt3A_1780 = arith.constant 0 : i32
    %lt3A_1781 = arith.cmpi slt, %select_n3A_1774, %lt3A_1780 : i32
    %ne3A_1782 = arith.xori %lt3A_1779, %lt3A_1781 : i1
    %and3A_1783 = arith.andi %ne3A_1782, %ne3A_1777 : i1
    %add3A_1784 = arith.addi %rem3A_1775, %select_n3A_1774 : i32
    %select_n3A_1785 = arith.select %and3A_1783, %add3A_1784, %rem3A_1775 : i32
    %mul3A_1786 = arith.constant 16 : i32
    %mul3A_1787 = arith.muli %select_n3A_1785, %mul3A_1786 : i32
    %swap3A_1788 = arith.index_cast %select_n3A_1769 : i32 to index
    %swap3A_1789 = arith.index_cast %mul3A_1787 : i32 to index
    %swap3A_1790 = tpu.vector_load %arg6[%swap3A_1788, %swap3A_1789] {strides = array<i32>} : memref<4x128xi32, #tpu.memory_space<vmem>>, vector<1x16xi32>,
    %swap3A_1791 = vector.shape_cast %swap3A_1790 : vector<1x16xi32> to vector<16xi32>
    %swap3A_1792 = vector.shape_cast %min3A_1745 : vector<16xi32> to vector<1x16xi32>
    tpu.vector_store %arg6[%swap3A_1788, %swap3A_1789], %swap3A_1792 {strides = array<i32>} : memref<4x128xi32, #tpu.memory_space<vmem>>, vector<1x16xi32>,
    %scan3A_1793 = arith.constant 21 : i32
    %mul3A_1794 = arith.constant 16 : i32
    %mul3A_1795 = arith.muli %scan3A_1793, %mul3A_1794 : i32
    %get3A_1796 = arith.index_cast %mul3A_1795 : i32 to index
    %get3A_1797 = tpu.vector_load %arg5[%get3A_1796] {strides = array<i32>} : memref<512xi32, #tpu.memory_space<vmem>>, vector<16xi32>,
    %get3A_1798 = vector.shape_cast %get3A_1797 : vector<16xi32> to vector<16xi32>
    %ge3A_1799 = arith.constant 249856 : i32
    %ge3A_1800 = vector.broadcast %ge3A_1799 : i32 to vector<16xi32>
    %ge3A_1801 = arith.cmpi sge, %get3A_1798, %ge3A_1800 : vector<16xi32>
    %jit3A_1802 = arith.constant 1 : i32
    %jit3A_1803 = arith.constant 0 : i32
    %broadcast_in_dim3A_1804 = vector.broadcast %jit3A_1802 : i32 to vector<16xi32>
    %broadcast_in_dim3A_1805 = vector.broadcast %jit3A_1803 : i32 to vector<16xi32>
    %select_n3A_1806 = arith.select %ge3A_1801, %broadcast_in_dim3A_1804, %broadcast_in_dim3A_1805 : vector<16xi1>, vector<16xi32>
    %ge3A_1807 = arith.constant 499712 : i32
    %ge3A_1808 = vector.broadcast %ge3A_1807 : i32 to vector<16xi32>
    %ge3A_1809 = arith.cmpi sge, %get3A_1798, %ge3A_1808 : vector<16xi32>
    %jit3A_1810 = arith.constant 1 : i32
    %jit3A_1811 = arith.constant 0 : i32
    %broadcast_in_dim3A_1812 = vector.broadcast %jit3A_1810 : i32 to vector<16xi32>
    %broadcast_in_dim3A_1813 = vector.broadcast %jit3A_1811 : i32 to vector<16xi32>
    %select_n3A_1814 = arith.select %ge3A_1809, %broadcast_in_dim3A_1812, %broadcast_in_dim3A_1813 : vector<16xi1>, vector<16xi32>
    %ge3A_1815 = arith.constant 749568 : i32
    %ge3A_1816 = vector.broadcast %ge3A_1815 : i32 to vector<16xi32>
    %ge3A_1817 = arith.cmpi sge, %get3A_1798, %ge3A_1816 : vector<16xi32>
    %jit3A_1818 = arith.constant 1 : i32
    %jit3A_1819 = arith.constant 0 : i32
    %broadcast_in_dim3A_1820 = vector.broadcast %jit3A_1818 : i32 to vector<16xi32>
    %broadcast_in_dim3A_1821 = vector.broadcast %jit3A_1819 : i32 to vector<16xi32>
    %select_n3A_1822 = arith.select %ge3A_1817, %broadcast_in_dim3A_1820, %broadcast_in_dim3A_1821 : vector<16xi1>, vector<16xi32>
    %add3A_1823 = arith.addi %select_n3A_1806, %select_n3A_1814 : vector<16xi32>
    %add3A_1824 = arith.addi %add3A_1823, %select_n3A_1822 : vector<16xi32>
    %mul3A_1825 = arith.constant 249856 : i32
    %mul3A_1826 = vector.broadcast %mul3A_1825 : i32 to vector<16xi32>
    %mul3A_1827 = arith.muli %add3A_1824, %mul3A_1826 : vector<16xi32>
    %sub3A_1828 = arith.subi %get3A_1798, %mul3A_1827 : vector<16xi32>
    %min3A_1829 = arith.constant 249855 : i32
    %min3A_1830 = vector.broadcast %min3A_1829 : i32 to vector<16xi32>
    %min3A_1831 = arith.minsi %sub3A_1828, %min3A_1830 : vector<16xi32>
    %jit3A_1832 = arith.constant 8 : i32
    %div3A_1833 = arith.divsi %scan3A_1793, %jit3A_1832 : i32
    %sign3A_1834 = arith.constant 0 : i32
    %sign3A_1835 = arith.cmpi sgt, %scan3A_1793, %sign3A_1834 : i32
    %sign3A_1836 = arith.extui %sign3A_1835 : i1 to i32
    %sign3A_1837 = arith.constant 0 : i32
    %sign3A_1838 = arith.cmpi slt, %scan3A_1793, %sign3A_1837 : i32
    %sign3A_1839 = arith.extui %sign3A_1838 : i1 to i32
    %sign3A_1840 = arith.subi %sign3A_1836, %sign3A_1839 : i32
    %sign3A_1841 = arith.constant 0 : i32
    %sign3A_1842 = arith.cmpi sgt, %jit3A_1832, %sign3A_1841 : i32
    %sign3A_1843 = arith.extui %sign3A_1842 : i1 to i32
    %sign3A_1844 = arith.constant 0 : i32
    %sign3A_1845 = arith.cmpi slt, %jit3A_1832, %sign3A_1844 : i32
    %sign3A_1846 = arith.extui %sign3A_1845 : i1 to i32
    %sign3A_1847 = arith.subi %sign3A_1843, %sign3A_1846 : i32
    %ne3A_1848 = arith.cmpi ne, %sign3A_1840, %sign3A_1847 : i32
    %rem3A_1849 = arith.remsi %scan3A_1793, %jit3A_1832 : i32
    %ne3A_1850 = arith.constant 0 : i32
    %ne3A_1851 = arith.cmpi ne, %rem3A_1849, %ne3A_1850 : i32
    %and3A_1852 = arith.andi %ne3A_1848, %ne3A_1851 : i1
    %sub3A_1853 = arith.constant 1 : i32
    %sub3A_1854 = arith.subi %div3A_1833, %sub3A_1853 : i32
    %select_n3A_1855 = arith.select %and3A_1852, %sub3A_1854, %div3A_1833 : i32
    %jit3A_1856 = arith.constant 8 : i32
    %eq3A_1857 = arith.constant 0 : i32
    %eq3A_1858 = arith.cmpi eq, %jit3A_1856, %eq3A_1857 : i32
    %jit3A_1859 = arith.constant 1 : i32
    %select_n3A_1860 = arith.select %eq3A_1858, %jit3A_1859, %jit3A_1856 : i32
    %rem3A_1861 = arith.remsi %scan3A_1793, %select_n3A_1860 : i32
    %ne3A_1862 = arith.constant 0 : i32
    %ne3A_1863 = arith.cmpi ne, %rem3A_1861, %ne3A_1862 : i32
    %lt3A_1864 = arith.constant 0 : i32
    %lt3A_1865 = arith.cmpi slt, %rem3A_1861, %lt3A_1864 : i32
    %lt3A_1866 = arith.constant 0 : i32
    %lt3A_1867 = arith.cmpi slt, %select_n3A_1860, %lt3A_1866 : i32
    %ne3A_1868 = arith.xori %lt3A_1865, %lt3A_1867 : i1
    %and3A_1869 = arith.andi %ne3A_1868, %ne3A_1863 : i1
    %add3A_1870 = arith.addi %rem3A_1861, %select_n3A_1860 : i32
    %select_n3A_1871 = arith.select %and3A_1869, %add3A_1870, %rem3A_1861 : i32
    %mul3A_1872 = arith.constant 16 : i32
    %mul3A_1873 = arith.muli %select_n3A_1871, %mul3A_1872 : i32
    %swap3A_1874 = arith.index_cast %select_n3A_1855 : i32 to index
    %swap3A_1875 = arith.index_cast %mul3A_1873 : i32 to index
    %swap3A_1876 = tpu.vector_load %arg6[%swap3A_1874, %swap3A_1875] {strides = array<i32>} : memref<4x128xi32, #tpu.memory_space<vmem>>, vector<1x16xi32>,
    %swap3A_1877 = vector.shape_cast %swap3A_1876 : vector<1x16xi32> to vector<16xi32>
    %swap3A_1878 = vector.shape_cast %min3A_1831 : vector<16xi32> to vector<1x16xi32>
    tpu.vector_store %arg6[%swap3A_1874, %swap3A_1875], %swap3A_1878 {strides = array<i32>} : memref<4x128xi32, #tpu.memory_space<vmem>>, vector<1x16xi32>,
    %scan3A_1879 = arith.constant 22 : i32
    %mul3A_1880 = arith.constant 16 : i32
    %mul3A_1881 = arith.muli %scan3A_1879, %mul3A_1880 : i32
    %get3A_1882 = arith.index_cast %mul3A_1881 : i32 to index
    %get3A_1883 = tpu.vector_load %arg5[%get3A_1882] {strides = array<i32>} : memref<512xi32, #tpu.memory_space<vmem>>, vector<16xi32>,
    %get3A_1884 = vector.shape_cast %get3A_1883 : vector<16xi32> to vector<16xi32>
    %ge3A_1885 = arith.constant 249856 : i32
    %ge3A_1886 = vector.broadcast %ge3A_1885 : i32 to vector<16xi32>
    %ge3A_1887 = arith.cmpi sge, %get3A_1884, %ge3A_1886 : vector<16xi32>
    %jit3A_1888 = arith.constant 1 : i32
    %jit3A_1889 = arith.constant 0 : i32
    %broadcast_in_dim3A_1890 = vector.broadcast %jit3A_1888 : i32 to vector<16xi32>
    %broadcast_in_dim3A_1891 = vector.broadcast %jit3A_1889 : i32 to vector<16xi32>
    %select_n3A_1892 = arith.select %ge3A_1887, %broadcast_in_dim3A_1890, %broadcast_in_dim3A_1891 : vector<16xi1>, vector<16xi32>
    %ge3A_1893 = arith.constant 499712 : i32
    %ge3A_1894 = vector.broadcast %ge3A_1893 : i32 to vector<16xi32>
    %ge3A_1895 = arith.cmpi sge, %get3A_1884, %ge3A_1894 : vector<16xi32>
    %jit3A_1896 = arith.constant 1 : i32
    %jit3A_1897 = arith.constant 0 : i32
    %broadcast_in_dim3A_1898 = vector.broadcast %jit3A_1896 : i32 to vector<16xi32>
    %broadcast_in_dim3A_1899 = vector.broadcast %jit3A_1897 : i32 to vector<16xi32>
    %select_n3A_1900 = arith.select %ge3A_1895, %broadcast_in_dim3A_1898, %broadcast_in_dim3A_1899 : vector<16xi1>, vector<16xi32>
    %ge3A_1901 = arith.constant 749568 : i32
    %ge3A_1902 = vector.broadcast %ge3A_1901 : i32 to vector<16xi32>
    %ge3A_1903 = arith.cmpi sge, %get3A_1884, %ge3A_1902 : vector<16xi32>
    %jit3A_1904 = arith.constant 1 : i32
    %jit3A_1905 = arith.constant 0 : i32
    %broadcast_in_dim3A_1906 = vector.broadcast %jit3A_1904 : i32 to vector<16xi32>
    %broadcast_in_dim3A_1907 = vector.broadcast %jit3A_1905 : i32 to vector<16xi32>
    %select_n3A_1908 = arith.select %ge3A_1903, %broadcast_in_dim3A_1906, %broadcast_in_dim3A_1907 : vector<16xi1>, vector<16xi32>
    %add3A_1909 = arith.addi %select_n3A_1892, %select_n3A_1900 : vector<16xi32>
    %add3A_1910 = arith.addi %add3A_1909, %select_n3A_1908 : vector<16xi32>
    %mul3A_1911 = arith.constant 249856 : i32
    %mul3A_1912 = vector.broadcast %mul3A_1911 : i32 to vector<16xi32>
    %mul3A_1913 = arith.muli %add3A_1910, %mul3A_1912 : vector<16xi32>
    %sub3A_1914 = arith.subi %get3A_1884, %mul3A_1913 : vector<16xi32>
    %min3A_1915 = arith.constant 249855 : i32
    %min3A_1916 = vector.broadcast %min3A_1915 : i32 to vector<16xi32>
    %min3A_1917 = arith.minsi %sub3A_1914, %min3A_1916 : vector<16xi32>
    %jit3A_1918 = arith.constant 8 : i32
    %div3A_1919 = arith.divsi %scan3A_1879, %jit3A_1918 : i32
    %sign3A_1920 = arith.constant 0 : i32
    %sign3A_1921 = arith.cmpi sgt, %scan3A_1879, %sign3A_1920 : i32
    %sign3A_1922 = arith.extui %sign3A_1921 : i1 to i32
    %sign3A_1923 = arith.constant 0 : i32
    %sign3A_1924 = arith.cmpi slt, %scan3A_1879, %sign3A_1923 : i32
    %sign3A_1925 = arith.extui %sign3A_1924 : i1 to i32
    %sign3A_1926 = arith.subi %sign3A_1922, %sign3A_1925 : i32
    %sign3A_1927 = arith.constant 0 : i32
    %sign3A_1928 = arith.cmpi sgt, %jit3A_1918, %sign3A_1927 : i32
    %sign3A_1929 = arith.extui %sign3A_1928 : i1 to i32
    %sign3A_1930 = arith.constant 0 : i32
    %sign3A_1931 = arith.cmpi slt, %jit3A_1918, %sign3A_1930 : i32
    %sign3A_1932 = arith.extui %sign3A_1931 : i1 to i32
    %sign3A_1933 = arith.subi %sign3A_1929, %sign3A_1932 : i32
    %ne3A_1934 = arith.cmpi ne, %sign3A_1926, %sign3A_1933 : i32
    %rem3A_1935 = arith.remsi %scan3A_1879, %jit3A_1918 : i32
    %ne3A_1936 = arith.constant 0 : i32
    %ne3A_1937 = arith.cmpi ne, %rem3A_1935, %ne3A_1936 : i32
    %and3A_1938 = arith.andi %ne3A_1934, %ne3A_1937 : i1
    %sub3A_1939 = arith.constant 1 : i32
    %sub3A_1940 = arith.subi %div3A_1919, %sub3A_1939 : i32
    %select_n3A_1941 = arith.select %and3A_1938, %sub3A_1940, %div3A_1919 : i32
    %jit3A_1942 = arith.constant 8 : i32
    %eq3A_1943 = arith.constant 0 : i32
    %eq3A_1944 = arith.cmpi eq, %jit3A_1942, %eq3A_1943 : i32
    %jit3A_1945 = arith.constant 1 : i32
    %select_n3A_1946 = arith.select %eq3A_1944, %jit3A_1945, %jit3A_1942 : i32
    %rem3A_1947 = arith.remsi %scan3A_1879, %select_n3A_1946 : i32
    %ne3A_1948 = arith.constant 0 : i32
    %ne3A_1949 = arith.cmpi ne, %rem3A_1947, %ne3A_1948 : i32
    %lt3A_1950 = arith.constant 0 : i32
    %lt3A_1951 = arith.cmpi slt, %rem3A_1947, %lt3A_1950 : i32
    %lt3A_1952 = arith.constant 0 : i32
    %lt3A_1953 = arith.cmpi slt, %select_n3A_1946, %lt3A_1952 : i32
    %ne3A_1954 = arith.xori %lt3A_1951, %lt3A_1953 : i1
    %and3A_1955 = arith.andi %ne3A_1954, %ne3A_1949 : i1
    %add3A_1956 = arith.addi %rem3A_1947, %select_n3A_1946 : i32
    %select_n3A_1957 = arith.select %and3A_1955, %add3A_1956, %rem3A_1947 : i32
    %mul3A_1958 = arith.constant 16 : i32
    %mul3A_1959 = arith.muli %select_n3A_1957, %mul3A_1958 : i32
    %swap3A_1960 = arith.index_cast %select_n3A_1941 : i32 to index
    %swap3A_1961 = arith.index_cast %mul3A_1959 : i32 to index
    %swap3A_1962 = tpu.vector_load %arg6[%swap3A_1960, %swap3A_1961] {strides = array<i32>} : memref<4x128xi32, #tpu.memory_space<vmem>>, vector<1x16xi32>,
    %swap3A_1963 = vector.shape_cast %swap3A_1962 : vector<1x16xi32> to vector<16xi32>
    %swap3A_1964 = vector.shape_cast %min3A_1917 : vector<16xi32> to vector<1x16xi32>
    tpu.vector_store %arg6[%swap3A_1960, %swap3A_1961], %swap3A_1964 {strides = array<i32>} : memref<4x128xi32, #tpu.memory_space<vmem>>, vector<1x16xi32>,
    %scan3A_1965 = arith.constant 23 : i32
    %mul3A_1966 = arith.constant 16 : i32
    %mul3A_1967 = arith.muli %scan3A_1965, %mul3A_1966 : i32
    %get3A_1968 = arith.index_cast %mul3A_1967 : i32 to index
    %get3A_1969 = tpu.vector_load %arg5[%get3A_1968] {strides = array<i32>} : memref<512xi32, #tpu.memory_space<vmem>>, vector<16xi32>,
    %get3A_1970 = vector.shape_cast %get3A_1969 : vector<16xi32> to vector<16xi32>
    %ge3A_1971 = arith.constant 249856 : i32
    %ge3A_1972 = vector.broadcast %ge3A_1971 : i32 to vector<16xi32>
    %ge3A_1973 = arith.cmpi sge, %get3A_1970, %ge3A_1972 : vector<16xi32>
    %jit3A_1974 = arith.constant 1 : i32
    %jit3A_1975 = arith.constant 0 : i32
    %broadcast_in_dim3A_1976 = vector.broadcast %jit3A_1974 : i32 to vector<16xi32>
    %broadcast_in_dim3A_1977 = vector.broadcast %jit3A_1975 : i32 to vector<16xi32>
    %select_n3A_1978 = arith.select %ge3A_1973, %broadcast_in_dim3A_1976, %broadcast_in_dim3A_1977 : vector<16xi1>, vector<16xi32>
    %ge3A_1979 = arith.constant 499712 : i32
    %ge3A_1980 = vector.broadcast %ge3A_1979 : i32 to vector<16xi32>
    %ge3A_1981 = arith.cmpi sge, %get3A_1970, %ge3A_1980 : vector<16xi32>
    %jit3A_1982 = arith.constant 1 : i32
    %jit3A_1983 = arith.constant 0 : i32
    %broadcast_in_dim3A_1984 = vector.broadcast %jit3A_1982 : i32 to vector<16xi32>
    %broadcast_in_dim3A_1985 = vector.broadcast %jit3A_1983 : i32 to vector<16xi32>
    %select_n3A_1986 = arith.select %ge3A_1981, %broadcast_in_dim3A_1984, %broadcast_in_dim3A_1985 : vector<16xi1>, vector<16xi32>
    %ge3A_1987 = arith.constant 749568 : i32
    %ge3A_1988 = vector.broadcast %ge3A_1987 : i32 to vector<16xi32>
    %ge3A_1989 = arith.cmpi sge, %get3A_1970, %ge3A_1988 : vector<16xi32>
    %jit3A_1990 = arith.constant 1 : i32
    %jit3A_1991 = arith.constant 0 : i32
    %broadcast_in_dim3A_1992 = vector.broadcast %jit3A_1990 : i32 to vector<16xi32>
    %broadcast_in_dim3A_1993 = vector.broadcast %jit3A_1991 : i32 to vector<16xi32>
    %select_n3A_1994 = arith.select %ge3A_1989, %broadcast_in_dim3A_1992, %broadcast_in_dim3A_1993 : vector<16xi1>, vector<16xi32>
    %add3A_1995 = arith.addi %select_n3A_1978, %select_n3A_1986 : vector<16xi32>
    %add3A_1996 = arith.addi %add3A_1995, %select_n3A_1994 : vector<16xi32>
    %mul3A_1997 = arith.constant 249856 : i32
    %mul3A_1998 = vector.broadcast %mul3A_1997 : i32 to vector<16xi32>
    %mul3A_1999 = arith.muli %add3A_1996, %mul3A_1998 : vector<16xi32>
    %sub3A_2000 = arith.subi %get3A_1970, %mul3A_1999 : vector<16xi32>
    %min3A_2001 = arith.constant 249855 : i32
    %min3A_2002 = vector.broadcast %min3A_2001 : i32 to vector<16xi32>
    %min3A_2003 = arith.minsi %sub3A_2000, %min3A_2002 : vector<16xi32>
    %jit3A_2004 = arith.constant 8 : i32
    %div3A_2005 = arith.divsi %scan3A_1965, %jit3A_2004 : i32
    %sign3A_2006 = arith.constant 0 : i32
    %sign3A_2007 = arith.cmpi sgt, %scan3A_1965, %sign3A_2006 : i32
    %sign3A_2008 = arith.extui %sign3A_2007 : i1 to i32
    %sign3A_2009 = arith.constant 0 : i32
    %sign3A_2010 = arith.cmpi slt, %scan3A_1965, %sign3A_2009 : i32
    %sign3A_2011 = arith.extui %sign3A_2010 : i1 to i32
    %sign3A_2012 = arith.subi %sign3A_2008, %sign3A_2011 : i32
    %sign3A_2013 = arith.constant 0 : i32
    %sign3A_2014 = arith.cmpi sgt, %jit3A_2004, %sign3A_2013 : i32
    %sign3A_2015 = arith.extui %sign3A_2014 : i1 to i32
    %sign3A_2016 = arith.constant 0 : i32
    %sign3A_2017 = arith.cmpi slt, %jit3A_2004, %sign3A_2016 : i32
    %sign3A_2018 = arith.extui %sign3A_2017 : i1 to i32
    %sign3A_2019 = arith.subi %sign3A_2015, %sign3A_2018 : i32
    %ne3A_2020 = arith.cmpi ne, %sign3A_2012, %sign3A_2019 : i32
    %rem3A_2021 = arith.remsi %scan3A_1965, %jit3A_2004 : i32
    %ne3A_2022 = arith.constant 0 : i32
    %ne3A_2023 = arith.cmpi ne, %rem3A_2021, %ne3A_2022 : i32
    %and3A_2024 = arith.andi %ne3A_2020, %ne3A_2023 : i1
    %sub3A_2025 = arith.constant 1 : i32
    %sub3A_2026 = arith.subi %div3A_2005, %sub3A_2025 : i32
    %select_n3A_2027 = arith.select %and3A_2024, %sub3A_2026, %div3A_2005 : i32
    %jit3A_2028 = arith.constant 8 : i32
    %eq3A_2029 = arith.constant 0 : i32
    %eq3A_2030 = arith.cmpi eq, %jit3A_2028, %eq3A_2029 : i32
    %jit3A_2031 = arith.constant 1 : i32
    %select_n3A_2032 = arith.select %eq3A_2030, %jit3A_2031, %jit3A_2028 : i32
    %rem3A_2033 = arith.remsi %scan3A_1965, %select_n3A_2032 : i32
    %ne3A_2034 = arith.constant 0 : i32
    %ne3A_2035 = arith.cmpi ne, %rem3A_2033, %ne3A_2034 : i32
    %lt3A_2036 = arith.constant 0 : i32
    %lt3A_2037 = arith.cmpi slt, %rem3A_2033, %lt3A_2036 : i32
    %lt3A_2038 = arith.constant 0 : i32
    %lt3A_2039 = arith.cmpi slt, %select_n3A_2032, %lt3A_2038 : i32
    %ne3A_2040 = arith.xori %lt3A_2037, %lt3A_2039 : i1
    %and3A_2041 = arith.andi %ne3A_2040, %ne3A_2035 : i1
    %add3A_2042 = arith.addi %rem3A_2033, %select_n3A_2032 : i32
    %select_n3A_2043 = arith.select %and3A_2041, %add3A_2042, %rem3A_2033 : i32
    %mul3A_2044 = arith.constant 16 : i32
    %mul3A_2045 = arith.muli %select_n3A_2043, %mul3A_2044 : i32
    %swap3A_2046 = arith.index_cast %select_n3A_2027 : i32 to index
    %swap3A_2047 = arith.index_cast %mul3A_2045 : i32 to index
    %swap3A_2048 = tpu.vector_load %arg6[%swap3A_2046, %swap3A_2047] {strides = array<i32>} : memref<4x128xi32, #tpu.memory_space<vmem>>, vector<1x16xi32>,
    %swap3A_2049 = vector.shape_cast %swap3A_2048 : vector<1x16xi32> to vector<16xi32>
    %swap3A_2050 = vector.shape_cast %min3A_2003 : vector<16xi32> to vector<1x16xi32>
    tpu.vector_store %arg6[%swap3A_2046, %swap3A_2047], %swap3A_2050 {strides = array<i32>} : memref<4x128xi32, #tpu.memory_space<vmem>>, vector<1x16xi32>,
    %scan3A_2051 = arith.constant 24 : i32
    %mul3A_2052 = arith.constant 16 : i32
    %mul3A_2053 = arith.muli %scan3A_2051, %mul3A_2052 : i32
    %get3A_2054 = arith.index_cast %mul3A_2053 : i32 to index
    %get3A_2055 = tpu.vector_load %arg5[%get3A_2054] {strides = array<i32>} : memref<512xi32, #tpu.memory_space<vmem>>, vector<16xi32>,
    %get3A_2056 = vector.shape_cast %get3A_2055 : vector<16xi32> to vector<16xi32>
    %ge3A_2057 = arith.constant 249856 : i32
    %ge3A_2058 = vector.broadcast %ge3A_2057 : i32 to vector<16xi32>
    %ge3A_2059 = arith.cmpi sge, %get3A_2056, %ge3A_2058 : vector<16xi32>
    %jit3A_2060 = arith.constant 1 : i32
    %jit3A_2061 = arith.constant 0 : i32
    %broadcast_in_dim3A_2062 = vector.broadcast %jit3A_2060 : i32 to vector<16xi32>
    %broadcast_in_dim3A_2063 = vector.broadcast %jit3A_2061 : i32 to vector<16xi32>
    %select_n3A_2064 = arith.select %ge3A_2059, %broadcast_in_dim3A_2062, %broadcast_in_dim3A_2063 : vector<16xi1>, vector<16xi32>
    %ge3A_2065 = arith.constant 499712 : i32
    %ge3A_2066 = vector.broadcast %ge3A_2065 : i32 to vector<16xi32>
    %ge3A_2067 = arith.cmpi sge, %get3A_2056, %ge3A_2066 : vector<16xi32>
    %jit3A_2068 = arith.constant 1 : i32
    %jit3A_2069 = arith.constant 0 : i32
    %broadcast_in_dim3A_2070 = vector.broadcast %jit3A_2068 : i32 to vector<16xi32>
    %broadcast_in_dim3A_2071 = vector.broadcast %jit3A_2069 : i32 to vector<16xi32>
    %select_n3A_2072 = arith.select %ge3A_2067, %broadcast_in_dim3A_2070, %broadcast_in_dim3A_2071 : vector<16xi1>, vector<16xi32>
    %ge3A_2073 = arith.constant 749568 : i32
    %ge3A_2074 = vector.broadcast %ge3A_2073 : i32 to vector<16xi32>
    %ge3A_2075 = arith.cmpi sge, %get3A_2056, %ge3A_2074 : vector<16xi32>
    %jit3A_2076 = arith.constant 1 : i32
    %jit3A_2077 = arith.constant 0 : i32
    %broadcast_in_dim3A_2078 = vector.broadcast %jit3A_2076 : i32 to vector<16xi32>
    %broadcast_in_dim3A_2079 = vector.broadcast %jit3A_2077 : i32 to vector<16xi32>
    %select_n3A_2080 = arith.select %ge3A_2075, %broadcast_in_dim3A_2078, %broadcast_in_dim3A_2079 : vector<16xi1>, vector<16xi32>
    %add3A_2081 = arith.addi %select_n3A_2064, %select_n3A_2072 : vector<16xi32>
    %add3A_2082 = arith.addi %add3A_2081, %select_n3A_2080 : vector<16xi32>
    %mul3A_2083 = arith.constant 249856 : i32
    %mul3A_2084 = vector.broadcast %mul3A_2083 : i32 to vector<16xi32>
    %mul3A_2085 = arith.muli %add3A_2082, %mul3A_2084 : vector<16xi32>
    %sub3A_2086 = arith.subi %get3A_2056, %mul3A_2085 : vector<16xi32>
    %min3A_2087 = arith.constant 249855 : i32
    %min3A_2088 = vector.broadcast %min3A_2087 : i32 to vector<16xi32>
    %min3A_2089 = arith.minsi %sub3A_2086, %min3A_2088 : vector<16xi32>
    %jit3A_2090 = arith.constant 8 : i32
    %div3A_2091 = arith.divsi %scan3A_2051, %jit3A_2090 : i32
    %sign3A_2092 = arith.constant 0 : i32
    %sign3A_2093 = arith.cmpi sgt, %scan3A_2051, %sign3A_2092 : i32
    %sign3A_2094 = arith.extui %sign3A_2093 : i1 to i32
    %sign3A_2095 = arith.constant 0 : i32
    %sign3A_2096 = arith.cmpi slt, %scan3A_2051, %sign3A_2095 : i32
    %sign3A_2097 = arith.extui %sign3A_2096 : i1 to i32
    %sign3A_2098 = arith.subi %sign3A_2094, %sign3A_2097 : i32
    %sign3A_2099 = arith.constant 0 : i32
    %sign3A_2100 = arith.cmpi sgt, %jit3A_2090, %sign3A_2099 : i32
    %sign3A_2101 = arith.extui %sign3A_2100 : i1 to i32
    %sign3A_2102 = arith.constant 0 : i32
    %sign3A_2103 = arith.cmpi slt, %jit3A_2090, %sign3A_2102 : i32
    %sign3A_2104 = arith.extui %sign3A_2103 : i1 to i32
    %sign3A_2105 = arith.subi %sign3A_2101, %sign3A_2104 : i32
    %ne3A_2106 = arith.cmpi ne, %sign3A_2098, %sign3A_2105 : i32
    %rem3A_2107 = arith.remsi %scan3A_2051, %jit3A_2090 : i32
    %ne3A_2108 = arith.constant 0 : i32
    %ne3A_2109 = arith.cmpi ne, %rem3A_2107, %ne3A_2108 : i32
    %and3A_2110 = arith.andi %ne3A_2106, %ne3A_2109 : i1
    %sub3A_2111 = arith.constant 1 : i32
    %sub3A_2112 = arith.subi %div3A_2091, %sub3A_2111 : i32
    %select_n3A_2113 = arith.select %and3A_2110, %sub3A_2112, %div3A_2091 : i32
    %jit3A_2114 = arith.constant 8 : i32
    %eq3A_2115 = arith.constant 0 : i32
    %eq3A_2116 = arith.cmpi eq, %jit3A_2114, %eq3A_2115 : i32
    %jit3A_2117 = arith.constant 1 : i32
    %select_n3A_2118 = arith.select %eq3A_2116, %jit3A_2117, %jit3A_2114 : i32
    %rem3A_2119 = arith.remsi %scan3A_2051, %select_n3A_2118 : i32
    %ne3A_2120 = arith.constant 0 : i32
    %ne3A_2121 = arith.cmpi ne, %rem3A_2119, %ne3A_2120 : i32
    %lt3A_2122 = arith.constant 0 : i32
    %lt3A_2123 = arith.cmpi slt, %rem3A_2119, %lt3A_2122 : i32
    %lt3A_2124 = arith.constant 0 : i32
    %lt3A_2125 = arith.cmpi slt, %select_n3A_2118, %lt3A_2124 : i32
    %ne3A_2126 = arith.xori %lt3A_2123, %lt3A_2125 : i1
    %and3A_2127 = arith.andi %ne3A_2126, %ne3A_2121 : i1
    %add3A_2128 = arith.addi %rem3A_2119, %select_n3A_2118 : i32
    %select_n3A_2129 = arith.select %and3A_2127, %add3A_2128, %rem3A_2119 : i32
    %mul3A_2130 = arith.constant 16 : i32
    %mul3A_2131 = arith.muli %select_n3A_2129, %mul3A_2130 : i32
    %swap3A_2132 = arith.index_cast %select_n3A_2113 : i32 to index
    %swap3A_2133 = arith.index_cast %mul3A_2131 : i32 to index
    %swap3A_2134 = tpu.vector_load %arg6[%swap3A_2132, %swap3A_2133] {strides = array<i32>} : memref<4x128xi32, #tpu.memory_space<vmem>>, vector<1x16xi32>,
    %swap3A_2135 = vector.shape_cast %swap3A_2134 : vector<1x16xi32> to vector<16xi32>
    %swap3A_2136 = vector.shape_cast %min3A_2089 : vector<16xi32> to vector<1x16xi32>
    tpu.vector_store %arg6[%swap3A_2132, %swap3A_2133], %swap3A_2136 {strides = array<i32>} : memref<4x128xi32, #tpu.memory_space<vmem>>, vector<1x16xi32>,
    %scan3A_2137 = arith.constant 25 : i32
    %mul3A_2138 = arith.constant 16 : i32
    %mul3A_2139 = arith.muli %scan3A_2137, %mul3A_2138 : i32
    %get3A_2140 = arith.index_cast %mul3A_2139 : i32 to index
    %get3A_2141 = tpu.vector_load %arg5[%get3A_2140] {strides = array<i32>} : memref<512xi32, #tpu.memory_space<vmem>>, vector<16xi32>,
    %get3A_2142 = vector.shape_cast %get3A_2141 : vector<16xi32> to vector<16xi32>
    %ge3A_2143 = arith.constant 249856 : i32
    %ge3A_2144 = vector.broadcast %ge3A_2143 : i32 to vector<16xi32>
    %ge3A_2145 = arith.cmpi sge, %get3A_2142, %ge3A_2144 : vector<16xi32>
    %jit3A_2146 = arith.constant 1 : i32
    %jit3A_2147 = arith.constant 0 : i32
    %broadcast_in_dim3A_2148 = vector.broadcast %jit3A_2146 : i32 to vector<16xi32>
    %broadcast_in_dim3A_2149 = vector.broadcast %jit3A_2147 : i32 to vector<16xi32>
    %select_n3A_2150 = arith.select %ge3A_2145, %broadcast_in_dim3A_2148, %broadcast_in_dim3A_2149 : vector<16xi1>, vector<16xi32>
    %ge3A_2151 = arith.constant 499712 : i32
    %ge3A_2152 = vector.broadcast %ge3A_2151 : i32 to vector<16xi32>
    %ge3A_2153 = arith.cmpi sge, %get3A_2142, %ge3A_2152 : vector<16xi32>
    %jit3A_2154 = arith.constant 1 : i32
    %jit3A_2155 = arith.constant 0 : i32
    %broadcast_in_dim3A_2156 = vector.broadcast %jit3A_2154 : i32 to vector<16xi32>
    %broadcast_in_dim3A_2157 = vector.broadcast %jit3A_2155 : i32 to vector<16xi32>
    %select_n3A_2158 = arith.select %ge3A_2153, %broadcast_in_dim3A_2156, %broadcast_in_dim3A_2157 : vector<16xi1>, vector<16xi32>
    %ge3A_2159 = arith.constant 749568 : i32
    %ge3A_2160 = vector.broadcast %ge3A_2159 : i32 to vector<16xi32>
    %ge3A_2161 = arith.cmpi sge, %get3A_2142, %ge3A_2160 : vector<16xi32>
    %jit3A_2162 = arith.constant 1 : i32
    %jit3A_2163 = arith.constant 0 : i32
    %broadcast_in_dim3A_2164 = vector.broadcast %jit3A_2162 : i32 to vector<16xi32>
    %broadcast_in_dim3A_2165 = vector.broadcast %jit3A_2163 : i32 to vector<16xi32>
    %select_n3A_2166 = arith.select %ge3A_2161, %broadcast_in_dim3A_2164, %broadcast_in_dim3A_2165 : vector<16xi1>, vector<16xi32>
    %add3A_2167 = arith.addi %select_n3A_2150, %select_n3A_2158 : vector<16xi32>
    %add3A_2168 = arith.addi %add3A_2167, %select_n3A_2166 : vector<16xi32>
    %mul3A_2169 = arith.constant 249856 : i32
    %mul3A_2170 = vector.broadcast %mul3A_2169 : i32 to vector<16xi32>
    %mul3A_2171 = arith.muli %add3A_2168, %mul3A_2170 : vector<16xi32>
    %sub3A_2172 = arith.subi %get3A_2142, %mul3A_2171 : vector<16xi32>
    %min3A_2173 = arith.constant 249855 : i32
    %min3A_2174 = vector.broadcast %min3A_2173 : i32 to vector<16xi32>
    %min3A_2175 = arith.minsi %sub3A_2172, %min3A_2174 : vector<16xi32>
    %jit3A_2176 = arith.constant 8 : i32
    %div3A_2177 = arith.divsi %scan3A_2137, %jit3A_2176 : i32
    %sign3A_2178 = arith.constant 0 : i32
    %sign3A_2179 = arith.cmpi sgt, %scan3A_2137, %sign3A_2178 : i32
    %sign3A_2180 = arith.extui %sign3A_2179 : i1 to i32
    %sign3A_2181 = arith.constant 0 : i32
    %sign3A_2182 = arith.cmpi slt, %scan3A_2137, %sign3A_2181 : i32
    %sign3A_2183 = arith.extui %sign3A_2182 : i1 to i32
    %sign3A_2184 = arith.subi %sign3A_2180, %sign3A_2183 : i32
    %sign3A_2185 = arith.constant 0 : i32
    %sign3A_2186 = arith.cmpi sgt, %jit3A_2176, %sign3A_2185 : i32
    %sign3A_2187 = arith.extui %sign3A_2186 : i1 to i32
    %sign3A_2188 = arith.constant 0 : i32
    %sign3A_2189 = arith.cmpi slt, %jit3A_2176, %sign3A_2188 : i32
    %sign3A_2190 = arith.extui %sign3A_2189 : i1 to i32
    %sign3A_2191 = arith.subi %sign3A_2187, %sign3A_2190 : i32
    %ne3A_2192 = arith.cmpi ne, %sign3A_2184, %sign3A_2191 : i32
    %rem3A_2193 = arith.remsi %scan3A_2137, %jit3A_2176 : i32
    %ne3A_2194 = arith.constant 0 : i32
    %ne3A_2195 = arith.cmpi ne, %rem3A_2193, %ne3A_2194 : i32
    %and3A_2196 = arith.andi %ne3A_2192, %ne3A_2195 : i1
    %sub3A_2197 = arith.constant 1 : i32
    %sub3A_2198 = arith.subi %div3A_2177, %sub3A_2197 : i32
    %select_n3A_2199 = arith.select %and3A_2196, %sub3A_2198, %div3A_2177 : i32
    %jit3A_2200 = arith.constant 8 : i32
    %eq3A_2201 = arith.constant 0 : i32
    %eq3A_2202 = arith.cmpi eq, %jit3A_2200, %eq3A_2201 : i32
    %jit3A_2203 = arith.constant 1 : i32
    %select_n3A_2204 = arith.select %eq3A_2202, %jit3A_2203, %jit3A_2200 : i32
    %rem3A_2205 = arith.remsi %scan3A_2137, %select_n3A_2204 : i32
    %ne3A_2206 = arith.constant 0 : i32
    %ne3A_2207 = arith.cmpi ne, %rem3A_2205, %ne3A_2206 : i32
    %lt3A_2208 = arith.constant 0 : i32
    %lt3A_2209 = arith.cmpi slt, %rem3A_2205, %lt3A_2208 : i32
    %lt3A_2210 = arith.constant 0 : i32
    %lt3A_2211 = arith.cmpi slt, %select_n3A_2204, %lt3A_2210 : i32
    %ne3A_2212 = arith.xori %lt3A_2209, %lt3A_2211 : i1
    %and3A_2213 = arith.andi %ne3A_2212, %ne3A_2207 : i1
    %add3A_2214 = arith.addi %rem3A_2205, %select_n3A_2204 : i32
    %select_n3A_2215 = arith.select %and3A_2213, %add3A_2214, %rem3A_2205 : i32
    %mul3A_2216 = arith.constant 16 : i32
    %mul3A_2217 = arith.muli %select_n3A_2215, %mul3A_2216 : i32
    %swap3A_2218 = arith.index_cast %select_n3A_2199 : i32 to index
    %swap3A_2219 = arith.index_cast %mul3A_2217 : i32 to index
    %swap3A_2220 = tpu.vector_load %arg6[%swap3A_2218, %swap3A_2219] {strides = array<i32>} : memref<4x128xi32, #tpu.memory_space<vmem>>, vector<1x16xi32>,
    %swap3A_2221 = vector.shape_cast %swap3A_2220 : vector<1x16xi32> to vector<16xi32>
    %swap3A_2222 = vector.shape_cast %min3A_2175 : vector<16xi32> to vector<1x16xi32>
    tpu.vector_store %arg6[%swap3A_2218, %swap3A_2219], %swap3A_2222 {strides = array<i32>} : memref<4x128xi32, #tpu.memory_space<vmem>>, vector<1x16xi32>,
    %scan3A_2223 = arith.constant 26 : i32
    %mul3A_2224 = arith.constant 16 : i32
    %mul3A_2225 = arith.muli %scan3A_2223, %mul3A_2224 : i32
    %get3A_2226 = arith.index_cast %mul3A_2225 : i32 to index
    %get3A_2227 = tpu.vector_load %arg5[%get3A_2226] {strides = array<i32>} : memref<512xi32, #tpu.memory_space<vmem>>, vector<16xi32>,
    %get3A_2228 = vector.shape_cast %get3A_2227 : vector<16xi32> to vector<16xi32>
    %ge3A_2229 = arith.constant 249856 : i32
    %ge3A_2230 = vector.broadcast %ge3A_2229 : i32 to vector<16xi32>
    %ge3A_2231 = arith.cmpi sge, %get3A_2228, %ge3A_2230 : vector<16xi32>
    %jit3A_2232 = arith.constant 1 : i32
    %jit3A_2233 = arith.constant 0 : i32
    %broadcast_in_dim3A_2234 = vector.broadcast %jit3A_2232 : i32 to vector<16xi32>
    %broadcast_in_dim3A_2235 = vector.broadcast %jit3A_2233 : i32 to vector<16xi32>
    %select_n3A_2236 = arith.select %ge3A_2231, %broadcast_in_dim3A_2234, %broadcast_in_dim3A_2235 : vector<16xi1>, vector<16xi32>
    %ge3A_2237 = arith.constant 499712 : i32
    %ge3A_2238 = vector.broadcast %ge3A_2237 : i32 to vector<16xi32>
    %ge3A_2239 = arith.cmpi sge, %get3A_2228, %ge3A_2238 : vector<16xi32>
    %jit3A_2240 = arith.constant 1 : i32
    %jit3A_2241 = arith.constant 0 : i32
    %broadcast_in_dim3A_2242 = vector.broadcast %jit3A_2240 : i32 to vector<16xi32>
    %broadcast_in_dim3A_2243 = vector.broadcast %jit3A_2241 : i32 to vector<16xi32>
    %select_n3A_2244 = arith.select %ge3A_2239, %broadcast_in_dim3A_2242, %broadcast_in_dim3A_2243 : vector<16xi1>, vector<16xi32>
    %ge3A_2245 = arith.constant 749568 : i32
    %ge3A_2246 = vector.broadcast %ge3A_2245 : i32 to vector<16xi32>
    %ge3A_2247 = arith.cmpi sge, %get3A_2228, %ge3A_2246 : vector<16xi32>
    %jit3A_2248 = arith.constant 1 : i32
    %jit3A_2249 = arith.constant 0 : i32
    %broadcast_in_dim3A_2250 = vector.broadcast %jit3A_2248 : i32 to vector<16xi32>
    %broadcast_in_dim3A_2251 = vector.broadcast %jit3A_2249 : i32 to vector<16xi32>
    %select_n3A_2252 = arith.select %ge3A_2247, %broadcast_in_dim3A_2250, %broadcast_in_dim3A_2251 : vector<16xi1>, vector<16xi32>
    %add3A_2253 = arith.addi %select_n3A_2236, %select_n3A_2244 : vector<16xi32>
    %add3A_2254 = arith.addi %add3A_2253, %select_n3A_2252 : vector<16xi32>
    %mul3A_2255 = arith.constant 249856 : i32
    %mul3A_2256 = vector.broadcast %mul3A_2255 : i32 to vector<16xi32>
    %mul3A_2257 = arith.muli %add3A_2254, %mul3A_2256 : vector<16xi32>
    %sub3A_2258 = arith.subi %get3A_2228, %mul3A_2257 : vector<16xi32>
    %min3A_2259 = arith.constant 249855 : i32
    %min3A_2260 = vector.broadcast %min3A_2259 : i32 to vector<16xi32>
    %min3A_2261 = arith.minsi %sub3A_2258, %min3A_2260 : vector<16xi32>
    %jit3A_2262 = arith.constant 8 : i32
    %div3A_2263 = arith.divsi %scan3A_2223, %jit3A_2262 : i32
    %sign3A_2264 = arith.constant 0 : i32
    %sign3A_2265 = arith.cmpi sgt, %scan3A_2223, %sign3A_2264 : i32
    %sign3A_2266 = arith.extui %sign3A_2265 : i1 to i32
    %sign3A_2267 = arith.constant 0 : i32
    %sign3A_2268 = arith.cmpi slt, %scan3A_2223, %sign3A_2267 : i32
    %sign3A_2269 = arith.extui %sign3A_2268 : i1 to i32
    %sign3A_2270 = arith.subi %sign3A_2266, %sign3A_2269 : i32
    %sign3A_2271 = arith.constant 0 : i32
    %sign3A_2272 = arith.cmpi sgt, %jit3A_2262, %sign3A_2271 : i32
    %sign3A_2273 = arith.extui %sign3A_2272 : i1 to i32
    %sign3A_2274 = arith.constant 0 : i32
    %sign3A_2275 = arith.cmpi slt, %jit3A_2262, %sign3A_2274 : i32
    %sign3A_2276 = arith.extui %sign3A_2275 : i1 to i32
    %sign3A_2277 = arith.subi %sign3A_2273, %sign3A_2276 : i32
    %ne3A_2278 = arith.cmpi ne, %sign3A_2270, %sign3A_2277 : i32
    %rem3A_2279 = arith.remsi %scan3A_2223, %jit3A_2262 : i32
    %ne3A_2280 = arith.constant 0 : i32
    %ne3A_2281 = arith.cmpi ne, %rem3A_2279, %ne3A_2280 : i32
    %and3A_2282 = arith.andi %ne3A_2278, %ne3A_2281 : i1
    %sub3A_2283 = arith.constant 1 : i32
    %sub3A_2284 = arith.subi %div3A_2263, %sub3A_2283 : i32
    %select_n3A_2285 = arith.select %and3A_2282, %sub3A_2284, %div3A_2263 : i32
    %jit3A_2286 = arith.constant 8 : i32
    %eq3A_2287 = arith.constant 0 : i32
    %eq3A_2288 = arith.cmpi eq, %jit3A_2286, %eq3A_2287 : i32
    %jit3A_2289 = arith.constant 1 : i32
    %select_n3A_2290 = arith.select %eq3A_2288, %jit3A_2289, %jit3A_2286 : i32
    %rem3A_2291 = arith.remsi %scan3A_2223, %select_n3A_2290 : i32
    %ne3A_2292 = arith.constant 0 : i32
    %ne3A_2293 = arith.cmpi ne, %rem3A_2291, %ne3A_2292 : i32
    %lt3A_2294 = arith.constant 0 : i32
    %lt3A_2295 = arith.cmpi slt, %rem3A_2291, %lt3A_2294 : i32
    %lt3A_2296 = arith.constant 0 : i32
    %lt3A_2297 = arith.cmpi slt, %select_n3A_2290, %lt3A_2296 : i32
    %ne3A_2298 = arith.xori %lt3A_2295, %lt3A_2297 : i1
    %and3A_2299 = arith.andi %ne3A_2298, %ne3A_2293 : i1
    %add3A_2300 = arith.addi %rem3A_2291, %select_n3A_2290 : i32
    %select_n3A_2301 = arith.select %and3A_2299, %add3A_2300, %rem3A_2291 : i32
    %mul3A_2302 = arith.constant 16 : i32
    %mul3A_2303 = arith.muli %select_n3A_2301, %mul3A_2302 : i32
    %swap3A_2304 = arith.index_cast %select_n3A_2285 : i32 to index
    %swap3A_2305 = arith.index_cast %mul3A_2303 : i32 to index
    %swap3A_2306 = tpu.vector_load %arg6[%swap3A_2304, %swap3A_2305] {strides = array<i32>} : memref<4x128xi32, #tpu.memory_space<vmem>>, vector<1x16xi32>,
    %swap3A_2307 = vector.shape_cast %swap3A_2306 : vector<1x16xi32> to vector<16xi32>
    %swap3A_2308 = vector.shape_cast %min3A_2261 : vector<16xi32> to vector<1x16xi32>
    tpu.vector_store %arg6[%swap3A_2304, %swap3A_2305], %swap3A_2308 {strides = array<i32>} : memref<4x128xi32, #tpu.memory_space<vmem>>, vector<1x16xi32>,
    %scan3A_2309 = arith.constant 27 : i32
    %mul3A_2310 = arith.constant 16 : i32
    %mul3A_2311 = arith.muli %scan3A_2309, %mul3A_2310 : i32
    %get3A_2312 = arith.index_cast %mul3A_2311 : i32 to index
    %get3A_2313 = tpu.vector_load %arg5[%get3A_2312] {strides = array<i32>} : memref<512xi32, #tpu.memory_space<vmem>>, vector<16xi32>,
    %get3A_2314 = vector.shape_cast %get3A_2313 : vector<16xi32> to vector<16xi32>
    %ge3A_2315 = arith.constant 249856 : i32
    %ge3A_2316 = vector.broadcast %ge3A_2315 : i32 to vector<16xi32>
    %ge3A_2317 = arith.cmpi sge, %get3A_2314, %ge3A_2316 : vector<16xi32>
    %jit3A_2318 = arith.constant 1 : i32
    %jit3A_2319 = arith.constant 0 : i32
    %broadcast_in_dim3A_2320 = vector.broadcast %jit3A_2318 : i32 to vector<16xi32>
    %broadcast_in_dim3A_2321 = vector.broadcast %jit3A_2319 : i32 to vector<16xi32>
    %select_n3A_2322 = arith.select %ge3A_2317, %broadcast_in_dim3A_2320, %broadcast_in_dim3A_2321 : vector<16xi1>, vector<16xi32>
    %ge3A_2323 = arith.constant 499712 : i32
    %ge3A_2324 = vector.broadcast %ge3A_2323 : i32 to vector<16xi32>
    %ge3A_2325 = arith.cmpi sge, %get3A_2314, %ge3A_2324 : vector<16xi32>
    %jit3A_2326 = arith.constant 1 : i32
    %jit3A_2327 = arith.constant 0 : i32
    %broadcast_in_dim3A_2328 = vector.broadcast %jit3A_2326 : i32 to vector<16xi32>
    %broadcast_in_dim3A_2329 = vector.broadcast %jit3A_2327 : i32 to vector<16xi32>
    %select_n3A_2330 = arith.select %ge3A_2325, %broadcast_in_dim3A_2328, %broadcast_in_dim3A_2329 : vector<16xi1>, vector<16xi32>
    %ge3A_2331 = arith.constant 749568 : i32
    %ge3A_2332 = vector.broadcast %ge3A_2331 : i32 to vector<16xi32>
    %ge3A_2333 = arith.cmpi sge, %get3A_2314, %ge3A_2332 : vector<16xi32>
    %jit3A_2334 = arith.constant 1 : i32
    %jit3A_2335 = arith.constant 0 : i32
    %broadcast_in_dim3A_2336 = vector.broadcast %jit3A_2334 : i32 to vector<16xi32>
    %broadcast_in_dim3A_2337 = vector.broadcast %jit3A_2335 : i32 to vector<16xi32>
    %select_n3A_2338 = arith.select %ge3A_2333, %broadcast_in_dim3A_2336, %broadcast_in_dim3A_2337 : vector<16xi1>, vector<16xi32>
    %add3A_2339 = arith.addi %select_n3A_2322, %select_n3A_2330 : vector<16xi32>
    %add3A_2340 = arith.addi %add3A_2339, %select_n3A_2338 : vector<16xi32>
    %mul3A_2341 = arith.constant 249856 : i32
    %mul3A_2342 = vector.broadcast %mul3A_2341 : i32 to vector<16xi32>
    %mul3A_2343 = arith.muli %add3A_2340, %mul3A_2342 : vector<16xi32>
    %sub3A_2344 = arith.subi %get3A_2314, %mul3A_2343 : vector<16xi32>
    %min3A_2345 = arith.constant 249855 : i32
    %min3A_2346 = vector.broadcast %min3A_2345 : i32 to vector<16xi32>
    %min3A_2347 = arith.minsi %sub3A_2344, %min3A_2346 : vector<16xi32>
    %jit3A_2348 = arith.constant 8 : i32
    %div3A_2349 = arith.divsi %scan3A_2309, %jit3A_2348 : i32
    %sign3A_2350 = arith.constant 0 : i32
    %sign3A_2351 = arith.cmpi sgt, %scan3A_2309, %sign3A_2350 : i32
    %sign3A_2352 = arith.extui %sign3A_2351 : i1 to i32
    %sign3A_2353 = arith.constant 0 : i32
    %sign3A_2354 = arith.cmpi slt, %scan3A_2309, %sign3A_2353 : i32
    %sign3A_2355 = arith.extui %sign3A_2354 : i1 to i32
    %sign3A_2356 = arith.subi %sign3A_2352, %sign3A_2355 : i32
    %sign3A_2357 = arith.constant 0 : i32
    %sign3A_2358 = arith.cmpi sgt, %jit3A_2348, %sign3A_2357 : i32
    %sign3A_2359 = arith.extui %sign3A_2358 : i1 to i32
    %sign3A_2360 = arith.constant 0 : i32
    %sign3A_2361 = arith.cmpi slt, %jit3A_2348, %sign3A_2360 : i32
    %sign3A_2362 = arith.extui %sign3A_2361 : i1 to i32
    %sign3A_2363 = arith.subi %sign3A_2359, %sign3A_2362 : i32
    %ne3A_2364 = arith.cmpi ne, %sign3A_2356, %sign3A_2363 : i32
    %rem3A_2365 = arith.remsi %scan3A_2309, %jit3A_2348 : i32
    %ne3A_2366 = arith.constant 0 : i32
    %ne3A_2367 = arith.cmpi ne, %rem3A_2365, %ne3A_2366 : i32
    %and3A_2368 = arith.andi %ne3A_2364, %ne3A_2367 : i1
    %sub3A_2369 = arith.constant 1 : i32
    %sub3A_2370 = arith.subi %div3A_2349, %sub3A_2369 : i32
    %select_n3A_2371 = arith.select %and3A_2368, %sub3A_2370, %div3A_2349 : i32
    %jit3A_2372 = arith.constant 8 : i32
    %eq3A_2373 = arith.constant 0 : i32
    %eq3A_2374 = arith.cmpi eq, %jit3A_2372, %eq3A_2373 : i32
    %jit3A_2375 = arith.constant 1 : i32
    %select_n3A_2376 = arith.select %eq3A_2374, %jit3A_2375, %jit3A_2372 : i32
    %rem3A_2377 = arith.remsi %scan3A_2309, %select_n3A_2376 : i32
    %ne3A_2378 = arith.constant 0 : i32
    %ne3A_2379 = arith.cmpi ne, %rem3A_2377, %ne3A_2378 : i32
    %lt3A_2380 = arith.constant 0 : i32
    %lt3A_2381 = arith.cmpi slt, %rem3A_2377, %lt3A_2380 : i32
    %lt3A_2382 = arith.constant 0 : i32
    %lt3A_2383 = arith.cmpi slt, %select_n3A_2376, %lt3A_2382 : i32
    %ne3A_2384 = arith.xori %lt3A_2381, %lt3A_2383 : i1
    %and3A_2385 = arith.andi %ne3A_2384, %ne3A_2379 : i1
    %add3A_2386 = arith.addi %rem3A_2377, %select_n3A_2376 : i32
    %select_n3A_2387 = arith.select %and3A_2385, %add3A_2386, %rem3A_2377 : i32
    %mul3A_2388 = arith.constant 16 : i32
    %mul3A_2389 = arith.muli %select_n3A_2387, %mul3A_2388 : i32
    %swap3A_2390 = arith.index_cast %select_n3A_2371 : i32 to index
    %swap3A_2391 = arith.index_cast %mul3A_2389 : i32 to index
    %swap3A_2392 = tpu.vector_load %arg6[%swap3A_2390, %swap3A_2391] {strides = array<i32>} : memref<4x128xi32, #tpu.memory_space<vmem>>, vector<1x16xi32>,
    %swap3A_2393 = vector.shape_cast %swap3A_2392 : vector<1x16xi32> to vector<16xi32>
    %swap3A_2394 = vector.shape_cast %min3A_2347 : vector<16xi32> to vector<1x16xi32>
    tpu.vector_store %arg6[%swap3A_2390, %swap3A_2391], %swap3A_2394 {strides = array<i32>} : memref<4x128xi32, #tpu.memory_space<vmem>>, vector<1x16xi32>,
    %scan3A_2395 = arith.constant 28 : i32
    %mul3A_2396 = arith.constant 16 : i32
    %mul3A_2397 = arith.muli %scan3A_2395, %mul3A_2396 : i32
    %get3A_2398 = arith.index_cast %mul3A_2397 : i32 to index
    %get3A_2399 = tpu.vector_load %arg5[%get3A_2398] {strides = array<i32>} : memref<512xi32, #tpu.memory_space<vmem>>, vector<16xi32>,
    %get3A_2400 = vector.shape_cast %get3A_2399 : vector<16xi32> to vector<16xi32>
    %ge3A_2401 = arith.constant 249856 : i32
    %ge3A_2402 = vector.broadcast %ge3A_2401 : i32 to vector<16xi32>
    %ge3A_2403 = arith.cmpi sge, %get3A_2400, %ge3A_2402 : vector<16xi32>
    %jit3A_2404 = arith.constant 1 : i32
    %jit3A_2405 = arith.constant 0 : i32
    %broadcast_in_dim3A_2406 = vector.broadcast %jit3A_2404 : i32 to vector<16xi32>
    %broadcast_in_dim3A_2407 = vector.broadcast %jit3A_2405 : i32 to vector<16xi32>
    %select_n3A_2408 = arith.select %ge3A_2403, %broadcast_in_dim3A_2406, %broadcast_in_dim3A_2407 : vector<16xi1>, vector<16xi32>
    %ge3A_2409 = arith.constant 499712 : i32
    %ge3A_2410 = vector.broadcast %ge3A_2409 : i32 to vector<16xi32>
    %ge3A_2411 = arith.cmpi sge, %get3A_2400, %ge3A_2410 : vector<16xi32>
    %jit3A_2412 = arith.constant 1 : i32
    %jit3A_2413 = arith.constant 0 : i32
    %broadcast_in_dim3A_2414 = vector.broadcast %jit3A_2412 : i32 to vector<16xi32>
    %broadcast_in_dim3A_2415 = vector.broadcast %jit3A_2413 : i32 to vector<16xi32>
    %select_n3A_2416 = arith.select %ge3A_2411, %broadcast_in_dim3A_2414, %broadcast_in_dim3A_2415 : vector<16xi1>, vector<16xi32>
    %ge3A_2417 = arith.constant 749568 : i32
    %ge3A_2418 = vector.broadcast %ge3A_2417 : i32 to vector<16xi32>
    %ge3A_2419 = arith.cmpi sge, %get3A_2400, %ge3A_2418 : vector<16xi32>
    %jit3A_2420 = arith.constant 1 : i32
    %jit3A_2421 = arith.constant 0 : i32
    %broadcast_in_dim3A_2422 = vector.broadcast %jit3A_2420 : i32 to vector<16xi32>
    %broadcast_in_dim3A_2423 = vector.broadcast %jit3A_2421 : i32 to vector<16xi32>
    %select_n3A_2424 = arith.select %ge3A_2419, %broadcast_in_dim3A_2422, %broadcast_in_dim3A_2423 : vector<16xi1>, vector<16xi32>
    %add3A_2425 = arith.addi %select_n3A_2408, %select_n3A_2416 : vector<16xi32>
    %add3A_2426 = arith.addi %add3A_2425, %select_n3A_2424 : vector<16xi32>
    %mul3A_2427 = arith.constant 249856 : i32
    %mul3A_2428 = vector.broadcast %mul3A_2427 : i32 to vector<16xi32>
    %mul3A_2429 = arith.muli %add3A_2426, %mul3A_2428 : vector<16xi32>
    %sub3A_2430 = arith.subi %get3A_2400, %mul3A_2429 : vector<16xi32>
    %min3A_2431 = arith.constant 249855 : i32
    %min3A_2432 = vector.broadcast %min3A_2431 : i32 to vector<16xi32>
    %min3A_2433 = arith.minsi %sub3A_2430, %min3A_2432 : vector<16xi32>
    %jit3A_2434 = arith.constant 8 : i32
    %div3A_2435 = arith.divsi %scan3A_2395, %jit3A_2434 : i32
    %sign3A_2436 = arith.constant 0 : i32
    %sign3A_2437 = arith.cmpi sgt, %scan3A_2395, %sign3A_2436 : i32
    %sign3A_2438 = arith.extui %sign3A_2437 : i1 to i32
    %sign3A_2439 = arith.constant 0 : i32
    %sign3A_2440 = arith.cmpi slt, %scan3A_2395, %sign3A_2439 : i32
    %sign3A_2441 = arith.extui %sign3A_2440 : i1 to i32
    %sign3A_2442 = arith.subi %sign3A_2438, %sign3A_2441 : i32
    %sign3A_2443 = arith.constant 0 : i32
    %sign3A_2444 = arith.cmpi sgt, %jit3A_2434, %sign3A_2443 : i32
    %sign3A_2445 = arith.extui %sign3A_2444 : i1 to i32
    %sign3A_2446 = arith.constant 0 : i32
    %sign3A_2447 = arith.cmpi slt, %jit3A_2434, %sign3A_2446 : i32
    %sign3A_2448 = arith.extui %sign3A_2447 : i1 to i32
    %sign3A_2449 = arith.subi %sign3A_2445, %sign3A_2448 : i32
    %ne3A_2450 = arith.cmpi ne, %sign3A_2442, %sign3A_2449 : i32
    %rem3A_2451 = arith.remsi %scan3A_2395, %jit3A_2434 : i32
    %ne3A_2452 = arith.constant 0 : i32
    %ne3A_2453 = arith.cmpi ne, %rem3A_2451, %ne3A_2452 : i32
    %and3A_2454 = arith.andi %ne3A_2450, %ne3A_2453 : i1
    %sub3A_2455 = arith.constant 1 : i32
    %sub3A_2456 = arith.subi %div3A_2435, %sub3A_2455 : i32
    %select_n3A_2457 = arith.select %and3A_2454, %sub3A_2456, %div3A_2435 : i32
    %jit3A_2458 = arith.constant 8 : i32
    %eq3A_2459 = arith.constant 0 : i32
    %eq3A_2460 = arith.cmpi eq, %jit3A_2458, %eq3A_2459 : i32
    %jit3A_2461 = arith.constant 1 : i32
    %select_n3A_2462 = arith.select %eq3A_2460, %jit3A_2461, %jit3A_2458 : i32
    %rem3A_2463 = arith.remsi %scan3A_2395, %select_n3A_2462 : i32
    %ne3A_2464 = arith.constant 0 : i32
    %ne3A_2465 = arith.cmpi ne, %rem3A_2463, %ne3A_2464 : i32
    %lt3A_2466 = arith.constant 0 : i32
    %lt3A_2467 = arith.cmpi slt, %rem3A_2463, %lt3A_2466 : i32
    %lt3A_2468 = arith.constant 0 : i32
    %lt3A_2469 = arith.cmpi slt, %select_n3A_2462, %lt3A_2468 : i32
    %ne3A_2470 = arith.xori %lt3A_2467, %lt3A_2469 : i1
    %and3A_2471 = arith.andi %ne3A_2470, %ne3A_2465 : i1
    %add3A_2472 = arith.addi %rem3A_2463, %select_n3A_2462 : i32
    %select_n3A_2473 = arith.select %and3A_2471, %add3A_2472, %rem3A_2463 : i32
    %mul3A_2474 = arith.constant 16 : i32
    %mul3A_2475 = arith.muli %select_n3A_2473, %mul3A_2474 : i32
    %swap3A_2476 = arith.index_cast %select_n3A_2457 : i32 to index
    %swap3A_2477 = arith.index_cast %mul3A_2475 : i32 to index
    %swap3A_2478 = tpu.vector_load %arg6[%swap3A_2476, %swap3A_2477] {strides = array<i32>} : memref<4x128xi32, #tpu.memory_space<vmem>>, vector<1x16xi32>,
    %swap3A_2479 = vector.shape_cast %swap3A_2478 : vector<1x16xi32> to vector<16xi32>
    %swap3A_2480 = vector.shape_cast %min3A_2433 : vector<16xi32> to vector<1x16xi32>
    tpu.vector_store %arg6[%swap3A_2476, %swap3A_2477], %swap3A_2480 {strides = array<i32>} : memref<4x128xi32, #tpu.memory_space<vmem>>, vector<1x16xi32>,
    %scan3A_2481 = arith.constant 29 : i32
    %mul3A_2482 = arith.constant 16 : i32
    %mul3A_2483 = arith.muli %scan3A_2481, %mul3A_2482 : i32
    %get3A_2484 = arith.index_cast %mul3A_2483 : i32 to index
    %get3A_2485 = tpu.vector_load %arg5[%get3A_2484] {strides = array<i32>} : memref<512xi32, #tpu.memory_space<vmem>>, vector<16xi32>,
    %get3A_2486 = vector.shape_cast %get3A_2485 : vector<16xi32> to vector<16xi32>
    %ge3A_2487 = arith.constant 249856 : i32
    %ge3A_2488 = vector.broadcast %ge3A_2487 : i32 to vector<16xi32>
    %ge3A_2489 = arith.cmpi sge, %get3A_2486, %ge3A_2488 : vector<16xi32>
    %jit3A_2490 = arith.constant 1 : i32
    %jit3A_2491 = arith.constant 0 : i32
    %broadcast_in_dim3A_2492 = vector.broadcast %jit3A_2490 : i32 to vector<16xi32>
    %broadcast_in_dim3A_2493 = vector.broadcast %jit3A_2491 : i32 to vector<16xi32>
    %select_n3A_2494 = arith.select %ge3A_2489, %broadcast_in_dim3A_2492, %broadcast_in_dim3A_2493 : vector<16xi1>, vector<16xi32>
    %ge3A_2495 = arith.constant 499712 : i32
    %ge3A_2496 = vector.broadcast %ge3A_2495 : i32 to vector<16xi32>
    %ge3A_2497 = arith.cmpi sge, %get3A_2486, %ge3A_2496 : vector<16xi32>
    %jit3A_2498 = arith.constant 1 : i32
    %jit3A_2499 = arith.constant 0 : i32
    %broadcast_in_dim3A_2500 = vector.broadcast %jit3A_2498 : i32 to vector<16xi32>
    %broadcast_in_dim3A_2501 = vector.broadcast %jit3A_2499 : i32 to vector<16xi32>
    %select_n3A_2502 = arith.select %ge3A_2497, %broadcast_in_dim3A_2500, %broadcast_in_dim3A_2501 : vector<16xi1>, vector<16xi32>
    %ge3A_2503 = arith.constant 749568 : i32
    %ge3A_2504 = vector.broadcast %ge3A_2503 : i32 to vector<16xi32>
    %ge3A_2505 = arith.cmpi sge, %get3A_2486, %ge3A_2504 : vector<16xi32>
    %jit3A_2506 = arith.constant 1 : i32
    %jit3A_2507 = arith.constant 0 : i32
    %broadcast_in_dim3A_2508 = vector.broadcast %jit3A_2506 : i32 to vector<16xi32>
    %broadcast_in_dim3A_2509 = vector.broadcast %jit3A_2507 : i32 to vector<16xi32>
    %select_n3A_2510 = arith.select %ge3A_2505, %broadcast_in_dim3A_2508, %broadcast_in_dim3A_2509 : vector<16xi1>, vector<16xi32>
    %add3A_2511 = arith.addi %select_n3A_2494, %select_n3A_2502 : vector<16xi32>
    %add3A_2512 = arith.addi %add3A_2511, %select_n3A_2510 : vector<16xi32>
    %mul3A_2513 = arith.constant 249856 : i32
    %mul3A_2514 = vector.broadcast %mul3A_2513 : i32 to vector<16xi32>
    %mul3A_2515 = arith.muli %add3A_2512, %mul3A_2514 : vector<16xi32>
    %sub3A_2516 = arith.subi %get3A_2486, %mul3A_2515 : vector<16xi32>
    %min3A_2517 = arith.constant 249855 : i32
    %min3A_2518 = vector.broadcast %min3A_2517 : i32 to vector<16xi32>
    %min3A_2519 = arith.minsi %sub3A_2516, %min3A_2518 : vector<16xi32>
    %jit3A_2520 = arith.constant 8 : i32
    %div3A_2521 = arith.divsi %scan3A_2481, %jit3A_2520 : i32
    %sign3A_2522 = arith.constant 0 : i32
    %sign3A_2523 = arith.cmpi sgt, %scan3A_2481, %sign3A_2522 : i32
    %sign3A_2524 = arith.extui %sign3A_2523 : i1 to i32
    %sign3A_2525 = arith.constant 0 : i32
    %sign3A_2526 = arith.cmpi slt, %scan3A_2481, %sign3A_2525 : i32
    %sign3A_2527 = arith.extui %sign3A_2526 : i1 to i32
    %sign3A_2528 = arith.subi %sign3A_2524, %sign3A_2527 : i32
    %sign3A_2529 = arith.constant 0 : i32
    %sign3A_2530 = arith.cmpi sgt, %jit3A_2520, %sign3A_2529 : i32
    %sign3A_2531 = arith.extui %sign3A_2530 : i1 to i32
    %sign3A_2532 = arith.constant 0 : i32
    %sign3A_2533 = arith.cmpi slt, %jit3A_2520, %sign3A_2532 : i32
    %sign3A_2534 = arith.extui %sign3A_2533 : i1 to i32
    %sign3A_2535 = arith.subi %sign3A_2531, %sign3A_2534 : i32
    %ne3A_2536 = arith.cmpi ne, %sign3A_2528, %sign3A_2535 : i32
    %rem3A_2537 = arith.remsi %scan3A_2481, %jit3A_2520 : i32
    %ne3A_2538 = arith.constant 0 : i32
    %ne3A_2539 = arith.cmpi ne, %rem3A_2537, %ne3A_2538 : i32
    %and3A_2540 = arith.andi %ne3A_2536, %ne3A_2539 : i1
    %sub3A_2541 = arith.constant 1 : i32
    %sub3A_2542 = arith.subi %div3A_2521, %sub3A_2541 : i32
    %select_n3A_2543 = arith.select %and3A_2540, %sub3A_2542, %div3A_2521 : i32
    %jit3A_2544 = arith.constant 8 : i32
    %eq3A_2545 = arith.constant 0 : i32
    %eq3A_2546 = arith.cmpi eq, %jit3A_2544, %eq3A_2545 : i32
    %jit3A_2547 = arith.constant 1 : i32
    %select_n3A_2548 = arith.select %eq3A_2546, %jit3A_2547, %jit3A_2544 : i32
    %rem3A_2549 = arith.remsi %scan3A_2481, %select_n3A_2548 : i32
    %ne3A_2550 = arith.constant 0 : i32
    %ne3A_2551 = arith.cmpi ne, %rem3A_2549, %ne3A_2550 : i32
    %lt3A_2552 = arith.constant 0 : i32
    %lt3A_2553 = arith.cmpi slt, %rem3A_2549, %lt3A_2552 : i32
    %lt3A_2554 = arith.constant 0 : i32
    %lt3A_2555 = arith.cmpi slt, %select_n3A_2548, %lt3A_2554 : i32
    %ne3A_2556 = arith.xori %lt3A_2553, %lt3A_2555 : i1
    %and3A_2557 = arith.andi %ne3A_2556, %ne3A_2551 : i1
    %add3A_2558 = arith.addi %rem3A_2549, %select_n3A_2548 : i32
    %select_n3A_2559 = arith.select %and3A_2557, %add3A_2558, %rem3A_2549 : i32
    %mul3A_2560 = arith.constant 16 : i32
    %mul3A_2561 = arith.muli %select_n3A_2559, %mul3A_2560 : i32
    %swap3A_2562 = arith.index_cast %select_n3A_2543 : i32 to index
    %swap3A_2563 = arith.index_cast %mul3A_2561 : i32 to index
    %swap3A_2564 = tpu.vector_load %arg6[%swap3A_2562, %swap3A_2563] {strides = array<i32>} : memref<4x128xi32, #tpu.memory_space<vmem>>, vector<1x16xi32>,
    %swap3A_2565 = vector.shape_cast %swap3A_2564 : vector<1x16xi32> to vector<16xi32>
    %swap3A_2566 = vector.shape_cast %min3A_2519 : vector<16xi32> to vector<1x16xi32>
    tpu.vector_store %arg6[%swap3A_2562, %swap3A_2563], %swap3A_2566 {strides = array<i32>} : memref<4x128xi32, #tpu.memory_space<vmem>>, vector<1x16xi32>,
    %scan3A_2567 = arith.constant 30 : i32
    %mul3A_2568 = arith.constant 16 : i32
    %mul3A_2569 = arith.muli %scan3A_2567, %mul3A_2568 : i32
    %get3A_2570 = arith.index_cast %mul3A_2569 : i32 to index
    %get3A_2571 = tpu.vector_load %arg5[%get3A_2570] {strides = array<i32>} : memref<512xi32, #tpu.memory_space<vmem>>, vector<16xi32>,
    %get3A_2572 = vector.shape_cast %get3A_2571 : vector<16xi32> to vector<16xi32>
    %ge3A_2573 = arith.constant 249856 : i32
    %ge3A_2574 = vector.broadcast %ge3A_2573 : i32 to vector<16xi32>
    %ge3A_2575 = arith.cmpi sge, %get3A_2572, %ge3A_2574 : vector<16xi32>
    %jit3A_2576 = arith.constant 1 : i32
    %jit3A_2577 = arith.constant 0 : i32
    %broadcast_in_dim3A_2578 = vector.broadcast %jit3A_2576 : i32 to vector<16xi32>
    %broadcast_in_dim3A_2579 = vector.broadcast %jit3A_2577 : i32 to vector<16xi32>
    %select_n3A_2580 = arith.select %ge3A_2575, %broadcast_in_dim3A_2578, %broadcast_in_dim3A_2579 : vector<16xi1>, vector<16xi32>
    %ge3A_2581 = arith.constant 499712 : i32
    %ge3A_2582 = vector.broadcast %ge3A_2581 : i32 to vector<16xi32>
    %ge3A_2583 = arith.cmpi sge, %get3A_2572, %ge3A_2582 : vector<16xi32>
    %jit3A_2584 = arith.constant 1 : i32
    %jit3A_2585 = arith.constant 0 : i32
    %broadcast_in_dim3A_2586 = vector.broadcast %jit3A_2584 : i32 to vector<16xi32>
    %broadcast_in_dim3A_2587 = vector.broadcast %jit3A_2585 : i32 to vector<16xi32>
    %select_n3A_2588 = arith.select %ge3A_2583, %broadcast_in_dim3A_2586, %broadcast_in_dim3A_2587 : vector<16xi1>, vector<16xi32>
    %ge3A_2589 = arith.constant 749568 : i32
    %ge3A_2590 = vector.broadcast %ge3A_2589 : i32 to vector<16xi32>
    %ge3A_2591 = arith.cmpi sge, %get3A_2572, %ge3A_2590 : vector<16xi32>
    %jit3A_2592 = arith.constant 1 : i32
    %jit3A_2593 = arith.constant 0 : i32
    %broadcast_in_dim3A_2594 = vector.broadcast %jit3A_2592 : i32 to vector<16xi32>
    %broadcast_in_dim3A_2595 = vector.broadcast %jit3A_2593 : i32 to vector<16xi32>
    %select_n3A_2596 = arith.select %ge3A_2591, %broadcast_in_dim3A_2594, %broadcast_in_dim3A_2595 : vector<16xi1>, vector<16xi32>
    %add3A_2597 = arith.addi %select_n3A_2580, %select_n3A_2588 : vector<16xi32>
    %add3A_2598 = arith.addi %add3A_2597, %select_n3A_2596 : vector<16xi32>
    %mul3A_2599 = arith.constant 249856 : i32
    %mul3A_2600 = vector.broadcast %mul3A_2599 : i32 to vector<16xi32>
    %mul3A_2601 = arith.muli %add3A_2598, %mul3A_2600 : vector<16xi32>
    %sub3A_2602 = arith.subi %get3A_2572, %mul3A_2601 : vector<16xi32>
    %min3A_2603 = arith.constant 249855 : i32
    %min3A_2604 = vector.broadcast %min3A_2603 : i32 to vector<16xi32>
    %min3A_2605 = arith.minsi %sub3A_2602, %min3A_2604 : vector<16xi32>
    %jit3A_2606 = arith.constant 8 : i32
    %div3A_2607 = arith.divsi %scan3A_2567, %jit3A_2606 : i32
    %sign3A_2608 = arith.constant 0 : i32
    %sign3A_2609 = arith.cmpi sgt, %scan3A_2567, %sign3A_2608 : i32
    %sign3A_2610 = arith.extui %sign3A_2609 : i1 to i32
    %sign3A_2611 = arith.constant 0 : i32
    %sign3A_2612 = arith.cmpi slt, %scan3A_2567, %sign3A_2611 : i32
    %sign3A_2613 = arith.extui %sign3A_2612 : i1 to i32
    %sign3A_2614 = arith.subi %sign3A_2610, %sign3A_2613 : i32
    %sign3A_2615 = arith.constant 0 : i32
    %sign3A_2616 = arith.cmpi sgt, %jit3A_2606, %sign3A_2615 : i32
    %sign3A_2617 = arith.extui %sign3A_2616 : i1 to i32
    %sign3A_2618 = arith.constant 0 : i32
    %sign3A_2619 = arith.cmpi slt, %jit3A_2606, %sign3A_2618 : i32
    %sign3A_2620 = arith.extui %sign3A_2619 : i1 to i32
    %sign3A_2621 = arith.subi %sign3A_2617, %sign3A_2620 : i32
    %ne3A_2622 = arith.cmpi ne, %sign3A_2614, %sign3A_2621 : i32
    %rem3A_2623 = arith.remsi %scan3A_2567, %jit3A_2606 : i32
    %ne3A_2624 = arith.constant 0 : i32
    %ne3A_2625 = arith.cmpi ne, %rem3A_2623, %ne3A_2624 : i32
    %and3A_2626 = arith.andi %ne3A_2622, %ne3A_2625 : i1
    %sub3A_2627 = arith.constant 1 : i32
    %sub3A_2628 = arith.subi %div3A_2607, %sub3A_2627 : i32
    %select_n3A_2629 = arith.select %and3A_2626, %sub3A_2628, %div3A_2607 : i32
    %jit3A_2630 = arith.constant 8 : i32
    %eq3A_2631 = arith.constant 0 : i32
    %eq3A_2632 = arith.cmpi eq, %jit3A_2630, %eq3A_2631 : i32
    %jit3A_2633 = arith.constant 1 : i32
    %select_n3A_2634 = arith.select %eq3A_2632, %jit3A_2633, %jit3A_2630 : i32
    %rem3A_2635 = arith.remsi %scan3A_2567, %select_n3A_2634 : i32
    %ne3A_2636 = arith.constant 0 : i32
    %ne3A_2637 = arith.cmpi ne, %rem3A_2635, %ne3A_2636 : i32
    %lt3A_2638 = arith.constant 0 : i32
    %lt3A_2639 = arith.cmpi slt, %rem3A_2635, %lt3A_2638 : i32
    %lt3A_2640 = arith.constant 0 : i32
    %lt3A_2641 = arith.cmpi slt, %select_n3A_2634, %lt3A_2640 : i32
    %ne3A_2642 = arith.xori %lt3A_2639, %lt3A_2641 : i1
    %and3A_2643 = arith.andi %ne3A_2642, %ne3A_2637 : i1
    %add3A_2644 = arith.addi %rem3A_2635, %select_n3A_2634 : i32
    %select_n3A_2645 = arith.select %and3A_2643, %add3A_2644, %rem3A_2635 : i32
    %mul3A_2646 = arith.constant 16 : i32
    %mul3A_2647 = arith.muli %select_n3A_2645, %mul3A_2646 : i32
    %swap3A_2648 = arith.index_cast %select_n3A_2629 : i32 to index
    %swap3A_2649 = arith.index_cast %mul3A_2647 : i32 to index
    %swap3A_2650 = tpu.vector_load %arg6[%swap3A_2648, %swap3A_2649] {strides = array<i32>} : memref<4x128xi32, #tpu.memory_space<vmem>>, vector<1x16xi32>,
    %swap3A_2651 = vector.shape_cast %swap3A_2650 : vector<1x16xi32> to vector<16xi32>
    %swap3A_2652 = vector.shape_cast %min3A_2605 : vector<16xi32> to vector<1x16xi32>
    tpu.vector_store %arg6[%swap3A_2648, %swap3A_2649], %swap3A_2652 {strides = array<i32>} : memref<4x128xi32, #tpu.memory_space<vmem>>, vector<1x16xi32>,
    %scan3A_2653 = arith.constant 31 : i32
    %mul3A_2654 = arith.constant 16 : i32
    %mul3A_2655 = arith.muli %scan3A_2653, %mul3A_2654 : i32
    %get3A_2656 = arith.index_cast %mul3A_2655 : i32 to index
    %get3A_2657 = tpu.vector_load %arg5[%get3A_2656] {strides = array<i32>} : memref<512xi32, #tpu.memory_space<vmem>>, vector<16xi32>,
    %get3A_2658 = vector.shape_cast %get3A_2657 : vector<16xi32> to vector<16xi32>
    %ge3A_2659 = arith.constant 249856 : i32
    %ge3A_2660 = vector.broadcast %ge3A_2659 : i32 to vector<16xi32>
    %ge3A_2661 = arith.cmpi sge, %get3A_2658, %ge3A_2660 : vector<16xi32>
    %jit3A_2662 = arith.constant 1 : i32
    %jit3A_2663 = arith.constant 0 : i32
    %broadcast_in_dim3A_2664 = vector.broadcast %jit3A_2662 : i32 to vector<16xi32>
    %broadcast_in_dim3A_2665 = vector.broadcast %jit3A_2663 : i32 to vector<16xi32>
    %select_n3A_2666 = arith.select %ge3A_2661, %broadcast_in_dim3A_2664, %broadcast_in_dim3A_2665 : vector<16xi1>, vector<16xi32>
    %ge3A_2667 = arith.constant 499712 : i32
    %ge3A_2668 = vector.broadcast %ge3A_2667 : i32 to vector<16xi32>
    %ge3A_2669 = arith.cmpi sge, %get3A_2658, %ge3A_2668 : vector<16xi32>
    %jit3A_2670 = arith.constant 1 : i32
    %jit3A_2671 = arith.constant 0 : i32
    %broadcast_in_dim3A_2672 = vector.broadcast %jit3A_2670 : i32 to vector<16xi32>
    %broadcast_in_dim3A_2673 = vector.broadcast %jit3A_2671 : i32 to vector<16xi32>
    %select_n3A_2674 = arith.select %ge3A_2669, %broadcast_in_dim3A_2672, %broadcast_in_dim3A_2673 : vector<16xi1>, vector<16xi32>
    %ge3A_2675 = arith.constant 749568 : i32
    %ge3A_2676 = vector.broadcast %ge3A_2675 : i32 to vector<16xi32>
    %ge3A_2677 = arith.cmpi sge, %get3A_2658, %ge3A_2676 : vector<16xi32>
    %jit3A_2678 = arith.constant 1 : i32
    %jit3A_2679 = arith.constant 0 : i32
    %broadcast_in_dim3A_2680 = vector.broadcast %jit3A_2678 : i32 to vector<16xi32>
    %broadcast_in_dim3A_2681 = vector.broadcast %jit3A_2679 : i32 to vector<16xi32>
    %select_n3A_2682 = arith.select %ge3A_2677, %broadcast_in_dim3A_2680, %broadcast_in_dim3A_2681 : vector<16xi1>, vector<16xi32>
    %add3A_2683 = arith.addi %select_n3A_2666, %select_n3A_2674 : vector<16xi32>
    %add3A_2684 = arith.addi %add3A_2683, %select_n3A_2682 : vector<16xi32>
    %mul3A_2685 = arith.constant 249856 : i32
    %mul3A_2686 = vector.broadcast %mul3A_2685 : i32 to vector<16xi32>
    %mul3A_2687 = arith.muli %add3A_2684, %mul3A_2686 : vector<16xi32>
    %sub3A_2688 = arith.subi %get3A_2658, %mul3A_2687 : vector<16xi32>
    %min3A_2689 = arith.constant 249855 : i32
    %min3A_2690 = vector.broadcast %min3A_2689 : i32 to vector<16xi32>
    %min3A_2691 = arith.minsi %sub3A_2688, %min3A_2690 : vector<16xi32>
    %jit3A_2692 = arith.constant 8 : i32
    %div3A_2693 = arith.divsi %scan3A_2653, %jit3A_2692 : i32
    %sign3A_2694 = arith.constant 0 : i32
    %sign3A_2695 = arith.cmpi sgt, %scan3A_2653, %sign3A_2694 : i32
    %sign3A_2696 = arith.extui %sign3A_2695 : i1 to i32
    %sign3A_2697 = arith.constant 0 : i32
    %sign3A_2698 = arith.cmpi slt, %scan3A_2653, %sign3A_2697 : i32
    %sign3A_2699 = arith.extui %sign3A_2698 : i1 to i32
    %sign3A_2700 = arith.subi %sign3A_2696, %sign3A_2699 : i32
    %sign3A_2701 = arith.constant 0 : i32
    %sign3A_2702 = arith.cmpi sgt, %jit3A_2692, %sign3A_2701 : i32
    %sign3A_2703 = arith.extui %sign3A_2702 : i1 to i32
    %sign3A_2704 = arith.constant 0 : i32
    %sign3A_2705 = arith.cmpi slt, %jit3A_2692, %sign3A_2704 : i32
    %sign3A_2706 = arith.extui %sign3A_2705 : i1 to i32
    %sign3A_2707 = arith.subi %sign3A_2703, %sign3A_2706 : i32
    %ne3A_2708 = arith.cmpi ne, %sign3A_2700, %sign3A_2707 : i32
    %rem3A_2709 = arith.remsi %scan3A_2653, %jit3A_2692 : i32
    %ne3A_2710 = arith.constant 0 : i32
    %ne3A_2711 = arith.cmpi ne, %rem3A_2709, %ne3A_2710 : i32
    %and3A_2712 = arith.andi %ne3A_2708, %ne3A_2711 : i1
    %sub3A_2713 = arith.constant 1 : i32
    %sub3A_2714 = arith.subi %div3A_2693, %sub3A_2713 : i32
    %select_n3A_2715 = arith.select %and3A_2712, %sub3A_2714, %div3A_2693 : i32
    %jit3A_2716 = arith.constant 8 : i32
    %eq3A_2717 = arith.constant 0 : i32
    %eq3A_2718 = arith.cmpi eq, %jit3A_2716, %eq3A_2717 : i32
    %jit3A_2719 = arith.constant 1 : i32
    %select_n3A_2720 = arith.select %eq3A_2718, %jit3A_2719, %jit3A_2716 : i32
    %rem3A_2721 = arith.remsi %scan3A_2653, %select_n3A_2720 : i32
    %ne3A_2722 = arith.constant 0 : i32
    %ne3A_2723 = arith.cmpi ne, %rem3A_2721, %ne3A_2722 : i32
    %lt3A_2724 = arith.constant 0 : i32
    %lt3A_2725 = arith.cmpi slt, %rem3A_2721, %lt3A_2724 : i32
    %lt3A_2726 = arith.constant 0 : i32
    %lt3A_2727 = arith.cmpi slt, %select_n3A_2720, %lt3A_2726 : i32
    %ne3A_2728 = arith.xori %lt3A_2725, %lt3A_2727 : i1
    %and3A_2729 = arith.andi %ne3A_2728, %ne3A_2723 : i1
    %add3A_2730 = arith.addi %rem3A_2721, %select_n3A_2720 : i32
    %select_n3A_2731 = arith.select %and3A_2729, %add3A_2730, %rem3A_2721 : i32
    %mul3A_2732 = arith.constant 16 : i32
    %mul3A_2733 = arith.muli %select_n3A_2731, %mul3A_2732 : i32
    %swap3A_2734 = arith.index_cast %select_n3A_2715 : i32 to index
    %swap3A_2735 = arith.index_cast %mul3A_2733 : i32 to index
    %swap3A_2736 = tpu.vector_load %arg6[%swap3A_2734, %swap3A_2735] {strides = array<i32>} : memref<4x128xi32, #tpu.memory_space<vmem>>, vector<1x16xi32>,
    %swap3A_2737 = vector.shape_cast %swap3A_2736 : vector<1x16xi32> to vector<16xi32>
    %swap3A_2738 = vector.shape_cast %min3A_2691 : vector<16xi32> to vector<1x16xi32>
    tpu.vector_store %arg6[%swap3A_2734, %swap3A_2735], %swap3A_2738 {strides = array<i32>} : memref<4x128xi32, #tpu.memory_space<vmem>>, vector<1x16xi32>,
    %scan3A_2739 = arith.constant 32 : i32
    %dma_start3A = arith.constant 0 : i32
    %dma_start3A_2740 = arith.constant 0 : i32
    %dma_start3A_2741 = arith.constant 0 : i32
    %dma_start3A_2742 = tpu.memref_slice %arg7[%dma_start3A_2740, %dma_start3A_2741] : memref<512x128xf32, #tpu.memory_space<vmem>> -> memref<128x128xf32, #tpu.memory_space<vmem>>
    %dma_start3A_2743 = arith.constant 0 : i32
    %dma_start3A_2744 = tpu.memref_slice %arg6[%dma_start3A, %dma_start3A_2743] : memref<4x128xi32, #tpu.memory_space<vmem>> -> memref<1x128xi32, #tpu.memory_space<vmem>>
    %dma_start3A_2745 = tpu.memref_squeeze %dma_start3A_2744 : memref<1x128xi32, #tpu.memory_space<vmem>> -> memref<128xi32, #tpu.memory_space<vmem>>
    %dma_start3A_2746 = arith.constant 0 : i32
    %dma_start3A_2747 = arith.constant 0 : i32
    %dma_start3A_2748 = tpu.memref_slice %arg2[%dma_start3A_2746, %dma_start3A_2747] : memref<249856x128xf32, #tpu.memory_space<hbm>> -> memref<249856x128xf32, #tpu.memory_space<hbm>>
    tpu.enqueue_indirect_dma source(%dma_start3A_2748 : memref<249856x128xf32, #tpu.memory_space<hbm>>) target(%dma_start3A_2742 : memref<128x128xf32, #tpu.memory_space<vmem>>) offsets(%dma_start3A_2745 : memref<128xi32, #tpu.memory_space<vmem>>) semaphore(%arg8 : memref<!tpu.dma_semaphore, #tpu.memory_space<semaphore_mem>>)
    %dma_start3A_2749 = arith.constant 1 : i32
    %dma_start3A_2750 = arith.constant 128 : i32
    %dma_start3A_2751 = arith.constant 0 : i32
    %dma_start3A_2752 = tpu.memref_slice %arg7[%dma_start3A_2750, %dma_start3A_2751] : memref<512x128xf32, #tpu.memory_space<vmem>> -> memref<128x128xf32, #tpu.memory_space<vmem>>
    %dma_start3A_2753 = arith.constant 0 : i32
    %dma_start3A_2754 = tpu.memref_slice %arg6[%dma_start3A_2749, %dma_start3A_2753] : memref<4x128xi32, #tpu.memory_space<vmem>> -> memref<1x128xi32, #tpu.memory_space<vmem>>
    %dma_start3A_2755 = tpu.memref_squeeze %dma_start3A_2754 : memref<1x128xi32, #tpu.memory_space<vmem>> -> memref<128xi32, #tpu.memory_space<vmem>>
    %dma_start3A_2756 = arith.constant 0 : i32
    %dma_start3A_2757 = arith.constant 0 : i32
    %dma_start3A_2758 = tpu.memref_slice %arg2[%dma_start3A_2756, %dma_start3A_2757] : memref<249856x128xf32, #tpu.memory_space<hbm>> -> memref<249856x128xf32, #tpu.memory_space<hbm>>
    tpu.enqueue_indirect_dma source(%dma_start3A_2758 : memref<249856x128xf32, #tpu.memory_space<hbm>>) target(%dma_start3A_2752 : memref<128x128xf32, #tpu.memory_space<vmem>>) offsets(%dma_start3A_2755 : memref<128xi32, #tpu.memory_space<vmem>>) semaphore(%arg8 : memref<!tpu.dma_semaphore, #tpu.memory_space<semaphore_mem>>)
    %dma_start3A_2759 = arith.constant 2 : i32
    %dma_start3A_2760 = arith.constant 256 : i32
    %dma_start3A_2761 = arith.constant 0 : i32
    %dma_start3A_2762 = tpu.memref_slice %arg7[%dma_start3A_2760, %dma_start3A_2761] : memref<512x128xf32, #tpu.memory_space<vmem>> -> memref<128x128xf32, #tpu.memory_space<vmem>>
    %dma_start3A_2763 = arith.constant 0 : i32
    %dma_start3A_2764 = tpu.memref_slice %arg6[%dma_start3A_2759, %dma_start3A_2763] : memref<4x128xi32, #tpu.memory_space<vmem>> -> memref<1x128xi32, #tpu.memory_space<vmem>>
    %dma_start3A_2765 = tpu.memref_squeeze %dma_start3A_2764 : memref<1x128xi32, #tpu.memory_space<vmem>> -> memref<128xi32, #tpu.memory_space<vmem>>
    %dma_start3A_2766 = arith.constant 0 : i32
    %dma_start3A_2767 = arith.constant 0 : i32
    %dma_start3A_2768 = tpu.memref_slice %arg2[%dma_start3A_2766, %dma_start3A_2767] : memref<249856x128xf32, #tpu.memory_space<hbm>> -> memref<249856x128xf32, #tpu.memory_space<hbm>>
    tpu.enqueue_indirect_dma source(%dma_start3A_2768 : memref<249856x128xf32, #tpu.memory_space<hbm>>) target(%dma_start3A_2762 : memref<128x128xf32, #tpu.memory_space<vmem>>) offsets(%dma_start3A_2765 : memref<128xi32, #tpu.memory_space<vmem>>) semaphore(%arg8 : memref<!tpu.dma_semaphore, #tpu.memory_space<semaphore_mem>>)
    %dma_start3A_2769 = arith.constant 3 : i32
    %dma_start3A_2770 = arith.constant 384 : i32
    %dma_start3A_2771 = arith.constant 0 : i32
    %dma_start3A_2772 = tpu.memref_slice %arg7[%dma_start3A_2770, %dma_start3A_2771] : memref<512x128xf32, #tpu.memory_space<vmem>> -> memref<128x128xf32, #tpu.memory_space<vmem>>
    %dma_start3A_2773 = arith.constant 0 : i32
    %dma_start3A_2774 = tpu.memref_slice %arg6[%dma_start3A_2769, %dma_start3A_2773] : memref<4x128xi32, #tpu.memory_space<vmem>> -> memref<1x128xi32, #tpu.memory_space<vmem>>
    %dma_start3A_2775 = tpu.memref_squeeze %dma_start3A_2774 : memref<1x128xi32, #tpu.memory_space<vmem>> -> memref<128xi32, #tpu.memory_space<vmem>>
    %dma_start3A_2776 = arith.constant 0 : i32
    %dma_start3A_2777 = arith.constant 0 : i32
    %dma_start3A_2778 = tpu.memref_slice %arg2[%dma_start3A_2776, %dma_start3A_2777] : memref<249856x128xf32, #tpu.memory_space<hbm>> -> memref<249856x128xf32, #tpu.memory_space<hbm>>
    tpu.enqueue_indirect_dma source(%dma_start3A_2778 : memref<249856x128xf32, #tpu.memory_space<hbm>>) target(%dma_start3A_2772 : memref<128x128xf32, #tpu.memory_space<vmem>>) offsets(%dma_start3A_2775 : memref<128xi32, #tpu.memory_space<vmem>>) semaphore(%arg8 : memref<!tpu.dma_semaphore, #tpu.memory_space<semaphore_mem>>)
    %dma_wait3A = arith.constant 0 : i32
    %dma_wait3A_2779 = arith.constant 0 : i32
    %dma_wait3A_2780 = arith.constant 0 : i32
    %dma_wait3A_2781 = tpu.memref_slice %arg7[%dma_wait3A_2779, %dma_wait3A_2780] : memref<512x128xf32, #tpu.memory_space<vmem>> -> memref<128x128xf32, #tpu.memory_space<vmem>>
    %dma_wait3A_2782 = arith.constant 0 : i32
    %dma_wait3A_2783 = tpu.memref_slice %arg6[%dma_wait3A, %dma_wait3A_2782] : memref<4x128xi32, #tpu.memory_space<vmem>> -> memref<1x128xi32, #tpu.memory_space<vmem>>
    %dma_wait3A_2784 = tpu.memref_squeeze %dma_wait3A_2783 : memref<1x128xi32, #tpu.memory_space<vmem>> -> memref<128xi32, #tpu.memory_space<vmem>>
    %dma_wait3A_2785 = arith.constant 0 : i32
    %dma_wait3A_2786 = arith.constant 0 : i32
    %dma_wait3A_2787 = tpu.memref_slice %arg2[%dma_wait3A_2785, %dma_wait3A_2786] : memref<249856x128xf32, #tpu.memory_space<hbm>> -> memref<249856x128xf32, #tpu.memory_space<hbm>>
    tpu.wait_indirect_dma semaphore(%arg8 : memref<!tpu.dma_semaphore, #tpu.memory_space<semaphore_mem>>) src(%dma_wait3A_2787 : memref<249856x128xf32, #tpu.memory_space<hbm>>) dst(%dma_wait3A_2781 : memref<128x128xf32, #tpu.memory_space<vmem>>)
    %dma_wait3A_2788 = arith.constant 1 : i32
    %dma_wait3A_2789 = arith.constant 128 : i32
    %dma_wait3A_2790 = arith.constant 0 : i32
    %dma_wait3A_2791 = tpu.memref_slice %arg7[%dma_wait3A_2789, %dma_wait3A_2790] : memref<512x128xf32, #tpu.memory_space<vmem>> -> memref<128x128xf32, #tpu.memory_space<vmem>>
    %dma_wait3A_2792 = arith.constant 0 : i32
    %dma_wait3A_2793 = tpu.memref_slice %arg6[%dma_wait3A_2788, %dma_wait3A_2792] : memref<4x128xi32, #tpu.memory_space<vmem>> -> memref<1x128xi32, #tpu.memory_space<vmem>>
    %dma_wait3A_2794 = tpu.memref_squeeze %dma_wait3A_2793 : memref<1x128xi32, #tpu.memory_space<vmem>> -> memref<128xi32, #tpu.memory_space<vmem>>
    %dma_wait3A_2795 = arith.constant 0 : i32
    %dma_wait3A_2796 = arith.constant 0 : i32
    %dma_wait3A_2797 = tpu.memref_slice %arg2[%dma_wait3A_2795, %dma_wait3A_2796] : memref<249856x128xf32, #tpu.memory_space<hbm>> -> memref<249856x128xf32, #tpu.memory_space<hbm>>
    tpu.wait_indirect_dma semaphore(%arg8 : memref<!tpu.dma_semaphore, #tpu.memory_space<semaphore_mem>>) src(%dma_wait3A_2797 : memref<249856x128xf32, #tpu.memory_space<hbm>>) dst(%dma_wait3A_2791 : memref<128x128xf32, #tpu.memory_space<vmem>>)
    %dma_wait3A_2798 = arith.constant 2 : i32
    %dma_wait3A_2799 = arith.constant 256 : i32
    %dma_wait3A_2800 = arith.constant 0 : i32
    %dma_wait3A_2801 = tpu.memref_slice %arg7[%dma_wait3A_2799, %dma_wait3A_2800] : memref<512x128xf32, #tpu.memory_space<vmem>> -> memref<128x128xf32, #tpu.memory_space<vmem>>
    %dma_wait3A_2802 = arith.constant 0 : i32
    %dma_wait3A_2803 = tpu.memref_slice %arg6[%dma_wait3A_2798, %dma_wait3A_2802] : memref<4x128xi32, #tpu.memory_space<vmem>> -> memref<1x128xi32, #tpu.memory_space<vmem>>
    %dma_wait3A_2804 = tpu.memref_squeeze %dma_wait3A_2803 : memref<1x128xi32, #tpu.memory_space<vmem>> -> memref<128xi32, #tpu.memory_space<vmem>>
    %dma_wait3A_2805 = arith.constant 0 : i32
    %dma_wait3A_2806 = arith.constant 0 : i32
    %dma_wait3A_2807 = tpu.memref_slice %arg2[%dma_wait3A_2805, %dma_wait3A_2806] : memref<249856x128xf32, #tpu.memory_space<hbm>> -> memref<249856x128xf32, #tpu.memory_space<hbm>>
    tpu.wait_indirect_dma semaphore(%arg8 : memref<!tpu.dma_semaphore, #tpu.memory_space<semaphore_mem>>) src(%dma_wait3A_2807 : memref<249856x128xf32, #tpu.memory_space<hbm>>) dst(%dma_wait3A_2801 : memref<128x128xf32, #tpu.memory_space<vmem>>)
    %dma_wait3A_2808 = arith.constant 3 : i32
    %dma_wait3A_2809 = arith.constant 384 : i32
    %dma_wait3A_2810 = arith.constant 0 : i32
    %dma_wait3A_2811 = tpu.memref_slice %arg7[%dma_wait3A_2809, %dma_wait3A_2810] : memref<512x128xf32, #tpu.memory_space<vmem>> -> memref<128x128xf32, #tpu.memory_space<vmem>>
    %dma_wait3A_2812 = arith.constant 0 : i32
    %dma_wait3A_2813 = tpu.memref_slice %arg6[%dma_wait3A_2808, %dma_wait3A_2812] : memref<4x128xi32, #tpu.memory_space<vmem>> -> memref<1x128xi32, #tpu.memory_space<vmem>>
    %dma_wait3A_2814 = tpu.memref_squeeze %dma_wait3A_2813 : memref<1x128xi32, #tpu.memory_space<vmem>> -> memref<128xi32, #tpu.memory_space<vmem>>
    %dma_wait3A_2815 = arith.constant 0 : i32
    %dma_wait3A_2816 = arith.constant 0 : i32
    %dma_wait3A_2817 = tpu.memref_slice %arg2[%dma_wait3A_2815, %dma_wait3A_2816] : memref<249856x128xf32, #tpu.memory_space<hbm>> -> memref<249856x128xf32, #tpu.memory_space<hbm>>
    tpu.wait_indirect_dma semaphore(%arg8 : memref<!tpu.dma_semaphore, #tpu.memory_space<semaphore_mem>>) src(%dma_wait3A_2817 : memref<249856x128xf32, #tpu.memory_space<hbm>>) dst(%dma_wait3A_2811 : memref<128x128xf32, #tpu.memory_space<vmem>>)
    "tpu.region"() ({
      %run_scoped3A = tpu.sem_alloc : memref<!tpu.dma_semaphore, #tpu.memory_space<semaphore_mem>>
      %dma_start3A_2818 = arith.constant 0 : i32
      %dma_start3A_2819 = tpu.memref_slice %arg4[%mul3A_2, %dma_start3A_2818] : memref<16384x128xf32, #tpu.memory_space<hbm>> -> memref<512x128xf32, #tpu.memory_space<hbm>>
      %dma_start3A_2820 = arith.constant 0 : i32
      %dma_start3A_2821 = tpu.memref_slice %arg4[%mul3A_2, %dma_start3A_2820] : memref<16384x128xf32, #tpu.memory_space<hbm>> -> memref<512x128xf32, #tpu.memory_space<hbm>>
      tpu.enqueue_dma source(%arg7 : memref<512x128xf32, #tpu.memory_space<vmem>>) target(%dma_start3A_2821 : memref<512x128xf32, #tpu.memory_space<hbm>>) target_semaphore(%run_scoped3A : memref<!tpu.dma_semaphore, #tpu.memory_space<semaphore_mem>>)
      %dma_wait3A_2822 = arith.constant 0 : i32
      %dma_wait3A_2823 = tpu.memref_slice %arg4[%mul3A_2, %dma_wait3A_2822] : memref<16384x128xf32, #tpu.memory_space<hbm>> -> memref<512x128xf32, #tpu.memory_space<hbm>>
      %dma_wait3A_2824 = arith.constant 0 : i32
      %dma_wait3A_2825 = tpu.memref_slice %arg4[%mul3A_2, %dma_wait3A_2824] : memref<16384x128xf32, #tpu.memory_space<hbm>> -> memref<512x128xf32, #tpu.memory_space<hbm>>
      tpu.wait_dma2 semaphore(%run_scoped3A : memref<!tpu.dma_semaphore, #tpu.memory_space<semaphore_mem>>) src(%arg7 : memref<512x128xf32, #tpu.memory_space<vmem>>) dst(%dma_wait3A_2825 : memref<512x128xf32, #tpu.memory_space<hbm>>)
      tpu.yield
    }) : () -> ()
    return
  }
}

module attributes {stable_mosaic.version = 14 : i64} {
  func.func @_detile_body(%arg0: i32, %arg1: memref<64x4096xf32, #tpu.memory_space<vmem>>, %arg2: memref<64x4096xf32, #tpu.memory_space<vmem>>, %arg3: memref<64x4096xf32, #tpu.memory_space<vmem>>, %arg4: memref<64x4096xf32, #tpu.memory_space<vmem>>, %arg5: memref<4096x128xf32, #tpu.memory_space<vmem>>) attributes {dimension_semantics = [#tpu.dimension_semantics<arbitrary>], iteration_bounds = array<i64: 61>, scalar_prefetch = 0 : i64, scratch_operands = 0 : i64, tpu.core_type = #tpu.core_type<tc>, window_params = [{transform_indices = @transform_0, window_bounds = array<i64: 64, 4096>}, {transform_indices = @transform_1, window_bounds = array<i64: 64, 4096>}, {transform_indices = @transform_2, window_bounds = array<i64: 64, 4096>}, {transform_indices = @transform_3, window_bounds = array<i64: 64, 4096>}, {transform_indices = @transform_4, window_bounds = array<i64: 4096, 128>}]} {
    %get3A = arith.constant 0 : index
    %get3A_0 = arith.constant 0 : index
    %get3A_1 = vector.load %arg1[%get3A, %get3A_0] : memref<64x4096xf32, #tpu.memory_space<vmem>>, vector<64x4096xf32>
    %slice3A = vector.extract_strided_slice %get3A_1 {offsets = [0, 0], sizes = [32, 4096], strides = [1, 1]} : vector<64x4096xf32> to vector<32x4096xf32>
    %convert_element_type3A = arith.truncf %slice3A : vector<32x4096xf32> to vector<32x4096xbf16>
    %bitcast_convert_type3A = tpu.bitcast %convert_element_type3A : vector<32x4096xbf16> -> vector<32x4096xi16>
    %convert_element_type3A_2 = arith.extui %bitcast_convert_type3A : vector<32x4096xi16> to vector<32x4096xi32>
    %slice3A_3 = vector.extract_strided_slice %get3A_1 {offsets = [32, 0], sizes = [32, 4096], strides = [1, 1]} : vector<64x4096xf32> to vector<32x4096xf32>
    %convert_element_type3A_4 = arith.truncf %slice3A_3 : vector<32x4096xf32> to vector<32x4096xbf16>
    %bitcast_convert_type3A_5 = tpu.bitcast %convert_element_type3A_4 : vector<32x4096xbf16> -> vector<32x4096xi16>
    %convert_element_type3A_6 = arith.extui %bitcast_convert_type3A_5 : vector<32x4096xi16> to vector<32x4096xi32>
    %shift_left3A = arith.constant 16 : i32
    %shift_left3A_7 = vector.broadcast %shift_left3A : i32 to vector<32x4096xi32>
    %shift_left3A_8 = arith.shli %convert_element_type3A_2, %shift_left3A_7 : vector<32x4096xi32>
    %or3A = arith.ori %shift_left3A_8, %convert_element_type3A_6 : vector<32x4096xi32>
    %bitcast_convert_type3A_9 = tpu.bitcast %or3A : vector<32x4096xi32> -> vector<32x4096xf32>
    %get3A_10 = arith.constant 0 : index
    %get3A_11 = arith.constant 0 : index
    %get3A_12 = vector.load %arg2[%get3A_10, %get3A_11] : memref<64x4096xf32, #tpu.memory_space<vmem>>, vector<64x4096xf32>
    %slice3A_13 = vector.extract_strided_slice %get3A_12 {offsets = [0, 0], sizes = [32, 4096], strides = [1, 1]} : vector<64x4096xf32> to vector<32x4096xf32>
    %convert_element_type3A_14 = arith.truncf %slice3A_13 : vector<32x4096xf32> to vector<32x4096xbf16>
    %bitcast_convert_type3A_15 = tpu.bitcast %convert_element_type3A_14 : vector<32x4096xbf16> -> vector<32x4096xi16>
    %convert_element_type3A_16 = arith.extui %bitcast_convert_type3A_15 : vector<32x4096xi16> to vector<32x4096xi32>
    %slice3A_17 = vector.extract_strided_slice %get3A_12 {offsets = [32, 0], sizes = [32, 4096], strides = [1, 1]} : vector<64x4096xf32> to vector<32x4096xf32>
    %convert_element_type3A_18 = arith.truncf %slice3A_17 : vector<32x4096xf32> to vector<32x4096xbf16>
    %bitcast_convert_type3A_19 = tpu.bitcast %convert_element_type3A_18 : vector<32x4096xbf16> -> vector<32x4096xi16>
    %convert_element_type3A_20 = arith.extui %bitcast_convert_type3A_19 : vector<32x4096xi16> to vector<32x4096xi32>
    %shift_left3A_21 = arith.constant 16 : i32
    %shift_left3A_22 = vector.broadcast %shift_left3A_21 : i32 to vector<32x4096xi32>
    %shift_left3A_23 = arith.shli %convert_element_type3A_16, %shift_left3A_22 : vector<32x4096xi32>
    %or3A_24 = arith.ori %shift_left3A_23, %convert_element_type3A_20 : vector<32x4096xi32>
    %bitcast_convert_type3A_25 = tpu.bitcast %or3A_24 : vector<32x4096xi32> -> vector<32x4096xf32>
    %get3A_26 = arith.constant 0 : index
    %get3A_27 = arith.constant 0 : index
    %get3A_28 = vector.load %arg3[%get3A_26, %get3A_27] : memref<64x4096xf32, #tpu.memory_space<vmem>>, vector<64x4096xf32>
    %slice3A_29 = vector.extract_strided_slice %get3A_28 {offsets = [0, 0], sizes = [32, 4096], strides = [1, 1]} : vector<64x4096xf32> to vector<32x4096xf32>
    %convert_element_type3A_30 = arith.truncf %slice3A_29 : vector<32x4096xf32> to vector<32x4096xbf16>
    %bitcast_convert_type3A_31 = tpu.bitcast %convert_element_type3A_30 : vector<32x4096xbf16> -> vector<32x4096xi16>
    %convert_element_type3A_32 = arith.extui %bitcast_convert_type3A_31 : vector<32x4096xi16> to vector<32x4096xi32>
    %slice3A_33 = vector.extract_strided_slice %get3A_28 {offsets = [32, 0], sizes = [32, 4096], strides = [1, 1]} : vector<64x4096xf32> to vector<32x4096xf32>
    %convert_element_type3A_34 = arith.truncf %slice3A_33 : vector<32x4096xf32> to vector<32x4096xbf16>
    %bitcast_convert_type3A_35 = tpu.bitcast %convert_element_type3A_34 : vector<32x4096xbf16> -> vector<32x4096xi16>
    %convert_element_type3A_36 = arith.extui %bitcast_convert_type3A_35 : vector<32x4096xi16> to vector<32x4096xi32>
    %shift_left3A_37 = arith.constant 16 : i32
    %shift_left3A_38 = vector.broadcast %shift_left3A_37 : i32 to vector<32x4096xi32>
    %shift_left3A_39 = arith.shli %convert_element_type3A_32, %shift_left3A_38 : vector<32x4096xi32>
    %or3A_40 = arith.ori %shift_left3A_39, %convert_element_type3A_36 : vector<32x4096xi32>
    %bitcast_convert_type3A_41 = tpu.bitcast %or3A_40 : vector<32x4096xi32> -> vector<32x4096xf32>
    %get3A_42 = arith.constant 0 : index
    %get3A_43 = arith.constant 0 : index
    %get3A_44 = vector.load %arg4[%get3A_42, %get3A_43] : memref<64x4096xf32, #tpu.memory_space<vmem>>, vector<64x4096xf32>
    %slice3A_45 = vector.extract_strided_slice %get3A_44 {offsets = [0, 0], sizes = [32, 4096], strides = [1, 1]} : vector<64x4096xf32> to vector<32x4096xf32>
    %convert_element_type3A_46 = arith.truncf %slice3A_45 : vector<32x4096xf32> to vector<32x4096xbf16>
    %bitcast_convert_type3A_47 = tpu.bitcast %convert_element_type3A_46 : vector<32x4096xbf16> -> vector<32x4096xi16>
    %convert_element_type3A_48 = arith.extui %bitcast_convert_type3A_47 : vector<32x4096xi16> to vector<32x4096xi32>
    %slice3A_49 = vector.extract_strided_slice %get3A_44 {offsets = [32, 0], sizes = [32, 4096], strides = [1, 1]} : vector<64x4096xf32> to vector<32x4096xf32>
    %convert_element_type3A_50 = arith.truncf %slice3A_49 : vector<32x4096xf32> to vector<32x4096xbf16>
    %bitcast_convert_type3A_51 = tpu.bitcast %convert_element_type3A_50 : vector<32x4096xbf16> -> vector<32x4096xi16>
    %convert_element_type3A_52 = arith.extui %bitcast_convert_type3A_51 : vector<32x4096xi16> to vector<32x4096xi32>
    %shift_left3A_53 = arith.constant 16 : i32
    %shift_left3A_54 = vector.broadcast %shift_left3A_53 : i32 to vector<32x4096xi32>
    %shift_left3A_55 = arith.shli %convert_element_type3A_48, %shift_left3A_54 : vector<32x4096xi32>
    %or3A_56 = arith.ori %shift_left3A_55, %convert_element_type3A_52 : vector<32x4096xi32>
    %bitcast_convert_type3A_57 = tpu.bitcast %or3A_56 : vector<32x4096xi32> -> vector<32x4096xf32>
    %concatenate3A = tpu.concatenate %bitcast_convert_type3A_9, %bitcast_convert_type3A_25, %bitcast_convert_type3A_41, %bitcast_convert_type3A_57 in 0 : vector<32x4096xf32>, vector<32x4096xf32>, vector<32x4096xf32>, vector<32x4096xf32> -> vector<128x4096xf32>
    %transpose3A = tpu.transpose %concatenate3A, [1, 0] : vector<128x4096xf32> -> vector<4096x128xf32>
    %swap3A = arith.constant 0 : index
    %swap3A_58 = arith.constant 0 : index
    %swap3A_59 = vector.load %arg5[%swap3A, %swap3A_58] : memref<4096x128xf32, #tpu.memory_space<vmem>>, vector<4096x128xf32>
    tpu.vector_store %arg5[%swap3A, %swap3A_58], %transpose3A {strides = array<i32>} : memref<4096x128xf32, #tpu.memory_space<vmem>>, vector<4096x128xf32>,
    return
  }
  func.func @transform_0(%arg0: i32) -> (i32, i32) {
    %c0_i32 = arith.constant 0 : i32
    %c0_i32_0 = arith.constant 0 : i32
    return %c0_i32, %arg0 : i32, i32
  }
  func.func @transform_1(%arg0: i32) -> (i32, i32) {
    %add3A = arith.constant 61 : i32
    %add3A_0 = arith.addi %arg0, %add3A : i32
    %c0_i32 = arith.constant 0 : i32
    %c0_i32_1 = arith.constant 0 : i32
    return %c0_i32, %add3A_0 : i32, i32
  }
  func.func @transform_2(%arg0: i32) -> (i32, i32) {
    %add3A = arith.constant 122 : i32
    %add3A_0 = arith.addi %arg0, %add3A : i32
    %c0_i32 = arith.constant 0 : i32
    %c0_i32_1 = arith.constant 0 : i32
    return %c0_i32, %add3A_0 : i32, i32
  }
  func.func @transform_3(%arg0: i32) -> (i32, i32) {
    %add3A = arith.constant 183 : i32
    %add3A_0 = arith.addi %arg0, %add3A : i32
    %c0_i32 = arith.constant 0 : i32
    %c0_i32_1 = arith.constant 0 : i32
    return %c0_i32, %add3A_0 : i32, i32
  }
  func.func @transform_4(%arg0: i32) -> (i32, i32) {
    %c0_i32 = arith.constant 0 : i32
    %c0_i32_0 = arith.constant 0 : i32
    return %arg0, %c0_i32 : i32, i32
  }
}

module attributes {stable_mosaic.version = 14 : i64} {
  func.func @_mlp_body(%arg0: i32, %arg1: memref<2048x128xf32, #tpu.memory_space<vmem>>, %arg2: memref<2048x1xf32, #tpu.memory_space<vmem>>, %arg3: memref<2048x64xf32, #tpu.memory_space<vmem>>, %arg4: memref<2048x20xf32, #tpu.memory_space<vmem>>, %arg5: memref<20x64xf32, #tpu.memory_space<vmem>>, %arg6: memref<1x64xf32, #tpu.memory_space<vmem>>, %arg7: memref<64x64xf32, #tpu.memory_space<vmem>>, %arg8: memref<1x64xf32, #tpu.memory_space<vmem>>, %arg9: memref<64x64xf32, #tpu.memory_space<vmem>>, %arg10: memref<64x64xf32, #tpu.memory_space<vmem>>, %arg11: memref<1x64xf32, #tpu.memory_space<vmem>>, %arg12: memref<1x64xf32, #tpu.memory_space<vmem>>, %arg13: memref<1x64xf32, #tpu.memory_space<vmem>>, %arg14: memref<64x64xf32, #tpu.memory_space<vmem>>, %arg15: memref<1x64xf32, #tpu.memory_space<vmem>>, %arg16: memref<2048x64xf32, #tpu.memory_space<vmem>>) attributes {dimension_semantics = [#tpu.dimension_semantics<arbitrary>], iteration_bounds = array<i64: 8>, scalar_prefetch = 0 : i64, scratch_operands = 0 : i64, tpu.core_type = #tpu.core_type<tc>, window_params = [{transform_indices = @transform_0, window_bounds = array<i64: 2048, 128>}, {transform_indices = @transform_1, window_bounds = array<i64: 2048, 1>}, {transform_indices = @transform_2, window_bounds = array<i64: 2048, 64>}, {transform_indices = @transform_3, window_bounds = array<i64: 2048, 20>}, {pipeline_mode = #tpu.pipeline_mode<synchronous>, transform_indices = @transform_4, window_bounds = array<i64: 20, 64>}, {pipeline_mode = #tpu.pipeline_mode<synchronous>, transform_indices = @transform_5, window_bounds = array<i64: 1, 64>}, {pipeline_mode = #tpu.pipeline_mode<synchronous>, transform_indices = @transform_6, window_bounds = array<i64: 64, 64>}, {pipeline_mode = #tpu.pipeline_mode<synchronous>, transform_indices = @transform_7, window_bounds = array<i64: 1, 64>}, {pipeline_mode = #tpu.pipeline_mode<synchronous>, transform_indices = @transform_8, window_bounds = array<i64: 64, 64>}, {pipeline_mode = #tpu.pipeline_mode<synchronous>, transform_indices = @transform_9, window_bounds = array<i64: 64, 64>}, {pipeline_mode = #tpu.pipeline_mode<synchronous>, transform_indices = @transform_10, window_bounds = array<i64: 1, 64>}, {pipeline_mode = #tpu.pipeline_mode<synchronous>, transform_indices = @transform_11, window_bounds = array<i64: 1, 64>}, {pipeline_mode = #tpu.pipeline_mode<synchronous>, transform_indices = @transform_12, window_bounds = array<i64: 1, 64>}, {pipeline_mode = #tpu.pipeline_mode<synchronous>, transform_indices = @transform_13, window_bounds = array<i64: 64, 64>}, {pipeline_mode = #tpu.pipeline_mode<synchronous>, transform_indices = @transform_14, window_bounds = array<i64: 1, 64>}, {transform_indices = @transform_15, window_bounds = array<i64: 2048, 64>}]} {
    %get3A = arith.constant 0 : index
    %get3A_0 = arith.constant 0 : index
    %get3A_1 = vector.load %arg1[%get3A, %get3A_0] : memref<2048x128xf32, #tpu.memory_space<vmem>>, vector<2048x128xf32>
    %get3A_2 = arith.constant 0 : index
    %get3A_3 = arith.constant 0 : index
    %get3A_4 = vector.load %arg2[%get3A_2, %get3A_3] : memref<2048x1xf32, #tpu.memory_space<vmem>>, vector<2048x1xf32>
    %ge3A = arith.constant 3.500000e+00 : f32
    %ge3A_5 = vector.broadcast %ge3A : f32 to vector<2048x1xf32>
    %ge3A_6 = arith.cmpf oge, %get3A_4, %ge3A_5 : vector<2048x1xf32>
    %jit3A = arith.constant 4.000000e+00 : f32
    %jit3A_7 = arith.constant 0.000000e+00 : f32
    %broadcast_in_dim3A = vector.broadcast %jit3A : f32 to vector<2048x1xf32>
    %broadcast_in_dim3A_8 = vector.broadcast %jit3A_7 : f32 to vector<2048x1xf32>
    %select_n3A = arith.select %ge3A_6, %broadcast_in_dim3A, %broadcast_in_dim3A_8 : vector<2048x1xi1>, vector<2048x1xf32>
    %sub3A = arith.subf %get3A_4, %select_n3A : vector<2048x1xf32>
    %ge3A_9 = arith.constant 1.500000e+00 : f32
    %ge3A_10 = vector.broadcast %ge3A_9 : f32 to vector<2048x1xf32>
    %ge3A_11 = arith.cmpf oge, %sub3A, %ge3A_10 : vector<2048x1xf32>
    %jit3A_12 = arith.constant 2.000000e+00 : f32
    %jit3A_13 = arith.constant 0.000000e+00 : f32
    %broadcast_in_dim3A_14 = vector.broadcast %jit3A_12 : f32 to vector<2048x1xf32>
    %broadcast_in_dim3A_15 = vector.broadcast %jit3A_13 : f32 to vector<2048x1xf32>
    %select_n3A_16 = arith.select %ge3A_11, %broadcast_in_dim3A_14, %broadcast_in_dim3A_15 : vector<2048x1xi1>, vector<2048x1xf32>
    %sub3A_17 = arith.subf %sub3A, %select_n3A_16 : vector<2048x1xf32>
    %ge3A_18 = arith.constant 5.000000e-01 : f32
    %ge3A_19 = vector.broadcast %ge3A_18 : f32 to vector<2048x1xf32>
    %ge3A_20 = arith.cmpf oge, %sub3A_17, %ge3A_19 : vector<2048x1xf32>
    %slice3A = vector.extract_strided_slice %get3A_1 {offsets = [0, 64], sizes = [2048, 64], strides = [1, 1]} : vector<2048x128xf32> to vector<2048x64xf32>
    %slice3A_21 = vector.extract_strided_slice %get3A_1 {offsets = [0, 0], sizes = [2048, 64], strides = [1, 1]} : vector<2048x128xf32> to vector<2048x64xf32>
    %broadcast_in_dim3A_22 = vector.shape_cast %ge3A_11 : vector<2048x1xi1> to vector<2048x1xi1>
    %broadcast_in_dim3A_23 = vector.broadcast %broadcast_in_dim3A_22 : vector<2048x1xi1> to vector<2048x64xi1>
    %select_n3A_24 = arith.select %broadcast_in_dim3A_23, %slice3A, %slice3A_21 : vector<2048x64xi1>, vector<2048x64xf32>
    %slice3A_25 = vector.extract_strided_slice %select_n3A_24 {offsets = [0, 32], sizes = [2048, 32], strides = [1, 1]} : vector<2048x64xf32> to vector<2048x32xf32>
    %slice3A_26 = vector.extract_strided_slice %select_n3A_24 {offsets = [0, 0], sizes = [2048, 32], strides = [1, 1]} : vector<2048x64xf32> to vector<2048x32xf32>
    %broadcast_in_dim3A_27 = vector.shape_cast %ge3A_20 : vector<2048x1xi1> to vector<2048x1xi1>
    %broadcast_in_dim3A_28 = vector.broadcast %broadcast_in_dim3A_27 : vector<2048x1xi1> to vector<2048x32xi1>
    %select_n3A_29 = arith.select %broadcast_in_dim3A_28, %slice3A_25, %slice3A_26 : vector<2048x32xi1>, vector<2048x32xf32>
    %bitcast_convert_type3A = tpu.bitcast %select_n3A_29 : vector<2048x32xf32> -> vector<2048x32xi32>
    %and3A = arith.constant -65536 : i32
    %and3A_30 = vector.broadcast %and3A : i32 to vector<2048x32xi32>
    %and3A_31 = arith.andi %bitcast_convert_type3A, %and3A_30 : vector<2048x32xi32>
    %bitcast_convert_type3A_32 = tpu.bitcast %and3A_31 : vector<2048x32xi32> -> vector<2048x32xf32>
    %shift_left3A = arith.constant 16 : i32
    %shift_left3A_33 = vector.broadcast %shift_left3A : i32 to vector<2048x32xi32>
    %shift_left3A_34 = arith.shli %bitcast_convert_type3A, %shift_left3A_33 : vector<2048x32xi32>
    %bitcast_convert_type3A_35 = tpu.bitcast %shift_left3A_34 : vector<2048x32xi32> -> vector<2048x32xf32>
    %concatenate3A = tpu.concatenate %bitcast_convert_type3A_32, %bitcast_convert_type3A_35 in 1 : vector<2048x32xf32>, vector<2048x32xf32> -> vector<2048x64xf32>
    %get3A_36 = arith.constant 0 : index
    %get3A_37 = arith.constant 0 : index
    %get3A_38 = vector.load %arg3[%get3A_36, %get3A_37] : memref<2048x64xf32, #tpu.memory_space<vmem>>, vector<2048x64xf32>
    %broadcast_in_dim3A_39 = vector.shape_cast %ge3A_6 : vector<2048x1xi1> to vector<2048x1xi1>
    %broadcast_in_dim3A_40 = vector.broadcast %broadcast_in_dim3A_39 : vector<2048x1xi1> to vector<2048x64xi1>
    %select_n3A_41 = arith.select %broadcast_in_dim3A_40, %get3A_38, %concatenate3A : vector<2048x64xi1>, vector<2048x64xf32>
    %get3A_42 = arith.constant 0 : index
    %get3A_43 = arith.constant 0 : index
    %get3A_44 = vector.load %arg4[%get3A_42, %get3A_43] : memref<2048x20xf32, #tpu.memory_space<vmem>>, vector<2048x20xf32>
    %get3A_45 = arith.constant 0 : index
    %get3A_46 = arith.constant 0 : index
    %get3A_47 = vector.load %arg5[%get3A_45, %get3A_46] : memref<20x64xf32, #tpu.memory_space<vmem>>, vector<20x64xf32>
    %dot_general3A = arith.constant dense<0.000000e+00> : vector<2048x64xf32>
    %dot_general3A_48 = tpu.matmul %get3A_44, %get3A_47, %dot_general3A {dimension_numbers = #tpu.dot_dimension_numbers<[1], [0], [0], [1], [0, 0, 1, 1], [], []>, transpose_lhs_hint = false} : vector<2048x20xf32>, vector<20x64xf32>, vector<2048x64xf32> -> vector<2048x64xf32>
    %get3A_49 = arith.constant 0 : index
    %get3A_50 = arith.constant 0 : index
    %get3A_51 = vector.load %arg6[%get3A_49, %get3A_50] : memref<1x64xf32, #tpu.memory_space<vmem>>, vector<1x64xf32>
    %add3A = vector.broadcast %get3A_51 : vector<1x64xf32> to vector<2048x64xf32>
    %add3A_52 = arith.addf %dot_general3A_48, %add3A : vector<2048x64xf32>
    %max3A = arith.constant 0.000000e+00 : f32
    %max3A_53 = vector.broadcast %max3A : f32 to vector<2048x64xf32>
    %max3A_54 = arith.maximumf %add3A_52, %max3A_53 : vector<2048x64xf32>
    %get3A_55 = arith.constant 0 : index
    %get3A_56 = arith.constant 0 : index
    %get3A_57 = vector.load %arg7[%get3A_55, %get3A_56] : memref<64x64xf32, #tpu.memory_space<vmem>>, vector<64x64xf32>
    %dot_general3A_58 = arith.constant dense<0.000000e+00> : vector<2048x64xf32>
    %dot_general3A_59 = tpu.matmul %max3A_54, %get3A_57, %dot_general3A_58 {dimension_numbers = #tpu.dot_dimension_numbers<[1], [0], [0], [1], [0, 0, 1, 1], [], []>, transpose_lhs_hint = false} : vector<2048x64xf32>, vector<64x64xf32>, vector<2048x64xf32> -> vector<2048x64xf32>
    %get3A_60 = arith.constant 0 : index
    %get3A_61 = arith.constant 0 : index
    %get3A_62 = vector.load %arg8[%get3A_60, %get3A_61] : memref<1x64xf32, #tpu.memory_space<vmem>>, vector<1x64xf32>
    %add3A_63 = vector.broadcast %get3A_62 : vector<1x64xf32> to vector<2048x64xf32>
    %add3A_64 = arith.addf %dot_general3A_59, %add3A_63 : vector<2048x64xf32>
    %get3A_65 = arith.constant 0 : index
    %get3A_66 = arith.constant 0 : index
    %get3A_67 = vector.load %arg9[%get3A_65, %get3A_66] : memref<64x64xf32, #tpu.memory_space<vmem>>, vector<64x64xf32>
    %dot_general3A_68 = arith.constant dense<0.000000e+00> : vector<2048x64xf32>
    %dot_general3A_69 = tpu.matmul %select_n3A_41, %get3A_67, %dot_general3A_68 {dimension_numbers = #tpu.dot_dimension_numbers<[1], [0], [0], [1], [0, 0, 1, 1], [], []>, transpose_lhs_hint = false} : vector<2048x64xf32>, vector<64x64xf32>, vector<2048x64xf32> -> vector<2048x64xf32>
    %get3A_70 = arith.constant 0 : index
    %get3A_71 = arith.constant 0 : index
    %get3A_72 = vector.load %arg10[%get3A_70, %get3A_71] : memref<64x64xf32, #tpu.memory_space<vmem>>, vector<64x64xf32>
    %dot_general3A_73 = arith.constant dense<0.000000e+00> : vector<2048x64xf32>
    %dot_general3A_74 = tpu.matmul %add3A_64, %get3A_72, %dot_general3A_73 {dimension_numbers = #tpu.dot_dimension_numbers<[1], [0], [0], [1], [0, 0, 1, 1], [], []>, transpose_lhs_hint = false} : vector<2048x64xf32>, vector<64x64xf32>, vector<2048x64xf32> -> vector<2048x64xf32>
    %add3A_75 = arith.addf %dot_general3A_69, %dot_general3A_74 : vector<2048x64xf32>
    %get3A_76 = arith.constant 0 : index
    %get3A_77 = arith.constant 0 : index
    %get3A_78 = vector.load %arg11[%get3A_76, %get3A_77] : memref<1x64xf32, #tpu.memory_space<vmem>>, vector<1x64xf32>
    %add3A_79 = vector.broadcast %get3A_78 : vector<1x64xf32> to vector<2048x64xf32>
    %add3A_80 = arith.addf %add3A_75, %add3A_79 : vector<2048x64xf32>
    %reduce_sum3A = arith.constant dense<0.000000e+00> : vector<2048xf32>
    %reduce_sum3A_81 = vector.multi_reduction <add>, %add3A_80, %reduce_sum3A [1] : vector<2048x64xf32> to vector<2048xf32>
    %broadcast_in_dim3A_82 = vector.shape_cast %reduce_sum3A_81 : vector<2048xf32> to vector<2048x1xf32>
    %div3A = arith.constant 6.400000e+01 : f32
    %div3A_83 = vector.broadcast %div3A : f32 to vector<2048x1xf32>
    %div3A_84 = arith.divf %broadcast_in_dim3A_82, %div3A_83 : vector<2048x1xf32>
    %sub3A_85 = vector.broadcast %div3A_84 : vector<2048x1xf32> to vector<2048x64xf32>
    %sub3A_86 = arith.subf %add3A_80, %sub3A_85 : vector<2048x64xf32>
    %mul3A = arith.mulf %sub3A_86, %sub3A_86 : vector<2048x64xf32>
    %reduce_sum3A_87 = arith.constant dense<0.000000e+00> : vector<2048xf32>
    %reduce_sum3A_88 = vector.multi_reduction <add>, %mul3A, %reduce_sum3A_87 [1] : vector<2048x64xf32> to vector<2048xf32>
    %broadcast_in_dim3A_89 = vector.shape_cast %reduce_sum3A_88 : vector<2048xf32> to vector<2048x1xf32>
    %div3A_90 = arith.constant 6.400000e+01 : f32
    %div3A_91 = vector.broadcast %div3A_90 : f32 to vector<2048x1xf32>
    %div3A_92 = arith.divf %broadcast_in_dim3A_89, %div3A_91 : vector<2048x1xf32>
    %get3A_93 = arith.constant 0 : index
    %get3A_94 = arith.constant 0 : index
    %get3A_95 = vector.load %arg12[%get3A_93, %get3A_94] : memref<1x64xf32, #tpu.memory_space<vmem>>, vector<1x64xf32>
    %mul3A_96 = vector.broadcast %get3A_95 : vector<1x64xf32> to vector<2048x64xf32>
    %mul3A_97 = arith.mulf %mul3A_96, %sub3A_86 : vector<2048x64xf32>
    %add3A_98 = arith.constant 9.99999974E-6 : f32
    %add3A_99 = vector.broadcast %add3A_98 : f32 to vector<2048x1xf32>
    %add3A_100 = arith.addf %div3A_92, %add3A_99 : vector<2048x1xf32>
    %rsqrt3A = math.rsqrt %add3A_100 : vector<2048x1xf32>
    %mul3A_101 = vector.broadcast %rsqrt3A : vector<2048x1xf32> to vector<2048x64xf32>
    %mul3A_102 = arith.mulf %mul3A_97, %mul3A_101 : vector<2048x64xf32>
    %get3A_103 = arith.constant 0 : index
    %get3A_104 = arith.constant 0 : index
    %get3A_105 = vector.load %arg13[%get3A_103, %get3A_104] : memref<1x64xf32, #tpu.memory_space<vmem>>, vector<1x64xf32>
    %add3A_106 = vector.broadcast %get3A_105 : vector<1x64xf32> to vector<2048x64xf32>
    %add3A_107 = arith.addf %mul3A_102, %add3A_106 : vector<2048x64xf32>
    %max3A_108 = arith.constant 0.000000e+00 : f32
    %max3A_109 = vector.broadcast %max3A_108 : f32 to vector<2048x64xf32>
    %max3A_110 = arith.maximumf %add3A_107, %max3A_109 : vector<2048x64xf32>
    %get3A_111 = arith.constant 0 : index
    %get3A_112 = arith.constant 0 : index
    %get3A_113 = vector.load %arg14[%get3A_111, %get3A_112] : memref<64x64xf32, #tpu.memory_space<vmem>>, vector<64x64xf32>
    %dot_general3A_114 = arith.constant dense<0.000000e+00> : vector<2048x64xf32>
    %dot_general3A_115 = tpu.matmul %max3A_110, %get3A_113, %dot_general3A_114 {dimension_numbers = #tpu.dot_dimension_numbers<[1], [0], [0], [1], [0, 0, 1, 1], [], []>, transpose_lhs_hint = false} : vector<2048x64xf32>, vector<64x64xf32>, vector<2048x64xf32> -> vector<2048x64xf32>
    %get3A_116 = arith.constant 0 : index
    %get3A_117 = arith.constant 0 : index
    %get3A_118 = vector.load %arg15[%get3A_116, %get3A_117] : memref<1x64xf32, #tpu.memory_space<vmem>>, vector<1x64xf32>
    %add3A_119 = vector.broadcast %get3A_118 : vector<1x64xf32> to vector<2048x64xf32>
    %add3A_120 = arith.addf %dot_general3A_115, %add3A_119 : vector<2048x64xf32>
    %mul3A_121 = arith.mulf %add3A_120, %add3A_120 : vector<2048x64xf32>
    %reduce_sum3A_122 = arith.constant dense<0.000000e+00> : vector<2048xf32>
    %reduce_sum3A_123 = vector.multi_reduction <add>, %mul3A_121, %reduce_sum3A_122 [1] : vector<2048x64xf32> to vector<2048xf32>
    %broadcast_in_dim3A_124 = vector.shape_cast %reduce_sum3A_123 : vector<2048xf32> to vector<2048x1xf32>
    %sqrt3A = math.sqrt %broadcast_in_dim3A_124 : vector<2048x1xf32>
    %max3A_125 = arith.constant 9.99999996E-13 : f32
    %max3A_126 = vector.broadcast %max3A_125 : f32 to vector<2048x1xf32>
    %max3A_127 = arith.maximumf %sqrt3A, %max3A_126 : vector<2048x1xf32>
    %div3A_128 = arith.constant 1.000000e+00 : f32
    %div3A_129 = vector.broadcast %div3A_128 : f32 to vector<2048x1xf32>
    %div3A_130 = arith.divf %div3A_129, %max3A_127 : vector<2048x1xf32>
    %mul3A_131 = vector.broadcast %div3A_130 : vector<2048x1xf32> to vector<2048x64xf32>
    %mul3A_132 = arith.mulf %add3A_120, %mul3A_131 : vector<2048x64xf32>
    %swap3A = arith.constant 0 : index
    %swap3A_133 = arith.constant 0 : index
    %swap3A_134 = vector.load %arg16[%swap3A, %swap3A_133] : memref<2048x64xf32, #tpu.memory_space<vmem>>, vector<2048x64xf32>
    tpu.vector_store %arg16[%swap3A, %swap3A_133], %mul3A_132 {strides = array<i32>} : memref<2048x64xf32, #tpu.memory_space<vmem>>, vector<2048x64xf32>,
    return
  }
  func.func @transform_0(%arg0: i32) -> (i32, i32) {
    %c0_i32 = arith.constant 0 : i32
    %c0_i32_0 = arith.constant 0 : i32
    return %arg0, %c0_i32 : i32, i32
  }
  func.func @transform_1(%arg0: i32) -> (i32, i32) {
    %c0_i32 = arith.constant 0 : i32
    %c0_i32_0 = arith.constant 0 : i32
    return %arg0, %c0_i32 : i32, i32
  }
  func.func @transform_2(%arg0: i32) -> (i32, i32) {
    %c0_i32 = arith.constant 0 : i32
    %c0_i32_0 = arith.constant 0 : i32
    return %arg0, %c0_i32 : i32, i32
  }
  func.func @transform_3(%arg0: i32) -> (i32, i32) {
    %c0_i32 = arith.constant 0 : i32
    %c0_i32_0 = arith.constant 0 : i32
    return %arg0, %c0_i32 : i32, i32
  }
  func.func @transform_4(%arg0: i32) -> (i32, i32) {
    %c0_i32 = arith.constant 0 : i32
    %c0_i32_0 = arith.constant 0 : i32
    %c0_i32_1 = arith.constant 0 : i32
    return %c0_i32, %c0_i32_0 : i32, i32
  }
  func.func @transform_5(%arg0: i32) -> (i32, i32) {
    %c0_i32 = arith.constant 0 : i32
    %c0_i32_0 = arith.constant 0 : i32
    %c0_i32_1 = arith.constant 0 : i32
    return %c0_i32, %c0_i32_0 : i32, i32
  }
  func.func @transform_6(%arg0: i32) -> (i32, i32) {
    %c0_i32 = arith.constant 0 : i32
    %c0_i32_0 = arith.constant 0 : i32
    %c0_i32_1 = arith.constant 0 : i32
    return %c0_i32, %c0_i32_0 : i32, i32
  }
  func.func @transform_7(%arg0: i32) -> (i32, i32) {
    %c0_i32 = arith.constant 0 : i32
    %c0_i32_0 = arith.constant 0 : i32
    %c0_i32_1 = arith.constant 0 : i32
    return %c0_i32, %c0_i32_0 : i32, i32
  }
  func.func @transform_8(%arg0: i32) -> (i32, i32) {
    %c0_i32 = arith.constant 0 : i32
    %c0_i32_0 = arith.constant 0 : i32
    %c0_i32_1 = arith.constant 0 : i32
    return %c0_i32, %c0_i32_0 : i32, i32
  }
  func.func @transform_9(%arg0: i32) -> (i32, i32) {
    %c0_i32 = arith.constant 0 : i32
    %c0_i32_0 = arith.constant 0 : i32
    %c0_i32_1 = arith.constant 0 : i32
    return %c0_i32, %c0_i32_0 : i32, i32
  }
  func.func @transform_10(%arg0: i32) -> (i32, i32) {
    %c0_i32 = arith.constant 0 : i32
    %c0_i32_0 = arith.constant 0 : i32
    %c0_i32_1 = arith.constant 0 : i32
    return %c0_i32, %c0_i32_0 : i32, i32
  }
  func.func @transform_11(%arg0: i32) -> (i32, i32) {
    %c0_i32 = arith.constant 0 : i32
    %c0_i32_0 = arith.constant 0 : i32
    %c0_i32_1 = arith.constant 0 : i32
    return %c0_i32, %c0_i32_0 : i32, i32
  }
  func.func @transform_12(%arg0: i32) -> (i32, i32) {
    %c0_i32 = arith.constant 0 : i32
    %c0_i32_0 = arith.constant 0 : i32
    %c0_i32_1 = arith.constant 0 : i32
    return %c0_i32, %c0_i32_0 : i32, i32
  }
  func.func @transform_13(%arg0: i32) -> (i32, i32) {
    %c0_i32 = arith.constant 0 : i32
    %c0_i32_0 = arith.constant 0 : i32
    %c0_i32_1 = arith.constant 0 : i32
    return %c0_i32, %c0_i32_0 : i32, i32
  }
  func.func @transform_14(%arg0: i32) -> (i32, i32) {
    %c0_i32 = arith.constant 0 : i32
    %c0_i32_0 = arith.constant 0 : i32
    %c0_i32_1 = arith.constant 0 : i32
    return %c0_i32, %c0_i32_0 : i32, i32
  }
  func.func @transform_15(%arg0: i32) -> (i32, i32) {
    %c0_i32 = arith.constant 0 : i32
    %c0_i32_0 = arith.constant 0 : i32
    return %arg0, %c0_i32 : i32, i32
  }
}

</mosaic_0001>

<sc_bundles>
// kernel: kernel.5.cloned.1.call-start
scs
__scs_entry_jumppad:
0x0: {  	(pc) =	sbr.rel $0x88, $3  }
0x1: {  	(tag) =	ssettag $0x0;
	lr =	simm.s32 $0x1  }
0x2: {  	[smem:$0x3F94] =	sst lr;
	_ =	strace $0xD0000000  }
0x3: {  	_ = 	snop  }
0x4: {  	_ = 	snop  }
0x5: {  	_ = 	snop  }
0x6: {  	_ = 	snop  }
0x7: {  	_ = 	snop  }
__scs_overlays_trampoline_lowered:
0x8: {  	[smem:$0x3FA3] =	sst s0  }
0x9: {  	[smem:$0x3FA4] =	sst s1  }
0xa: {  	[smem:$0x3FA5] =	sst s2  }
0xb: {  	[smem:$0x3FA6] =	sst s3  }
0xc: {  	[smem:$0x3FA7] =	sst s4  }
0xd: {  	[smem:$0x3FA8] =	sst s5  }
0xe: {  	[smem:$0x3FA9] =	sst s6  }
0xf: {  	[smem:$0x3FAA] =	sst s7  }
0x10: {  	[smem:$0x3FAB] =	sst s8  }
0x11: {  	[smem:$0x3FAC] =	sst s9;
	s0 =	simm.s32 @!p0 $0x0  }
0x12: {  	s1 =	sld [smem:$0x3F92];
	s0 =	simm.s32 @p0 $0x1  }
0x13: {  	[smem:$0x3FAD] =	sst s0;
	s0 =	simm.s32 @!p1 $0x0  }
0x14: {  	s2 =	sld [smem:$0x3F91];
	s0 =	simm.s32 @p1 $0x1  }
0x15: {  	[smem:$0x3FAE] =	sst s0;
	s0 =	simm.s32 @!p2 $0x0  }
0x16: {  	s3 =	sld [smem:$0x3FDB];
	s0 =	simm.s32 @p2 $0x1  }
0x17: {  	s4 =	simm.s32 $0x1BF5;
	[smem:$0x3FB0] =	sst s0  }
0x18: {  	s0 =	sld [smem:$0x3F93];
	_ =	swait.ge [sflag:s4], $0x0  }
0x19: {  	s7 =	sld [smem:$0x3F94]  }
0x1a: {  	s8 =	sadd.s32 $0xFFFFE003, lr  }
0x1b: {  	s9 =	sadd.s32 $0xFFFFFEF7, lr;
	s5 =	simm.s32 $0xFFFFFFFF;
	p2 =	slt.u32 s8, $0xFFFFF086  }
0x1c: {  	p1 =	slt.u32 s9, $0xF7A;
	s5 =	simm.s32 @!p2 $0x0  }
0x1d: {  	s5 =	simm.s32 @p1 $0x1;
	p0 =	seq.s32 s7, s2  }
0x1e: {  	s7 =	smul.u32 @!p0 $0xF7A, s2;
	p2 =	seq.s32 @!p0 s5, $0x0  }
0x1f: {  	s9 =	smul.u32 $0xF7A, s1;
	s8 =	simm.s32 @!p0 $0x1BF5;
	p2 =	por !p2, p0  }
0x20: {  	[sflag:s8] =	ssyncset.s32 @!p0 $0xFFFFF086;
	s6 =	sadd.s32 @!p0 s3, s7;
	s7 =	simm.s32 @!p0 $0x108  }
0x21: {  	s3 =	sadd.s32 s3, s9;
	s6 =	sadd.s32 @!p0 $0x88, s6;
	s7 =	simm.s32 @p2 $0x1082  }
0x22: {  	[simem:s7], [sflag:s8] =	dma.local @!p0 [hbm:s6], $0xF7A  }
0x23: {  	s9 =	sor.u32 $0xD0000000, s2;
	s6 =	simm.s32 $0x108;
	_ =	swait.ge @!p0 [sflag:s8], $0x0  }
0x24: {  	s3 =	sadd.s32 $0x88, s3;
	s6 =	simm.s32 @!p1 $0x1082;
	[sflag:s4] =	ssyncset.s32 $0xFFFFF086  }
0x25: {  	[simem:s6], [sflag:s4] =	dma.local [hbm:s3], $0xF7A  }
0x26: {  	[smem:$0x3F94] =	sst s1;
	(tag) =	ssettag s2;
	_ =	strace s9  }
0x27: {  	s1 =	sld [smem:$0x3FA4]  }
0x28: {  	s2 =	sld [smem:$0x3FA5]  }
0x29: {  	s4 =	sld [smem:$0x3FA7]  }
0x2a: {  	p0 =	seq.s32 s5, $0x0;
	s5 =	sld [smem:$0x3FA8]  }
0x2b: {  	s6 =	sld [smem:$0x3FA9]  }
0x2c: {  	s7 =	sld [smem:$0x3FAA]  }
0x2d: {  	s3 =	simm.s32 $0x108;
	s8 =	sld [smem:$0x3FAB]  }
0x2e: {  	s3 =	simm.s32 @!p0 $0x1082;
	s9 =	sld [smem:$0x3FAC]  }
0x2f: {  	lr =	sadd.s32 s0, s3;
	s0 =	sld [smem:$0x3FA3]  }
0x30: {  	s3 =	sld [smem:$0x3FA6]  }
0x31: {  	[smem:$0x3FAF] =	sst s10  }
0x32: {  	s10 =	sld [smem:$0x3FAD];
	_ =	sdelay $0x3  }
0x33: {  	p0 =	seq.s32 s10, $0x1;
	s10 =	sld [smem:$0x3FAF];
	_ =	sdelay $0x3  }
0x34: {  	[smem:$0x3FAF] =	sst s10  }
0x35: {  	s10 =	sld [smem:$0x3FAE];
	_ =	sdelay $0x3  }
0x36: {  	p1 =	seq.s32 s10, $0x1;
	s10 =	sld [smem:$0x3FAF];
	_ =	sdelay $0x3  }
0x37: {  	[smem:$0x3FAF] =	sst s10  }
0x38: {  	s10 =	sld [smem:$0x3FB0]  }
0x39: {  	_ = 	snop;
	(pc) =	sbr.ind lr, $3  }
0x3a: {  	_ = 	snop  }
0x3b: {  	_ = 	snop  }
0x3c: {  	p2 =	seq.s32 s10, $0x1;
	s10 =	sld [smem:$0x3FAF]  }
0x3d: {  	_ =	shalt  }
0x3e: {  	_ =	shalt  }
0x3f: {  	_ =	shalt  }
0x40: {  	_ =	shalt  }
0x41: {  	_ =	shalt  }
0x42: {  	_ =	shalt  }
0x43: {  	_ =	shalt  }
0x44: {  	_ =	shalt  }
0x45: {  	_ =	shalt  }
0x46: {  	_ =	shalt  }
0x47: {  	_ =	shalt  }
0x48: {  	_ =	shalt  }
0x49: {  	_ =	shalt  }
0x4a: {  	_ =	shalt  }
0x4b: {  	_ =	shalt  }
0x4c: {  	_ =	shalt  }
0x4d: {  	_ =	shalt  }
0x4e: {  	_ =	shalt  }
0x4f: {  	_ =	shalt  }
0x50: {  	_ =	shalt  }
0x51: {  	_ =	shalt  }
0x52: {  	_ =	shalt  }
0x53: {  	_ =	shalt  }
0x54: {  	_ =	shalt  }
0x55: {  	_ =	shalt  }
0x56: {  	_ =	shalt  }
0x57: {  	_ =	shalt  }
0x58: {  	_ =	shalt  }
0x59: {  	_ =	shalt  }
0x5a: {  	_ =	shalt  }
0x5b: {  	_ =	shalt  }
0x5c: {  	_ =	shalt  }
0x5d: {  	_ =	shalt  }
0x5e: {  	_ =	shalt  }
0x5f: {  	_ =	shalt  }
0x60: {  	_ =	shalt  }
0x61: {  	_ =	shalt  }
0x62: {  	_ =	shalt  }
0x63: {  	_ =	shalt  }
0x64: {  	_ =	shalt  }
0x65: {  	_ =	shalt  }
0x66: {  	_ =	shalt  }
0x67: {  	_ =	shalt  }
0x68: {  	_ =	shalt  }
0x69: {  	_ =	shalt  }
0x6a: {  	_ =	shalt  }
0x6b: {  	_ =	shalt  }
0x6c: {  	_ =	shalt  }
0x6d: {  	_ =	shalt  }
0x6e: {  	_ =	shalt  }
0x6f: {  	_ =	shalt  }
0x70: {  	_ =	shalt  }
0x71: {  	_ =	shalt  }
0x72: {  	_ =	shalt  }
0x73: {  	_ =	shalt  }
0x74: {  	_ =	shalt  }
0x75: {  	_ =	shalt  }
0x76: {  	_ =	shalt  }
0x77: {  	_ =	shalt  }
0x78: {  	_ =	shalt  }
0x79: {  	_ =	shalt  }
0x7a: {  	_ =	shalt  }
0x7b: {  	_ =	shalt  }
0x7c: {  	_ =	shalt  }
0x7d: {  	_ =	shalt  }
0x7e: {  	_ =	shalt  }
0x7f: {  	_ =	shalt  }
0x80: {  	_ =	shalt  }
0x81: {  	_ =	shalt  }
0x82: {  	_ =	shalt  }
0x83: {  	_ =	shalt  }
0x84: {  	_ =	shalt  }
0x85: {  	_ =	shalt  }
0x86: {  	_ =	shalt  }
0x87: {  	_ =	shalt  }
.Lfunc_end0:
.L_simem_size_0:
called_computation_lowered:
.L_overlay_start_0:
0x88: {  	s2 =	sld [smem:$0x3FD9]  }
0x89: {  	s3 =	sld [smem:$0x3FFE];
	_ =	sdelay $0x1  }
0x8a: {  	s1 =	srdreg.scid  }
0x8b: {  	s0 =	sand.u32 $0x1, s1  }
0x8c: {  	s17 =	sshll.u32 s0, $0xA;
	s2 =	sadd.s32 s3, s2  }
0x8d: {  	s2 =	sadd.s32 s2, s17  }
0x8e: {  	[smem:$0x3FBB] =	sst s2  }
0x8f: {  	_ = 	snop  }
0x90: {  	s2 =	sld [smem:$0x3FC9];
	(tm) =	ssettm $0x1  }
0x91: {  	s18 =	sld [smem:$0x3FFB];
	_ =	sdelay $0x3  }
0x92: {  	_ =	strace s18  }
0x93: {  	s3 =	sld [smem:$0x3FFC];
	_ =	sdelay $0x3  }
0x94: {  	_ =	strace s3  }
0x95: {  	s3 =	sld [smem:$0x3FFD];
	_ =	sdelay $0x3  }
0x96: {  	_ =	strace s3  }
0x97: {  	_ =	strace $0x8FFFFFFF  }
0x98: {  	s19 =	sld [smem:$0x3FDB];
	_ =	sdelay $0x1  }
0x99: {  	s4 =	simm.s32 $_scs_section_size  }
0x9a: {  	s5 =	simm.s32 $_size__tile_overlayer_lowered;
	s6 =	simm.s32 $_tile_overlayer_lowered  }
0x9b: {  	s22 =	simm.s32 $0x1BFF;
	s21 =	sshll.u32 s6, $0x1;
	s3 =	sadd.s32 s4, s19  }
0x9c: {  	s7 =	simm.s32 $0x0;
	s20 =	sshll.u32 s5, $0x1;
	s5 =	sadd.s32 s21, s3  }
0x9d: {  	[timem:s7], [sflag:s22] =	dma.local [hbm:s5], s20  }
0x9e: {  	_ =	swait.ge [sflag:s22], s20  }
0x9f: {  	s4 =	ssub.s32 $0x0, s20;
	[sflag:s22] =	ssyncset.done $0x0  }
0xa0: {  	[sflag:s22] =	ssyncadd.s32 s4;
	_ =	sdelay $0x1  }
0xa1: {  	s23 =	simm.s32 $0x1B8B  }
0xa2: {  	_ =	swait.ge [sflag:s23], $0x1  }
0xa3: {  	[sflag:s23] =	ssyncset.done $0x0  }
0xa4: {  	s25 =	simm.s32 $0x1B8E;
	s24 =	sld [smem:$0x3FFE];
	[sflag:s23] =	ssyncadd.s32 $0xFFFFFFFF  }
0xa5: {  	s26 =	simm.s32 $execute0_lowered;
	[smem:$0x3FD2] =	sst s25  }
0xa6: {  	s5 =	sshll.u32 s26, $0x1;
	_ =	strace $0x80000046;
	[dreg:$0x1] =	wrdreg $0xFFFFFFFF  }
0xa7: {  	s28 =	simm.s32 $_size_execute0_lowered;
	s3 =	sadd.s32 s3, s5;
	[dreg:$0x0] =	wrdreg $0x0  }
0xa8: {  	s5 =	sshll.u32 s28, $0x1;
	[dreg:$0x2] =	wrdreg s3  }
0xa9: {  	[dreg:$0x3] =	wrdreg s5  }
0xaa: {  	[dreg:$0x4] =	wrdreg $0xC0  }
0xab: {  	_ =	task [dreg:s7], $0x5FFFF  }
0xac: {  	[dreg:$0x1] =	wrdreg $0xFFFFFFFF  }
0xad: {  	[dreg:$0x0] =	wrdreg $0x60  }
0xae: {  	[dreg:$0x2] =	wrdreg s24  }
0xaf: {  	[dreg:$0x3] =	wrdreg s2  }
0xb0: {  	[dreg:$0x4] =	wrdreg $0x9  }
0xb1: {  	_ =	task.clear_ibuf [dreg:s7], $0x5FFFF;
	_ =	strace $0x90000046  }
0xb2: {  	s29 =	simm.s32 $0x9;
	_ =	strace $0x80000048  }
0xb3: {  	_ =	swait.ge [sflag:s29], $0x1  }
0xb4: {  	[sflag:s29] =	ssyncadd.s32 $0xFFFFFFFF  }
0xb5: {  	_ =	strace $0x90000048  }
0xb6: {  	_ =	sfence  }
0xb7: {  	s30 =	sld [smem:$0x0];
	_ =	sdelay $0x2  }
0xb8: {  	s31 =	sshll.u32 s1, $0xD;
	s1 =	sshrl.u32 s1, $0x2  }
0xb9: {  	s3 =	sand.u32 $0x4000, s31;
	s1 =	sadd.s32 s1, s30  }
0xba: {  	s0 =	sor.u32 s3, s0;
	s1 =	sshll.u32 s1, $0x11  }
0xbb: {  	s0 =	sor.u32 s1, s0  }
0xbc: {  	s0 =	sadd.s32 $0x8F2B, s0  }
0xbd: {  	[sflag:s0] =	ssyncadd.remote.s32 $0x1  }
0xbe: {  	_ =	sfence.sel $0xFFFF  }
0xbf: {  	[dreg:$0x0] =	wrdreg $0xFFFFFFFF;
	(pc) =	sbr.abs _section_cstart, $3  }
0xc0: {  	[dreg:$0x1] =	wrdreg $0xFFFFFFFF  }
0xc1: {  	_ =	task.clear_ibuf [dreg:s7], $0x2FFFF;
	_ =	strace $0x9FFFFFFF  }
0xc2: {  	(tm) =	ssettm $0x7FFFFFFF  }
0xc3: {  	_ =	shalt  }
tec
execute0_lowered:
.L_overlay_start_1:
0x0: {  	(tag) =	ssettag $0x1  }
0x1: {  	s4 =	rddreg [dreg:$0x0]  }
0x2: {  	s5 =	rddreg [dreg:$0x1]  }
0x3: {  	s0 =	rddreg [dreg:$0x2]  }
0x4: {  	s3 =	srdreg.scid;
	s2 =	simm.s32 $0x0;
	s1 =	stileid.u32  }
0x5: {  	s9 =	simm.s32 $0x200;
	s10 =	simm.s32 $0x400;
	s11 =	simm.s32 $0x280  }
0x6: {  	s12 =	simm.s32 $0x4400;
	s13 =	simm.s32 $0x300;
	s14 =	simm.s32 $0x8400  }
0x7: {  	s15 =	simm.s32 $0x380;
	s16 =	simm.s32 $0xC400;
	s17 =	simm.s32 $0x1  }
0x8: {  	s6 =	sand.u32 $0x1, s3;
	[smem:$0x7FF] =	sst s2;
	s30 =	sshll.u32 s1, $0xA  }
0x9: {  	s3 =	sadd.s32 $0x2200, s4;
	s7 =	sshll.u32 s6, $0x9;
	s6 =	ssub.s32 $0x2, s6  }
0xa: {  	_ =	strace $0x80000047;
	s7 =	sor.u32 s7, s30;
	s31 =	sshrl.u32 s6, $0x1  }
0xb: {  	s8 =	sshll.u32 s7, $0x4;
	s7 =	sshrl.u32 s7, $0x3;
	s6 =	ssub.s32 s6, s31  }
0xc: {  	s8 =	sadd.s32 s8, s4;
	s4 =	sadd.s32 s5, s7;
	s6 =	smax.u32 s6, $0x1  }
0xd: {  	v0 =	vimm.s32 $0x0;
	s7 =	simm.s32 $0x2;
	s5 =	sadd.s32 $0x3D2200, s8;
	s8 =	simm.s32 $0x80  }
.LBB2_1:
0xe: {  	[tilespmem:s2], [sflag:$0x2] =	stream.linear.gather [hbm4b:s4+s2], $0x200, $0x38;
	[tilespmem:$0x10400] =	vst v63  }
0xf: {  	_ =	swait.ge [sflag:s7], $0x200  }
0x10: {  	[sflag:s7] =	ssyncset.done $0x0  }
0x11: {  	[sflag:s7] =	ssyncadd.s32 $0xFFFFFE00  }
0x12: {  	v1 =	vld [tilespmem:$0x0]  }
0x13: {  	v2 =	vld [tilespmem:$0x10]  }
0x14: {  	v18 =	vld [tilespmem:$0x20]  }
0x15: {  	v20 =	vld [tilespmem:$0x30];
	_ =	sdelay $0x1  }
0x16: {  	vm0 =	vgt.s32 v1, $0x3CFFF;
	vm1 =	vgt.s32 v1, $0x79FFF;
	vm10 =	vgt.s32 v1, $0xB6FFF  }
0x17: {  	vm11 =	vgt.s32 v2, $0x3CFFF;
	vm12 =	vgt.s32 v2, $0x79FFF;
	vm13 =	vgt.s32 v2, $0xB6FFF  }
0x18: {  	vm14 =	vgt.s32 v18, $0x3CFFF;
	vm15 =	vgt.s32 v18, $0x79FFF;
	vm4 =	vgt.s32 v18, $0xB6FFF  }
0x19: {  	v23 =	vld [tilespmem:$0x40];
	vm6 =	vgt.s32 v20, $0x3CFFF;
	vm7 =	vgt.s32 v20, $0x79FFF;
	vm8 =	vgt.s32 v20, $0xB6FFF  }
0x1a: {  	v27 =	vld [tilespmem:$0x50];
	v3 =	vsel vm0, $0x1, v0;
	v4 =	vsel vm1, $0x1, v0;
	v5 =	vsel vm10, $0x1, v0  }
0x1b: {  	v31 =	vld [tilespmem:$0x60];
	v19 =	vsel vm11, $0x1, v0;
	v6 =	vsel vm12, $0x1, v0;
	v7 =	vsel vm13, $0x1, v0  }
0x1c: {  	v21 =	vsel vm14, $0x1, v0;
	v22 =	vsel vm15, $0x1, v0;
	v8 =	vsel vm4, $0x1, v0  }
0x1d: {  	v24 =	vsel vm6, $0x1, v0;
	v25 =	vsel vm7, $0x1, v0;
	v9 =	vsel vm8, $0x1, v0  }
0x1e: {  	vm10 =	vgt.s32 v23, $0x3CFFF;
	vm11 =	vgt.s32 v23, $0x79FFF;
	vm12 =	vgt.s32 v23, $0xB6FFF  }
0x1f: {  	v35 =	vld [tilespmem:$0x70];
	vm14 =	vgt.s32 v27, $0x3CFFF;
	vm15 =	vgt.s32 v27, $0x79FFF;
	vm4 =	vgt.s32 v27, $0xB6FFF  }
0x20: {  	v39 =	vld [tilespmem:$0x80];
	vm6 =	vgt.s32 v31, $0x3CFFF;
	vm7 =	vgt.s32 v31, $0x79FFF;
	vm8 =	vgt.s32 v31, $0xB6FFF  }
0x21: {  	v43 =	vld [tilespmem:$0x90];
	v3 =	vadd.s32 v4, v3;
	v28 =	vsel vm10, $0x1, v0;
	v29 =	vsel vm11, $0x1, v0  }
0x22: {  	v10 =	vsel vm12, $0x1, v0;
	v32 =	vsel vm14, $0x1, v0;
	v33 =	vsel vm15, $0x1, v0  }
0x23: {  	v11 =	vsel vm4, $0x1, v0;
	v36 =	vsel vm6, $0x1, v0;
	v37 =	vsel vm7, $0x1, v0  }
0x24: {  	v12 =	vsel vm8, $0x1, v0;
	vm10 =	vgt.s32 v35, $0x3CFFF;
	vm11 =	vgt.s32 v35, $0x79FFF  }
0x25: {  	vm12 =	vgt.s32 v35, $0xB6FFF;
	vm14 =	vgt.s32 v39, $0x3CFFF;
	vm15 =	vgt.s32 v39, $0x79FFF  }
0x26: {  	v47 =	vld [tilespmem:$0xA0];
	vm4 =	vgt.s32 v39, $0xB6FFF;
	vm6 =	vgt.s32 v43, $0x3CFFF;
	vm7 =	vgt.s32 v43, $0x79FFF  }
0x27: {  	v51 =	vld [tilespmem:$0xB0];
	vm8 =	vgt.s32 v43, $0xB6FFF;
	v3 =	vadd.s32 v5, v3;
	v5 =	vadd.s32 v6, v19  }
0x28: {  	v55 =	vld [tilespmem:$0xC0];
	v6 =	vadd.s32 v22, v21;
	v40 =	vsel vm10, $0x1, v0;
	v41 =	vsel vm11, $0x1, v0  }
0x29: {  	v13 =	vsel vm12, $0x1, v0;
	v44 =	vsel vm14, $0x1, v0;
	v45 =	vsel vm15, $0x1, v0  }
0x2a: {  	v14 =	vsel vm4, $0x1, v0;
	v48 =	vsel vm6, $0x1, v0;
	v49 =	vsel vm7, $0x1, v0  }
0x2b: {  	v15 =	vsel vm8, $0x1, v0;
	vm10 =	vgt.s32 v47, $0x3CFFF;
	vm11 =	vgt.s32 v47, $0x79FFF  }
0x2c: {  	v59 =	vld [tilespmem:$0xD0];
	vm12 =	vgt.s32 v47, $0xB6FFF;
	vm14 =	vgt.s32 v51, $0x3CFFF;
	vm15 =	vgt.s32 v51, $0x79FFF  }
0x2d: {  	v63 =	vld [tilespmem:$0xE0];
	vm4 =	vgt.s32 v51, $0xB6FFF;
	vm6 =	vgt.s32 v55, $0x3CFFF;
	vm7 =	vgt.s32 v55, $0x79FFF  }
0x2e: {  	vm8 =	vgt.s32 v55, $0xB6FFF;
	v3 =	vmul.u32 $0xFFFC3000, v3;
	v52 =	vsel vm10, $0x1, v0  }
0x2f: {  	v53 =	vsel vm11, $0x1, v0;
	v16 =	vsel vm12, $0x1, v0;
	v56 =	vsel vm14, $0x1, v0  }
0x30: {  	v57 =	vsel vm15, $0x1, v0;
	v17 =	vsel vm4, $0x1, v0;
	v60 =	vsel vm6, $0x1, v0  }
0x31: {  	v61 =	vsel vm7, $0x1, v0;
	vm10 =	vgt.s32 v59, $0x3CFFF;
	vm11 =	vgt.s32 v59, $0x79FFF  }
0x32: {  	vm12 =	vgt.s32 v59, $0xB6FFF;
	vm14 =	vgt.s32 v63, $0x3CFFF;
	vm15 =	vgt.s32 v63, $0x79FFF  }
0x33: {  	vm4 =	vgt.s32 v63, $0xB6FFF;
	v21 =	vsel vm10, $0x1, v0;
	v22 =	vsel vm11, $0x1, v0  }
0x34: {  	v19 =	vsel vm12, $0x1, v0;
	v1 =	vadd.s32 v1, v3;
	v3 =	vadd.s32 v7, v5  }
0x35: {  	v7 =	vadd.s32 v25, v24;
	v25 =	vsel vm14, $0x1, v0;
	v3 =	vmul.u32 $0xFFFC3000, v3  }
0x36: {  	vm5 =	vlt.s32 v1, $0x3CFFF;
	v26 =	vadd.s32 v9, v7;
	v9 =	vadd.s32 v33, v32  }
0x37: {  	v1 =	vnsel vm5, $0x3CFFF, v1;
	v4 =	vmul.u32 $0xFFFC3000, v26;
	v34 =	vadd.s32 v11, v9  }
0x38: {  	v11 =	vadd.s32 v41, v40;
	v26 =	vsel vm15, $0x1, v0;
	v2 =	vadd.s32 v2, v3  }
0x39: {  	v3 =	vadd.s32 v8, v6;
	v8 =	vadd.s32 v29, v28;
	v6 =	vmul.u32 $0xFFFC3000, v34  }
0x3a: {  	v42 =	vadd.s32 v13, v11;
	v13 =	vadd.s32 v49, v48;
	v3 =	vmul.u32 $0xFFFC3000, v3  }
0x3b: {  	v24 =	vld [tilespmem:$0xF0];
	vm9 =	vlt.s32 v2, $0x3CFFF;
	v4 =	vadd.s32 v20, v4;
	v30 =	vadd.s32 v10, v8  }
0x3c: {  	v10 =	vadd.s32 v37, v36;
	v8 =	vmul.u32 $0xFFFC3000, v42;
	v50 =	vadd.s32 v15, v13  }
0x3d: {  	v15 =	vadd.s32 v57, v56;
	v20 =	vsel vm4, $0x1, v0;
	v2 =	vnsel vm9, $0x3CFFF, v2  }
0x3e: {  	v5 =	vmul.u32 $0xFFFC3000, v30;
	vm5 =	vlt.s32 v4, $0x3CFFF;
	v6 =	vadd.s32 v27, v6  }
0x3f: {  	v38 =	vadd.s32 v12, v10;
	v12 =	vadd.s32 v45, v44;
	v10 =	vmul.u32 $0xFFFC3000, v50  }
0x40: {  	v32 =	vld [tilespmem:$0x110];
	v58 =	vadd.s32 v17, v15;
	v17 =	vadd.s32 v22, v21;
	vm6 =	vgt.s32 v24, $0x3CFFF  }
0x41: {  	vm7 =	vgt.s32 v24, $0x79FFF;
	v3 =	vadd.s32 v18, v3;
	v4 =	vnsel vm5, $0x3CFFF, v4  }
0x42: {  	v7 =	vmul.u32 $0xFFFC3000, v38;
	v8 =	vadd.s32 v35, v8;
	v46 =	vadd.s32 v14, v12  }
0x43: {  	v14 =	vadd.s32 v53, v52;
	v12 =	vmul.u32 $0xFFFC3000, v58;
	v18 =	vsel vm8, $0x1, v0  }
0x44: {  	v29 =	vsel vm6, $0x1, v0;
	v30 =	vsel vm7, $0x1, v0;
	vm8 =	vgt.s32 v24, $0xB6FFF  }
0x45: {  	vm14 =	vgt.s32 v32, $0x3CFFF;
	vm15 =	vgt.s32 v32, $0x79FFF;
	vm4 =	vgt.s32 v32, $0xB6FFF  }
0x46: {  	vm13 =	vlt.s32 v3, $0x3CFFF;
	v5 =	vadd.s32 v23, v5;
	v9 =	vmul.u32 $0xFFFC3000, v46  }
0x47: {  	v10 =	vadd.s32 v43, v10;
	v54 =	vadd.s32 v16, v14;
	v16 =	vadd.s32 v61, v60  }
0x48: {  	v28 =	vld [tilespmem:$0x100];
	v23 =	vadd.s32 v19, v17;
	v21 =	vsel vm8, $0x1, v0;
	v19 =	vadd.s32 v30, v29  }
0x49: {  	v37 =	vsel vm14, $0x1, v0;
	v38 =	vsel vm15, $0x1, v0;
	v3 =	vnsel vm13, $0x3CFFF, v3  }
0x4a: {  	vm9 =	vlt.s32 v5, $0x3CFFF;
	vm13 =	vlt.s32 v6, $0x3CFFF;
	v7 =	vadd.s32 v31, v7  }
0x4b: {  	v11 =	vmul.u32 $0xFFFC3000, v54;
	v12 =	vadd.s32 v51, v12;
	v62 =	vadd.s32 v18, v16  }
0x4c: {  	v14 =	vmul.u32 $0xFFFC3000, v23;
	v18 =	vadd.s32 v26, v25;
	v31 =	vadd.s32 v21, v19  }
0x4d: {  	v36 =	vld [tilespmem:$0x120];
	vm10 =	vgt.s32 v28, $0x3CFFF;
	vm11 =	vgt.s32 v28, $0x79FFF;
	vm12 =	vgt.s32 v28, $0xB6FFF  }
0x4e: {  	v40 =	vld [tilespmem:$0x130];
	v23 =	vsel vm4, $0x1, v0;
	v21 =	vadd.s32 v38, v37;
	v5 =	vnsel vm9, $0x3CFFF, v5  }
0x4f: {  	v6 =	vnsel vm13, $0x3CFFF, v6;
	vm5 =	vlt.s32 v7, $0x3CFFF;
	vm9 =	vlt.s32 v8, $0x3CFFF  }
0x50: {  	v9 =	vadd.s32 v39, v9;
	v13 =	vmul.u32 $0xFFFC3000, v62;
	v27 =	vadd.s32 v20, v18  }
0x51: {  	v16 =	vmul.u32 $0xFFFC3000, v31;
	v33 =	vsel vm10, $0x1, v0;
	v34 =	vsel vm11, $0x1, v0  }
0x52: {  	v22 =	vsel vm12, $0x1, v0;
	v39 =	vadd.s32 v23, v21;
	vm6 =	vgt.s32 v36, $0x3CFFF  }
0x53: {  	vm7 =	vgt.s32 v36, $0x79FFF;
	vm8 =	vgt.s32 v36, $0xB6FFF;
	vm10 =	vgt.s32 v40, $0x3CFFF  }
0x54: {  	v44 =	vld [tilespmem:$0x140];
	vm11 =	vgt.s32 v40, $0x79FFF;
	vm12 =	vgt.s32 v40, $0xB6FFF;
	v7 =	vnsel vm5, $0x3CFFF, v7  }
0x55: {  	v50 =	vld [tilespmem:$0x160];
	v8 =	vnsel vm9, $0x3CFFF, v8;
	vm13 =	vlt.s32 v9, $0x3CFFF;
	vm5 =	vlt.s32 v10, $0x3CFFF  }
0x56: {  	v11 =	vadd.s32 v47, v11;
	v14 =	vadd.s32 v59, v14;
	v15 =	vmul.u32 $0xFFFC3000, v27  }
0x57: {  	v20 =	vadd.s32 v34, v33;
	v18 =	vmul.u32 $0xFFFC3000, v39;
	v41 =	vsel vm6, $0x1, v0  }
0x58: {  	v42 =	vsel vm7, $0x1, v0;
	v45 =	vsel vm10, $0x1, v0;
	v46 =	vsel vm11, $0x1, v0  }
0x59: {  	v25 =	vsel vm12, $0x1, v0;
	vm15 =	vgt.s32 v44, $0x3CFFF;
	vm4 =	vgt.s32 v44, $0x79FFF  }
0x5a: {  	v53 =	vld [tilespmem:$0x170];
	vm10 =	vgt.s32 v50, $0x79FFF;
	vm11 =	vgt.s32 v50, $0xB6FFF;
	v9 =	vnsel vm13, $0x3CFFF, v9  }
0x5b: {  	v10 =	vnsel vm5, $0x3CFFF, v10;
	vm9 =	vlt.s32 v11, $0x3CFFF;
	vm13 =	vlt.s32 v12, $0x3CFFF  }
0x5c: {  	v13 =	vadd.s32 v55, v13;
	v16 =	vadd.s32 v24, v16;
	v35 =	vadd.s32 v22, v20  }
0x5d: {  	v24 =	vsel vm8, $0x1, v0;
	v22 =	vadd.s32 v42, v41;
	v23 =	vadd.s32 v46, v45  }
0x5e: {  	v29 =	vld [tilespmem:$0x180];
	v49 =	vsel vm15, $0x1, v0;
	v51 =	vsel vm4, $0x1, v0;
	v55 =	vsel vm10, $0x1, v0  }
0x5f: {  	v56 =	vsel vm11, $0x1, v0;
	vm12 =	vgt.s32 v53, $0x3CFFF;
	v11 =	vnsel vm9, $0x3CFFF, v11  }
0x60: {  	v12 =	vnsel vm13, $0x3CFFF, v12;
	vm5 =	vlt.s32 v13, $0x3CFFF;
	vm9 =	vlt.s32 v14, $0x3CFFF  }
0x61: {  	v15 =	vadd.s32 v63, v15;
	v17 =	vmul.u32 $0xFFFC3000, v35;
	v18 =	vadd.s32 v32, v18  }
0x62: {  	v43 =	vadd.s32 v24, v22;
	v48 =	vadd.s32 v25, v23;
	v21 =	vadd.s32 v51, v49  }
0x63: {  	v57 =	vsel vm12, $0x1, v0;
	vm15 =	vgt.s32 v29, $0x3CFFF;
	vm4 =	vgt.s32 v29, $0x79FFF  }
0x64: {  	v13 =	vnsel vm5, $0x3CFFF, v13;
	v14 =	vnsel vm9, $0x3CFFF, v14;
	vm13 =	vlt.s32 v15, $0x3CFFF  }
0x65: {  	v47 =	vld [tilespmem:$0x150];
	vm5 =	vlt.s32 v16, $0x3CFFF;
	v19 =	vmul.u32 $0xFFFC3000, v43;
	v20 =	vmul.u32 $0xFFFC3000, v48  }
0x66: {  	v60 =	vsel vm15, $0x1, v0;
	v61 =	vsel vm4, $0x1, v0;
	v15 =	vnsel vm13, $0x3CFFF, v15  }
0x67: {  	v16 =	vnsel vm5, $0x3CFFF, v16;
	v17 =	vadd.s32 v28, v17;
	vm13 =	vlt.s32 v18, $0x3CFFF  }
0x68: {  	vm5 =	vgt.s32 v44, $0xB6FFF;
	v25 =	vadd.s32 v61, v60;
	vm9 =	vlt.s32 v17, $0x3CFFF  }
0x69: {  	v18 =	vnsel vm13, $0x3CFFF, v18;
	v19 =	vadd.s32 v36, v19;
	v20 =	vadd.s32 v40, v20  }
0x6a: {  	v30 =	vld [tilespmem:$0x190];
	v26 =	vsel vm5, $0x1, v0;
	vm6 =	vgt.s32 v47, $0x3CFFF;
	vm7 =	vgt.s32 v47, $0x79FFF  }
0x6b: {  	vm8 =	vgt.s32 v47, $0xB6FFF;
	vm13 =	vgt.s32 v53, $0x79FFF;
	vm5 =	vgt.s32 v29, $0xB6FFF  }
0x6c: {  	v17 =	vnsel vm9, $0x3CFFF, v17;
	vm14 =	vlt.s32 v19, $0x3CFFF;
	v21 =	vadd.s32 v26, v21  }
0x6d: {  	v52 =	vsel vm6, $0x1, v0;
	v27 =	vsel vm7, $0x1, v0;
	v28 =	vsel vm8, $0x1, v0  }
0x6e: {  	v63 =	vld [tilespmem:$0x1A0];
	vm9 =	vgt.s32 v50, $0x3CFFF;
	v58 =	vsel vm13, $0x1, v0;
	v62 =	vsel vm5, $0x1, v0  }
0x6f: {  	v35 =	vld [tilespmem:$0x1B0];
	vm6 =	vgt.s32 v30, $0x3CFFF;
	vm7 =	vgt.s32 v30, $0x79FFF;
	vm8 =	vgt.s32 v30, $0xB6FFF  }
0x70: {  	v19 =	vnsel vm14, $0x3CFFF, v19;
	v21 =	vmul.u32 $0xFFFC3000, v21;
	v23 =	vadd.s32 v27, v52  }
0x71: {  	v54 =	vsel vm9, $0x1, v0;
	vm14 =	vgt.s32 v53, $0xB6FFF;
	v24 =	vadd.s32 v58, v57  }
0x72: {  	v33 =	vsel vm6, $0x1, v0;
	v25 =	vadd.s32 v62, v25;
	v34 =	vsel vm7, $0x1, v0  }
0x73: {  	v31 =	vsel vm8, $0x1, v0;
	vm9 =	vlt.s32 v20, $0x3CFFF;
	vm11 =	vgt.s32 v63, $0x3CFFF  }
0x74: {  	vm12 =	vgt.s32 v63, $0x79FFF;
	vm13 =	vgt.s32 v63, $0xB6FFF;
	vm15 =	vgt.s32 v35, $0x79FFF  }
0x75: {  	vm4 =	vgt.s32 v35, $0xB6FFF;
	v23 =	vadd.s32 v28, v23;
	v27 =	vadd.s32 v55, v54  }
0x76: {  	v59 =	vsel vm14, $0x1, v0;
	v26 =	vadd.s32 v34, v33;
	v20 =	vnsel vm9, $0x3CFFF, v20  }
0x77: {  	[tilespmem:$0x220] =	vst v3;
	v36 =	vmul.u32 $0xFFFC3000, v25;
	v3 =	vsel vm11, $0x1, v0;
	v38 =	vsel vm12, $0x1, v0  }
0x78: {  	v39 =	vsel vm13, $0x1, v0;
	vm14 =	vgt.s32 v35, $0x3CFFF;
	v42 =	vsel vm15, $0x1, v0  }
0x79: {  	[tilespmem:$0x200] =	vst v1;
	v40 =	vld [tilespmem:$0x1C0];
	v43 =	vsel vm4, $0x1, v0;
	v23 =	vmul.u32 $0xFFFC3000, v23;
	v21 =	vadd.s32 v44, v21  }
0x7a: {  	[tilespmem:$0x210] =	vst v2;
	v22 =	vadd.s32 v56, v27;
	v24 =	vadd.s32 v59, v24;
	v1 =	vadd.s32 v31, v26  }
0x7b: {  	[tilespmem:$0x230] =	vst v4;
	v3 =	vadd.s32 v38, v3;
	v41 =	vsel vm14, $0x1, v0;
	v22 =	vmul.u32 $0xFFFC3000, v22  }
0x7c: {  	[tilespmem:$0x240] =	vst v5;
	v24 =	vmul.u32 $0xFFFC3000, v24;
	vm10 =	vlt.s32 v21, $0x3CFFF;
	v1 =	vmul.u32 $0xFFFC3000, v1  }
0x7d: {  	[tilespmem:$0x250] =	vst v6;
	v37 =	vadd.s32 v29, v36;
	v3 =	vadd.s32 v39, v3;
	v5 =	vadd.s32 v42, v41  }
0x7e: {  	[tilespmem:$0x260] =	vst v7;
	vm7 =	vgt.s32 v40, $0x3CFFF;
	vm8 =	vgt.s32 v40, $0x79FFF;
	vm9 =	vgt.s32 v40, $0xB6FFF  }
0x7f: {  	[tilespmem:$0x270] =	vst v8;
	v23 =	vadd.s32 v47, v23;
	v2 =	vnsel vm10, $0x3CFFF, v21;
	v5 =	vadd.s32 v43, v5  }
0x80: {  	[tilespmem:$0x280] =	vst v9;
	v54 =	vld [tilespmem:$0x1F0];
	v3 =	vmul.u32 $0xFFFC3000, v3;
	v47 =	vsel vm7, $0x1, v0;
	v48 =	vsel vm8, $0x1, v0  }
0x81: {  	[tilespmem:$0x290] =	vst v10;
	v49 =	vsel vm9, $0x1, v0;
	vm14 =	vlt.s32 v37, $0x3CFFF;
	v22 =	vadd.s32 v50, v22  }
0x82: {  	[tilespmem:$0x2A0] =	vst v11;
	v44 =	vld [tilespmem:$0x1D0];
	v24 =	vadd.s32 v53, v24;
	v1 =	vadd.s32 v30, v1;
	vm5 =	vlt.s32 v23, $0x3CFFF  }
0x83: {  	[tilespmem:$0x2B0] =	vst v12;
	v5 =	vmul.u32 $0xFFFC3000, v5;
	v9 =	vadd.s32 v48, v47;
	v4 =	vnsel vm14, $0x3CFFF, v37  }
0x84: {  	[tilespmem:$0x2C0] =	vst v13;
	v45 =	vnsel vm5, $0x3CFFF, v23;
	vm6 =	vlt.s32 v22, $0x3CFFF;
	v3 =	vadd.s32 v63, v3  }
0x85: {  	[tilespmem:$0x2D0] =	vst v14;
	v9 =	vadd.s32 v49, v9;
	vm13 =	vlt.s32 v24, $0x3CFFF;
	vm7 =	vgt.s32 v54, $0x79FFF  }
0x86: {  	[tilespmem:$0x2E0] =	vst v15;
	vm8 =	vgt.s32 v54, $0xB6FFF;
	vm9 =	vlt.s32 v1, $0x3CFFF;
	v46 =	vnsel vm6, $0x3CFFF, v22  }
0x87: {  	[tilespmem:$0x2F0] =	vst v16;
	v5 =	vadd.s32 v35, v5;
	vm10 =	vgt.s32 v44, $0x3CFFF;
	vm11 =	vgt.s32 v44, $0x79FFF  }
0x88: {  	[tilespmem:$0x310] =	vst v18;
	v50 =	vld [tilespmem:$0x1E0];
	vm12 =	vgt.s32 v44, $0xB6FFF;
	v55 =	vnsel vm13, $0x3CFFF, v24;
	v9 =	vmul.u32 $0xFFFC3000, v9  }
0x89: {  	[tilespmem:$0x300] =	vst v17;
	vm6 =	vgt.s32 v54, $0x3CFFF;
	v61 =	vsel vm7, $0x1, v0;
	v62 =	vsel vm8, $0x1, v0  }
0x8a: {  	[tilespmem:$0x320] =	vst v19;
	v1 =	vnsel vm9, $0x3CFFF, v1;
	v51 =	vsel vm10, $0x1, v0;
	v52 =	vsel vm11, $0x1, v0  }
0x8b: {  	[tilespmem:$0x330] =	vst v20;
	v53 =	vsel vm12, $0x1, v0;
	v60 =	vsel vm6, $0x1, v0;
	vm10 =	vlt.s32 v3, $0x3CFFF  }
0x8c: {  	[tilespmem:$0x340] =	vst v2;
	vm11 =	vlt.s32 v5, $0x3CFFF;
	v10 =	vadd.s32 v52, v51;
	v9 =	vadd.s32 v40, v9  }
0x8d: {  	[tilespmem:$0x380] =	vst v4;
	v7 =	vadd.s32 v61, v60;
	vm15 =	vgt.s32 v50, $0x3CFFF;
	vm4 =	vgt.s32 v50, $0x79FFF  }
0x8e: {  	[tilespmem:$0x350] =	vst v45;
	vm5 =	vgt.s32 v50, $0xB6FFF;
	v56 =	vsel vm15, $0x1, v0;
	v57 =	vsel vm4, $0x1, v0  }
0x8f: {  	[tilespmem:$0x360] =	vst v46;
	v10 =	vadd.s32 v53, v10;
	v58 =	vsel vm5, $0x1, v0;
	v59 =	vadd.s32 v57, v56  }
0x90: {  	[tilespmem:$0x390] =	vst v1;
	v1 =	vnsel vm10, $0x3CFFF, v3;
	v10 =	vmul.u32 $0xFFFC3000, v10;
	v6 =	vadd.s32 v58, v59  }
0x91: {  	v63 =	vadd.s32 v62, v7;
	[tilespmem:$0x3A0] =	vst v1;
	v1 =	vnsel vm11, $0x3CFFF, v5;
	v3 =	vmul.u32 $0xFFFC3000, v6  }
0x92: {  	[tilespmem:$0x370] =	vst v55;
	vm12 =	vlt.s32 v9, $0x3CFFF;
	v4 =	vmul.u32 $0xFFFC3000, v63;
	v2 =	vadd.s32 v44, v10  }
0x93: {  	[tilespmem:$0x3B0] =	vst v1;
	vm13 =	vlt.s32 v2, $0x3CFFF;
	v1 =	vadd.s32 v50, v3;
	v3 =	vnsel vm12, $0x3CFFF, v9  }
0x94: {  	v2 =	vnsel vm13, $0x3CFFF, v2;
	[tilespmem:$0x3C0] =	vst v3;
	v3 =	vadd.s32 v54, v4;
	vm14 =	vlt.s32 v1, $0x3CFFF  }
0x95: {  	[tilespmem:$0x3D0] =	vst v2;
	v1 =	vnsel vm14, $0x3CFFF, v1;
	vm15 =	vlt.s32 v3, $0x3CFFF  }
0x96: {  	[tilespmem:$0x3E0] =	vst v1;
	v1 =	vnsel vm15, $0x3CFFF, v3  }
0x97: {  	[tilespmem:$0x3F0] =	vst v1  }
0x98: {  	[tilespmem:s10], [sflag:$0x1] =	stream.indirect.gather [hbm4b:s3+s8], $0x80, s9, s8, $0xb8;
	[tilespmem:$0x10400] =	vst v63  }
0x99: {  	_ = 	snop  }
0x9a: {  	[tilespmem:s12], [sflag:$0x1] =	stream.indirect.gather [hbm4b:s3+s8], $0x80, s11, s8, $0xb8;
	[tilespmem:$0x10400] =	vst v63  }
0x9b: {  	_ = 	snop  }
0x9c: {  	[tilespmem:s14], [sflag:$0x1] =	stream.indirect.gather [hbm4b:s3+s8], $0x80, s13, s8, $0xb8;
	[tilespmem:$0x10400] =	vst v63  }
0x9d: {  	_ = 	snop  }
0x9e: {  	[tilespmem:s16], [sflag:$0x1] =	stream.indirect.gather [hbm4b:s3+s8], $0x80, s15, s8, $0xb8;
	[tilespmem:$0x10400] =	vst v63  }
0x9f: {  	_ =	swait.ge [sflag:s17], $0x4000  }
0xa0: {  	[sflag:s17] =	ssyncset.done $0x0  }
0xa1: {  	[sflag:s17] =	ssyncadd.s32 $0xFFFFC000  }
0xa2: {  	_ =	swait.ge [sflag:s17], $0x4000  }
0xa3: {  	[sflag:s17] =	ssyncset.done $0x0  }
0xa4: {  	[sflag:s17] =	ssyncadd.s32 $0xFFFFC000  }
0xa5: {  	_ =	swait.ge [sflag:s17], $0x4000  }
0xa6: {  	[sflag:s17] =	ssyncset.done $0x0  }
0xa7: {  	[sflag:s17] =	ssyncadd.s32 $0xFFFFC000  }
0xa8: {  	_ =	swait.ge [sflag:s17], $0x4000  }
0xa9: {  	p0 =	sne.s32 s6, $0x1;
	[sflag:s17] =	ssyncset.done $0x0  }
.Ltmp0:
0xaa: {  	[sflag:s17] =	ssyncadd.s32 $0xFFFFC000;
	(pc) =	sbr.rel @p0 .LBB2_1-.Ltmp0, $4  }
0xab: {  	[hbm4b:s5+s2] =	stream.linear.scatter [tilespmem:s10], [sflag:$0x2], $0x10000, $0x38;
	[tilespmem:$0x10400] =	vst v63  }
0xac: {  	_ =	swait.ge [sflag:s7], $0x10000  }
0xad: {  	[sflag:s7] =	ssyncset.done $0x0  }
0xae: {  	s6 =	sadd.s32 $0xFFFFFFFF, s6;
	[sflag:s7] =	ssyncadd.s32 $0xFFFF0000  }
0xaf: {  	_ =	sfence.sel $0x180000  }
0xb0: {  	[bflag:$0x0] =	sbarrier.arrive $0xFFFF  }
0xb1: {  	p0 =	sne.s32 s1, $0x0;
	_ =	strace $0x90000047  }
0xb2: {  	s0 =	sadd.s32 @!p0 $0x100000, s0;
	[bflag:$0x2] =	sbarrier.arrive $0xFFFF  }
0xb3: {  	[sflag:s0] =	ssyncadd.tile.s32 @!p0 $0x1;
	_ =	shalt  }
.Lfunc_end2:
_tile_overlayer_lowered:
.L_overlay_start_2:
0xb4: {  	(tag) =	ssettag $0x2  }
0xb5: {  	s0 =	rddreg [dreg:$0x0];
	s2 =	stileid.u32  }
0xb6: {  	s1 =	rddreg [dreg:$0x1];
	p0 =	sne.s32 s2, $0x0  }
0xb7: {  	s3 =	rddreg [dreg:$0x2];
	[bflag:$0x3] =	sbarrier.arrive $0xFFFF;
	s2 =	simm.s32 @!p0 $0x1C02  }
0xb8: {  	[timem:s3], [sflag:s2] =	dma.local @!p0 [hbm:s0], s1  }
0xb9: {  	s0 =	simm.s32 @!p0 $0x2  }
0xba: {  	_ =	swait.ge @!p0 [sflag:s0], s1  }
0xbb: {  	s1 =	ssub.s32 @!p0 $0x0, s1;
	[sflag:s0] =	ssyncset.done @!p0 $0x0  }
0xbc: {  	[sflag:s0] =	ssyncadd.s32 @!p0 s1  }
0xbd: {  	[bflag:$0x3] =	sbarrier.arrive $0xFFFF  }
0xbe: {  	_ =	shalt  }

</sc_bundles>
